<compile_context>
chip_gen: v7x
topology: tpu7x:2x2x1
jax: 0.10.2.dev20260603
libtpu: 0.0.44.dev20260713+nightly
codegen_flags: <defaults>
</compile_context>

<pallas_src>
import functools

import jax
import jax.numpy as jnp
from jax import lax
from jax.experimental import pallas as pl
from jax.experimental.pallas import tpu as pltpu
from jax.experimental.pallas import tpu_sc as plsc

_B, _N, _D, _K, _C = 64, 512, 128, 512, 11
_BB = 8
_R = _BB * _N

_NC, _NS, _L = 2, 16, 16
_NW = _NC * _NS
_BPW = _B // _NW


def _idx_rows(des, cneg, cnorm, kkf):
    dnorm = jnp.sum(des * des, axis=-1, keepdims=True)
    dot = lax.dot_general(des, cneg, (((1,), (1,)), ((), ())))
    d2 = (dnorm + dot) + cnorm
    m = jnp.min(d2, axis=-1, keepdims=True)
    idxf = jnp.min(jnp.where(d2 == m, kkf, float(_K)), axis=-1, keepdims=True)
    return idxf.astype(jnp.int32).reshape(_BB, _N)


def _tc1_body(da_ref, dg_ref, ca_ref, cg_ref, ia_ref, ig_ref,
              cneg_ref, cnorm_ref, kkf_ref):
    b = pl.program_id(0)

    @pl.when(b == 0)
    def _():
        ca = ca_ref[...]
        cg = cg_ref[...]
        cneg_ref[0] = -2.0 * ca
        cneg_ref[1] = -2.0 * cg
        cnorm_ref[0, :] = jnp.sum(ca * ca, axis=-1)
        cnorm_ref[1, :] = jnp.sum(cg * cg, axis=-1)
        kkf_ref[...] = lax.broadcasted_iota(
            jnp.int32, (1, _K), 1).astype(jnp.float32)

    kkf = kkf_ref[...]
    ia_ref[...] = _idx_rows(da_ref[...].reshape(_R, _D), cneg_ref[0],
                            cnorm_ref[0, :][None, :], kkf)
    ig_ref[...] = _idx_rows(dg_ref[...].reshape(_R, _D), cneg_ref[1],
                            cnorm_ref[1, :][None, :], kkf)


def _tc1(des_a, des_g, ca, cg):
    return pl.pallas_call(
        _tc1_body,
        grid=(_B // _BB,),
        in_specs=[
            pl.BlockSpec((_BB, _N, _D), lambda b: (b, 0, 0)),
            pl.BlockSpec((_BB, _N, _D), lambda b: (b, 0, 0)),
            pl.BlockSpec((_K, _D), lambda b: (0, 0)),
            pl.BlockSpec((_K, _D), lambda b: (0, 0)),
        ],
        out_specs=[
            pl.BlockSpec((_BB, _N), lambda b: (b, 0)),
            pl.BlockSpec((_BB, _N), lambda b: (b, 0)),
        ],
        out_shape=[
            jax.ShapeDtypeStruct((_B, _N), jnp.int32),
            jax.ShapeDtypeStruct((_B, _N), jnp.int32),
        ],
        scratch_shapes=[
            pltpu.VMEM((2, _K, _D), jnp.float32),
            pltpu.VMEM((2, _K), jnp.float32),
            pltpu.VMEM((1, _K), jnp.float32),
        ],
        compiler_params=pltpu.CompilerParams(
            dimension_semantics=("arbitrary",),
        ),
    )(des_a, des_g, ca, cg)


def _sc_hist(idxa, idxg):
    mesh = plsc.VectorSubcoreMesh(core_axis_name="c", subcore_axis_name="s")

    @functools.partial(
        pl.kernel, mesh=mesh,
        out_type=jax.ShapeDtypeStruct((_B, 2 * _K), jnp.float32),
        scratch_types=[
            pltpu.VMEM((_N,), jnp.int32),
            pltpu.VMEM((_L * _K,), jnp.float32),
            pltpu.VMEM((_K,), jnp.float32),
        ],
        compiler_params=pltpu.CompilerParams(needs_layout_passes=False),
    )
    def k(ia_hbm, ig_hbm, out_hbm, idx_v, hl_v, hist_v):
        wid = lax.axis_index("s") * _NC + lax.axis_index("c")
        lane = jnp.arange(_L, dtype=jnp.int32)
        base = lane * _K
        ones = jnp.full((_L,), 1.0 / _N, dtype=jnp.float32)

        for u in range(2 * _BPW):
            bb = wid * _BPW + (u % _BPW)
            src = ia_hbm if u < _BPW else ig_hbm
            col0 = 0 if u < _BPW else _K

            pltpu.sync_copy(src.at[bb], idx_v)

            def zero_body(i, _):
                hl_v[pl.ds(i * _L, _L)] = jnp.zeros((_L,), jnp.float32)
                return _
            lax.fori_loop(0, _L * _K // _L, zero_body, 0, unroll=8)

            for i in range(_N // _L):
                vec = idx_v[pl.ds(i * _L, _L)]
                plsc.addupdate_scatter(hl_v, [base + vec], ones)

            def red_body(j, _):
                acc = hl_v[pl.ds(j * _L, _L)]
                for l in range(1, _L):
                    acc = acc + hl_v[pl.ds(l * _K + j * _L, _L)]
                hist_v[pl.ds(j * _L, _L)] = acc
                return _
            lax.fori_loop(0, _K // _L, red_body, 0)

            pltpu.sync_copy(hist_v, out_hbm.at[bb, pl.ds(col0, _K)])

    return k(idxa, idxg)


def _tc2_body(hist_ref, w1_ref, b1_ref, w2_ref, b2_ref, out_ref):
    h = lax.dot_general(hist_ref[...], w1_ref[...], (((1,), (1,)), ((), ())))
    h = jnp.maximum(h + b1_ref[...][None, :], 0.0)
    logits = lax.dot_general(h, w2_ref[...], (((1,), (1,)), ((), ())))
    out_ref[...] = logits + b2_ref[...][None, :]


def _tc2(hist, W1, b1, W2, b2):
    return pl.pallas_call(
        _tc2_body,
        out_shape=jax.ShapeDtypeStruct((_B, _C), jnp.float32),
    )(hist, W1, b1, W2, b2)


def kernel(des_a, des_g, centroids_a, centroids_g, W1, b1, W2, b2):
    idxa, idxg = _tc1(des_a, des_g, centroids_a, centroids_g)
    hist = _sc_hist(idxa, idxg)
    return _tc2(hist, W1, b1, W2, b2)

# --- scband reference (transcript-rebuilt; emitter-appended) ---
"""Pipeline reference for scband-bo-fmodel-39513699123726 (READ-ONLY COPY).

The authoritative reference and input builder live on the scoring server;
editing this copy changes nothing except your own understanding.
"""

import jax, jax.numpy as jnp
import numpy as np

B, N, D = 64, 512, 128
K = 512          # feature_dim -> kmeans codebook size
NUM_CLASSES = 11


def setup_inputs(seed: int = 0) -> dict:
    key = jax.random.key(seed)
    k = jax.random.split(key, 8)
    des_a = jax.random.normal(k[0], (B, N, D), dtype=jnp.float32)
    des_g = jax.random.normal(k[1], (B, N, D), dtype=jnp.float32)
    centroids_a = jax.random.normal(k[2], (K, D), dtype=jnp.float32)
    centroids_g = jax.random.normal(k[3], (K, D), dtype=jnp.float32)
    # Classifier(2*feature_dim, num_classes): Linear(1024, 512) -> ReLU -> Linear(512, 11)
    W1 = jax.random.normal(k[4], (K, 2 * K), dtype=jnp.float32) * 0.02
    b1 = jnp.zeros((K,), dtype=jnp.float32)
    W2 = jax.random.normal(k[5], (NUM_CLASSES, K), dtype=jnp.float32) * 0.02
    b2 = jnp.zeros((NUM_CLASSES,), dtype=jnp.float32)
    return {"des_a": des_a, "des_g": des_g, "centroids_a": centroids_a,
            "centroids_g": centroids_g, "W1": W1, "b1": b1, "W2": W2, "b2": b2}


def _bof_histogram(des, centroids):
    # des: [B, N, D], centroids: [K, D]
    # kmeans.predict == nearest centroid by squared L2
    d2 = (jnp.sum(des * des, axis=-1, keepdims=True)
          - 2.0 * jnp.einsum('bnd,kd->bnk', des, centroids)
          + jnp.sum(centroids * centroids, axis=-1))  # [B, N, K]
    idx = jnp.argmin(d2, axis=-1)  # [B, N]
    b, n = idx.shape
    kk = centroids.shape[0]
    # histo[idx] += 1 / nkp
    hist = jnp.zeros((b, kk), dtype=des.dtype)
    hist = hist.at[jnp.arange(b)[:, None], idx].add(1.0 / n)
    return hist


def reference(des_a, des_g, centroids_a, centroids_g, W1, b1, W2, b2):
    histo_a = _bof_histogram(des_a, centroids_a)   # [B, K]
    histo_g = _bof_histogram(des_g, centroids_g)   # [B, K]
    histo = jnp.concatenate([histo_a, histo_g], axis=-1)  # [B, 2K]
    h = jax.nn.relu(histo @ W1.T + b1)
    logits = h @ W2.T + b2
    return logits

if __name__ == "__main__":
    import jax
    _d = setup_inputs()
    print(jax.jit(kernel)(*tuple(_d.values())))

</pallas_src>

<mosaic_0001>
#map = affine_map<(d0, d1) -> (0, 0)>
module attributes {stable_mosaic.version = 14 : i64} {
  func.func @k(%arg0: i32, %arg1: i32, %arg2: memref<64x512xi32, #tpu.memory_space<hbm>>, %arg3: memref<64x512xi32, #tpu.memory_space<hbm>>, %arg4: memref<64x1024xf32, #tpu.memory_space<hbm>>, %arg5: memref<512xi32, #tpu.memory_space<vmem>>, %arg6: memref<8192xf32, #tpu.memory_space<vmem>>, %arg7: memref<512xf32, #tpu.memory_space<vmem>>) attributes {dimension_semantics = [#tpu.dimension_semantics<core_parallel>, #tpu.dimension_semantics<subcore_parallel>], iteration_bounds = array<i64: 2, 16>, scalar_prefetch = 0 : i64, scratch_operands = 3 : i64, tpu.core_type = #tpu.core_type<sc_vector_subcore>, window_params = [{transform_indices = #map}, {transform_indices = #map}, {transform_indices = #map}]} {
    %mul3A = arith.constant 2 : i32
    %mul3A_0 = arith.muli %arg1, %mul3A : i32
    %add3A = arith.addi %mul3A_0, %arg0 : i32
    %iota3A = tpu.iota {dimensions = array<i32: 0>} : vector<16xi32>
    %mul3A_1 = arith.constant 512 : i32
    %mul3A_2 = vector.broadcast %mul3A_1 : i32 to vector<16xi32>
    %mul3A_3 = arith.muli %iota3A, %mul3A_2 : vector<16xi32>
    %broadcast_in_dim3A = arith.constant 0.001953125 : f32
    %broadcast_in_dim3A_4 = vector.broadcast %broadcast_in_dim3A : f32 to vector<16xf32>
    %mul3A_5 = arith.constant 2 : i32
    %mul3A_6 = arith.muli %add3A, %mul3A_5 : i32
    %add3A_7 = arith.constant 0 : i32
    %add3A_8 = arith.addi %mul3A_6, %add3A_7 : i32
    "tpu.region"() ({
      %run_scoped3A = tpu.sem_alloc : memref<!tpu.dma_semaphore, #tpu.memory_space<semaphore_mem>>
      %dma_start3A = arith.constant 0 : i32
      %dma_start3A_451 = tpu.memref_slice %arg2[%add3A_8, %dma_start3A] : memref<64x512xi32, #tpu.memory_space<hbm>> -> memref<1x512xi32, #tpu.memory_space<hbm>>
      %dma_start3A_452 = tpu.memref_squeeze %dma_start3A_451 : memref<1x512xi32, #tpu.memory_space<hbm>> -> memref<512xi32, #tpu.memory_space<hbm>>
      %dma_start3A_453 = arith.constant 0 : i32
      %dma_start3A_454 = tpu.memref_slice %arg2[%add3A_8, %dma_start3A_453] : memref<64x512xi32, #tpu.memory_space<hbm>> -> memref<1x512xi32, #tpu.memory_space<hbm>>
      %dma_start3A_455 = tpu.memref_squeeze %dma_start3A_454 : memref<1x512xi32, #tpu.memory_space<hbm>> -> memref<512xi32, #tpu.memory_space<hbm>>
      tpu.enqueue_dma source(%dma_start3A_455 : memref<512xi32, #tpu.memory_space<hbm>>) target(%arg5 : memref<512xi32, #tpu.memory_space<vmem>>) target_semaphore(%run_scoped3A : memref<!tpu.dma_semaphore, #tpu.memory_space<semaphore_mem>>)
      %dma_wait3A = arith.constant 0 : i32
      %dma_wait3A_456 = tpu.memref_slice %arg2[%add3A_8, %dma_wait3A] : memref<64x512xi32, #tpu.memory_space<hbm>> -> memref<1x512xi32, #tpu.memory_space<hbm>>
      %dma_wait3A_457 = tpu.memref_squeeze %dma_wait3A_456 : memref<1x512xi32, #tpu.memory_space<hbm>> -> memref<512xi32, #tpu.memory_space<hbm>>
      %dma_wait3A_458 = arith.constant 0 : i32
      %dma_wait3A_459 = tpu.memref_slice %arg2[%add3A_8, %dma_wait3A_458] : memref<64x512xi32, #tpu.memory_space<hbm>> -> memref<1x512xi32, #tpu.memory_space<hbm>>
      %dma_wait3A_460 = tpu.memref_squeeze %dma_wait3A_459 : memref<1x512xi32, #tpu.memory_space<hbm>> -> memref<512xi32, #tpu.memory_space<hbm>>
      tpu.wait_dma2 semaphore(%run_scoped3A : memref<!tpu.dma_semaphore, #tpu.memory_space<semaphore_mem>>) src(%dma_wait3A_460 : memref<512xi32, #tpu.memory_space<hbm>>) dst(%arg5 : memref<512xi32, #tpu.memory_space<vmem>>)
      tpu.yield
    }) : () -> ()
    %scan3A = arith.constant 0 : i32
    %scan3A_9 = arith.constant 0 : i32
    %scan3A_10 = arith.constant 512 : i32
    %scan3A_11 = arith.addi %scan3A_9, %scan3A_10 : i32
    %scan3A_12 = arith.constant 8 : i32
    scf.for %scan3A_451 = %scan3A_9 to %scan3A_11 step %scan3A_12  : i32 {
      %broadcast_in_dim3A_452 = arith.constant 0.000000e+00 : f32
      %broadcast_in_dim3A_453 = vector.broadcast %broadcast_in_dim3A_452 : f32 to vector<16xf32>
      %mul3A_454 = arith.constant 16 : i32
      %mul3A_455 = arith.muli %scan3A_451, %mul3A_454 : i32
      %swap3A = arith.index_cast %mul3A_455 : i32 to index
      %swap3A_456 = tpu.vector_load %arg6[%swap3A] {strides = array<i32>} : memref<8192xf32, #tpu.memory_space<vmem>>, vector<16xf32>,
      tpu.vector_store %arg6[%swap3A], %broadcast_in_dim3A_453 {strides = array<i32>} : memref<8192xf32, #tpu.memory_space<vmem>>, vector<16xf32>,
      %scan3A_457 = arith.constant 1 : i32
      %scan3A_458 = arith.addi %scan3A_451, %scan3A_457 : i32
      %broadcast_in_dim3A_459 = arith.constant 0.000000e+00 : f32
      %broadcast_in_dim3A_460 = vector.broadcast %broadcast_in_dim3A_459 : f32 to vector<16xf32>
      %mul3A_461 = arith.constant 16 : i32
      %mul3A_462 = arith.muli %scan3A_458, %mul3A_461 : i32
      %swap3A_463 = arith.index_cast %mul3A_462 : i32 to index
      %swap3A_464 = tpu.vector_load %arg6[%swap3A_463] {strides = array<i32>} : memref<8192xf32, #tpu.memory_space<vmem>>, vector<16xf32>,
      tpu.vector_store %arg6[%swap3A_463], %broadcast_in_dim3A_460 {strides = array<i32>} : memref<8192xf32, #tpu.memory_space<vmem>>, vector<16xf32>,
      %scan3A_465 = arith.constant 2 : i32
      %scan3A_466 = arith.addi %scan3A_451, %scan3A_465 : i32
      %broadcast_in_dim3A_467 = arith.constant 0.000000e+00 : f32
      %broadcast_in_dim3A_468 = vector.broadcast %broadcast_in_dim3A_467 : f32 to vector<16xf32>
      %mul3A_469 = arith.constant 16 : i32
      %mul3A_470 = arith.muli %scan3A_466, %mul3A_469 : i32
      %swap3A_471 = arith.index_cast %mul3A_470 : i32 to index
      %swap3A_472 = tpu.vector_load %arg6[%swap3A_471] {strides = array<i32>} : memref<8192xf32, #tpu.memory_space<vmem>>, vector<16xf32>,
      tpu.vector_store %arg6[%swap3A_471], %broadcast_in_dim3A_468 {strides = array<i32>} : memref<8192xf32, #tpu.memory_space<vmem>>, vector<16xf32>,
      %scan3A_473 = arith.constant 3 : i32
      %scan3A_474 = arith.addi %scan3A_451, %scan3A_473 : i32
      %broadcast_in_dim3A_475 = arith.constant 0.000000e+00 : f32
      %broadcast_in_dim3A_476 = vector.broadcast %broadcast_in_dim3A_475 : f32 to vector<16xf32>
      %mul3A_477 = arith.constant 16 : i32
      %mul3A_478 = arith.muli %scan3A_474, %mul3A_477 : i32
      %swap3A_479 = arith.index_cast %mul3A_478 : i32 to index
      %swap3A_480 = tpu.vector_load %arg6[%swap3A_479] {strides = array<i32>} : memref<8192xf32, #tpu.memory_space<vmem>>, vector<16xf32>,
      tpu.vector_store %arg6[%swap3A_479], %broadcast_in_dim3A_476 {strides = array<i32>} : memref<8192xf32, #tpu.memory_space<vmem>>, vector<16xf32>,
      %scan3A_481 = arith.constant 4 : i32
      %scan3A_482 = arith.addi %scan3A_451, %scan3A_481 : i32
      %broadcast_in_dim3A_483 = arith.constant 0.000000e+00 : f32
      %broadcast_in_dim3A_484 = vector.broadcast %broadcast_in_dim3A_483 : f32 to vector<16xf32>
      %mul3A_485 = arith.constant 16 : i32
      %mul3A_486 = arith.muli %scan3A_482, %mul3A_485 : i32
      %swap3A_487 = arith.index_cast %mul3A_486 : i32 to index
      %swap3A_488 = tpu.vector_load %arg6[%swap3A_487] {strides = array<i32>} : memref<8192xf32, #tpu.memory_space<vmem>>, vector<16xf32>,
      tpu.vector_store %arg6[%swap3A_487], %broadcast_in_dim3A_484 {strides = array<i32>} : memref<8192xf32, #tpu.memory_space<vmem>>, vector<16xf32>,
      %scan3A_489 = arith.constant 5 : i32
      %scan3A_490 = arith.addi %scan3A_451, %scan3A_489 : i32
      %broadcast_in_dim3A_491 = arith.constant 0.000000e+00 : f32
      %broadcast_in_dim3A_492 = vector.broadcast %broadcast_in_dim3A_491 : f32 to vector<16xf32>
      %mul3A_493 = arith.constant 16 : i32
      %mul3A_494 = arith.muli %scan3A_490, %mul3A_493 : i32
      %swap3A_495 = arith.index_cast %mul3A_494 : i32 to index
      %swap3A_496 = tpu.vector_load %arg6[%swap3A_495] {strides = array<i32>} : memref<8192xf32, #tpu.memory_space<vmem>>, vector<16xf32>,
      tpu.vector_store %arg6[%swap3A_495], %broadcast_in_dim3A_492 {strides = array<i32>} : memref<8192xf32, #tpu.memory_space<vmem>>, vector<16xf32>,
      %scan3A_497 = arith.constant 6 : i32
      %scan3A_498 = arith.addi %scan3A_451, %scan3A_497 : i32
      %broadcast_in_dim3A_499 = arith.constant 0.000000e+00 : f32
      %broadcast_in_dim3A_500 = vector.broadcast %broadcast_in_dim3A_499 : f32 to vector<16xf32>
      %mul3A_501 = arith.constant 16 : i32
      %mul3A_502 = arith.muli %scan3A_498, %mul3A_501 : i32
      %swap3A_503 = arith.index_cast %mul3A_502 : i32 to index
      %swap3A_504 = tpu.vector_load %arg6[%swap3A_503] {strides = array<i32>} : memref<8192xf32, #tpu.memory_space<vmem>>, vector<16xf32>,
      tpu.vector_store %arg6[%swap3A_503], %broadcast_in_dim3A_500 {strides = array<i32>} : memref<8192xf32, #tpu.memory_space<vmem>>, vector<16xf32>,
      %scan3A_505 = arith.constant 7 : i32
      %scan3A_506 = arith.addi %scan3A_451, %scan3A_505 : i32
      %broadcast_in_dim3A_507 = arith.constant 0.000000e+00 : f32
      %broadcast_in_dim3A_508 = vector.broadcast %broadcast_in_dim3A_507 : f32 to vector<16xf32>
      %mul3A_509 = arith.constant 16 : i32
      %mul3A_510 = arith.muli %scan3A_506, %mul3A_509 : i32
      %swap3A_511 = arith.index_cast %mul3A_510 : i32 to index
      %swap3A_512 = tpu.vector_load %arg6[%swap3A_511] {strides = array<i32>} : memref<8192xf32, #tpu.memory_space<vmem>>, vector<16xf32>,
      tpu.vector_store %arg6[%swap3A_511], %broadcast_in_dim3A_508 {strides = array<i32>} : memref<8192xf32, #tpu.memory_space<vmem>>, vector<16xf32>,
    }
    %scan3A_13 = arith.constant 512 : i32
    %get3A = arith.constant 0 : index
    %get3A_14 = tpu.vector_load %arg5[%get3A] {strides = array<i32>} : memref<512xi32, #tpu.memory_space<vmem>>, vector<16xi32>,
    %add3A_15 = arith.addi %mul3A_3, %get3A_14 : vector<16xi32>
    tpu.vector_store_idx %arg6[%add3A_15], %broadcast_in_dim3A_4 {add = true} : memref<8192xf32, #tpu.memory_space<vmem>>[vector<16xi32>], vector<16xf32>,
    %get3A_16 = arith.constant 16 : index
    %get3A_17 = tpu.vector_load %arg5[%get3A_16] {strides = array<i32>} : memref<512xi32, #tpu.memory_space<vmem>>, vector<16xi32>,
    %add3A_18 = arith.addi %mul3A_3, %get3A_17 : vector<16xi32>
    tpu.vector_store_idx %arg6[%add3A_18], %broadcast_in_dim3A_4 {add = true} : memref<8192xf32, #tpu.memory_space<vmem>>[vector<16xi32>], vector<16xf32>,
    %get3A_19 = arith.constant 32 : index
    %get3A_20 = tpu.vector_load %arg5[%get3A_19] {strides = array<i32>} : memref<512xi32, #tpu.memory_space<vmem>>, vector<16xi32>,
    %add3A_21 = arith.addi %mul3A_3, %get3A_20 : vector<16xi32>
    tpu.vector_store_idx %arg6[%add3A_21], %broadcast_in_dim3A_4 {add = true} : memref<8192xf32, #tpu.memory_space<vmem>>[vector<16xi32>], vector<16xf32>,
    %get3A_22 = arith.constant 48 : index
    %get3A_23 = tpu.vector_load %arg5[%get3A_22] {strides = array<i32>} : memref<512xi32, #tpu.memory_space<vmem>>, vector<16xi32>,
    %add3A_24 = arith.addi %mul3A_3, %get3A_23 : vector<16xi32>
    tpu.vector_store_idx %arg6[%add3A_24], %broadcast_in_dim3A_4 {add = true} : memref<8192xf32, #tpu.memory_space<vmem>>[vector<16xi32>], vector<16xf32>,
    %get3A_25 = arith.constant 64 : index
    %get3A_26 = tpu.vector_load %arg5[%get3A_25] {strides = array<i32>} : memref<512xi32, #tpu.memory_space<vmem>>, vector<16xi32>,
    %add3A_27 = arith.addi %mul3A_3, %get3A_26 : vector<16xi32>
    tpu.vector_store_idx %arg6[%add3A_27], %broadcast_in_dim3A_4 {add = true} : memref<8192xf32, #tpu.memory_space<vmem>>[vector<16xi32>], vector<16xf32>,
    %get3A_28 = arith.constant 80 : index
    %get3A_29 = tpu.vector_load %arg5[%get3A_28] {strides = array<i32>} : memref<512xi32, #tpu.memory_space<vmem>>, vector<16xi32>,
    %add3A_30 = arith.addi %mul3A_3, %get3A_29 : vector<16xi32>
    tpu.vector_store_idx %arg6[%add3A_30], %broadcast_in_dim3A_4 {add = true} : memref<8192xf32, #tpu.memory_space<vmem>>[vector<16xi32>], vector<16xf32>,
    %get3A_31 = arith.constant 96 : index
    %get3A_32 = tpu.vector_load %arg5[%get3A_31] {strides = array<i32>} : memref<512xi32, #tpu.memory_space<vmem>>, vector<16xi32>,
    %add3A_33 = arith.addi %mul3A_3, %get3A_32 : vector<16xi32>
    tpu.vector_store_idx %arg6[%add3A_33], %broadcast_in_dim3A_4 {add = true} : memref<8192xf32, #tpu.memory_space<vmem>>[vector<16xi32>], vector<16xf32>,
    %get3A_34 = arith.constant 112 : index
    %get3A_35 = tpu.vector_load %arg5[%get3A_34] {strides = array<i32>} : memref<512xi32, #tpu.memory_space<vmem>>, vector<16xi32>,
    %add3A_36 = arith.addi %mul3A_3, %get3A_35 : vector<16xi32>
    tpu.vector_store_idx %arg6[%add3A_36], %broadcast_in_dim3A_4 {add = true} : memref<8192xf32, #tpu.memory_space<vmem>>[vector<16xi32>], vector<16xf32>,
    %get3A_37 = arith.constant 128 : index
    %get3A_38 = tpu.vector_load %arg5[%get3A_37] {strides = array<i32>} : memref<512xi32, #tpu.memory_space<vmem>>, vector<16xi32>,
    %add3A_39 = arith.addi %mul3A_3, %get3A_38 : vector<16xi32>
    tpu.vector_store_idx %arg6[%add3A_39], %broadcast_in_dim3A_4 {add = true} : memref<8192xf32, #tpu.memory_space<vmem>>[vector<16xi32>], vector<16xf32>,
    %get3A_40 = arith.constant 144 : index
    %get3A_41 = tpu.vector_load %arg5[%get3A_40] {strides = array<i32>} : memref<512xi32, #tpu.memory_space<vmem>>, vector<16xi32>,
    %add3A_42 = arith.addi %mul3A_3, %get3A_41 : vector<16xi32>
    tpu.vector_store_idx %arg6[%add3A_42], %broadcast_in_dim3A_4 {add = true} : memref<8192xf32, #tpu.memory_space<vmem>>[vector<16xi32>], vector<16xf32>,
    %get3A_43 = arith.constant 160 : index
    %get3A_44 = tpu.vector_load %arg5[%get3A_43] {strides = array<i32>} : memref<512xi32, #tpu.memory_space<vmem>>, vector<16xi32>,
    %add3A_45 = arith.addi %mul3A_3, %get3A_44 : vector<16xi32>
    tpu.vector_store_idx %arg6[%add3A_45], %broadcast_in_dim3A_4 {add = true} : memref<8192xf32, #tpu.memory_space<vmem>>[vector<16xi32>], vector<16xf32>,
    %get3A_46 = arith.constant 176 : index
    %get3A_47 = tpu.vector_load %arg5[%get3A_46] {strides = array<i32>} : memref<512xi32, #tpu.memory_space<vmem>>, vector<16xi32>,
    %add3A_48 = arith.addi %mul3A_3, %get3A_47 : vector<16xi32>
    tpu.vector_store_idx %arg6[%add3A_48], %broadcast_in_dim3A_4 {add = true} : memref<8192xf32, #tpu.memory_space<vmem>>[vector<16xi32>], vector<16xf32>,
    %get3A_49 = arith.constant 192 : index
    %get3A_50 = tpu.vector_load %arg5[%get3A_49] {strides = array<i32>} : memref<512xi32, #tpu.memory_space<vmem>>, vector<16xi32>,
    %add3A_51 = arith.addi %mul3A_3, %get3A_50 : vector<16xi32>
    tpu.vector_store_idx %arg6[%add3A_51], %broadcast_in_dim3A_4 {add = true} : memref<8192xf32, #tpu.memory_space<vmem>>[vector<16xi32>], vector<16xf32>,
    %get3A_52 = arith.constant 208 : index
    %get3A_53 = tpu.vector_load %arg5[%get3A_52] {strides = array<i32>} : memref<512xi32, #tpu.memory_space<vmem>>, vector<16xi32>,
    %add3A_54 = arith.addi %mul3A_3, %get3A_53 : vector<16xi32>
    tpu.vector_store_idx %arg6[%add3A_54], %broadcast_in_dim3A_4 {add = true} : memref<8192xf32, #tpu.memory_space<vmem>>[vector<16xi32>], vector<16xf32>,
    %get3A_55 = arith.constant 224 : index
    %get3A_56 = tpu.vector_load %arg5[%get3A_55] {strides = array<i32>} : memref<512xi32, #tpu.memory_space<vmem>>, vector<16xi32>,
    %add3A_57 = arith.addi %mul3A_3, %get3A_56 : vector<16xi32>
    tpu.vector_store_idx %arg6[%add3A_57], %broadcast_in_dim3A_4 {add = true} : memref<8192xf32, #tpu.memory_space<vmem>>[vector<16xi32>], vector<16xf32>,
    %get3A_58 = arith.constant 240 : index
    %get3A_59 = tpu.vector_load %arg5[%get3A_58] {strides = array<i32>} : memref<512xi32, #tpu.memory_space<vmem>>, vector<16xi32>,
    %add3A_60 = arith.addi %mul3A_3, %get3A_59 : vector<16xi32>
    tpu.vector_store_idx %arg6[%add3A_60], %broadcast_in_dim3A_4 {add = true} : memref<8192xf32, #tpu.memory_space<vmem>>[vector<16xi32>], vector<16xf32>,
    %get3A_61 = arith.constant 256 : index
    %get3A_62 = tpu.vector_load %arg5[%get3A_61] {strides = array<i32>} : memref<512xi32, #tpu.memory_space<vmem>>, vector<16xi32>,
    %add3A_63 = arith.addi %mul3A_3, %get3A_62 : vector<16xi32>
    tpu.vector_store_idx %arg6[%add3A_63], %broadcast_in_dim3A_4 {add = true} : memref<8192xf32, #tpu.memory_space<vmem>>[vector<16xi32>], vector<16xf32>,
    %get3A_64 = arith.constant 272 : index
    %get3A_65 = tpu.vector_load %arg5[%get3A_64] {strides = array<i32>} : memref<512xi32, #tpu.memory_space<vmem>>, vector<16xi32>,
    %add3A_66 = arith.addi %mul3A_3, %get3A_65 : vector<16xi32>
    tpu.vector_store_idx %arg6[%add3A_66], %broadcast_in_dim3A_4 {add = true} : memref<8192xf32, #tpu.memory_space<vmem>>[vector<16xi32>], vector<16xf32>,
    %get3A_67 = arith.constant 288 : index
    %get3A_68 = tpu.vector_load %arg5[%get3A_67] {strides = array<i32>} : memref<512xi32, #tpu.memory_space<vmem>>, vector<16xi32>,
    %add3A_69 = arith.addi %mul3A_3, %get3A_68 : vector<16xi32>
    tpu.vector_store_idx %arg6[%add3A_69], %broadcast_in_dim3A_4 {add = true} : memref<8192xf32, #tpu.memory_space<vmem>>[vector<16xi32>], vector<16xf32>,
    %get3A_70 = arith.constant 304 : index
    %get3A_71 = tpu.vector_load %arg5[%get3A_70] {strides = array<i32>} : memref<512xi32, #tpu.memory_space<vmem>>, vector<16xi32>,
    %add3A_72 = arith.addi %mul3A_3, %get3A_71 : vector<16xi32>
    tpu.vector_store_idx %arg6[%add3A_72], %broadcast_in_dim3A_4 {add = true} : memref<8192xf32, #tpu.memory_space<vmem>>[vector<16xi32>], vector<16xf32>,
    %get3A_73 = arith.constant 320 : index
    %get3A_74 = tpu.vector_load %arg5[%get3A_73] {strides = array<i32>} : memref<512xi32, #tpu.memory_space<vmem>>, vector<16xi32>,
    %add3A_75 = arith.addi %mul3A_3, %get3A_74 : vector<16xi32>
    tpu.vector_store_idx %arg6[%add3A_75], %broadcast_in_dim3A_4 {add = true} : memref<8192xf32, #tpu.memory_space<vmem>>[vector<16xi32>], vector<16xf32>,
    %get3A_76 = arith.constant 336 : index
    %get3A_77 = tpu.vector_load %arg5[%get3A_76] {strides = array<i32>} : memref<512xi32, #tpu.memory_space<vmem>>, vector<16xi32>,
    %add3A_78 = arith.addi %mul3A_3, %get3A_77 : vector<16xi32>
    tpu.vector_store_idx %arg6[%add3A_78], %broadcast_in_dim3A_4 {add = true} : memref<8192xf32, #tpu.memory_space<vmem>>[vector<16xi32>], vector<16xf32>,
    %get3A_79 = arith.constant 352 : index
    %get3A_80 = tpu.vector_load %arg5[%get3A_79] {strides = array<i32>} : memref<512xi32, #tpu.memory_space<vmem>>, vector<16xi32>,
    %add3A_81 = arith.addi %mul3A_3, %get3A_80 : vector<16xi32>
    tpu.vector_store_idx %arg6[%add3A_81], %broadcast_in_dim3A_4 {add = true} : memref<8192xf32, #tpu.memory_space<vmem>>[vector<16xi32>], vector<16xf32>,
    %get3A_82 = arith.constant 368 : index
    %get3A_83 = tpu.vector_load %arg5[%get3A_82] {strides = array<i32>} : memref<512xi32, #tpu.memory_space<vmem>>, vector<16xi32>,
    %add3A_84 = arith.addi %mul3A_3, %get3A_83 : vector<16xi32>
    tpu.vector_store_idx %arg6[%add3A_84], %broadcast_in_dim3A_4 {add = true} : memref<8192xf32, #tpu.memory_space<vmem>>[vector<16xi32>], vector<16xf32>,
    %get3A_85 = arith.constant 384 : index
    %get3A_86 = tpu.vector_load %arg5[%get3A_85] {strides = array<i32>} : memref<512xi32, #tpu.memory_space<vmem>>, vector<16xi32>,
    %add3A_87 = arith.addi %mul3A_3, %get3A_86 : vector<16xi32>
    tpu.vector_store_idx %arg6[%add3A_87], %broadcast_in_dim3A_4 {add = true} : memref<8192xf32, #tpu.memory_space<vmem>>[vector<16xi32>], vector<16xf32>,
    %get3A_88 = arith.constant 400 : index
    %get3A_89 = tpu.vector_load %arg5[%get3A_88] {strides = array<i32>} : memref<512xi32, #tpu.memory_space<vmem>>, vector<16xi32>,
    %add3A_90 = arith.addi %mul3A_3, %get3A_89 : vector<16xi32>
    tpu.vector_store_idx %arg6[%add3A_90], %broadcast_in_dim3A_4 {add = true} : memref<8192xf32, #tpu.memory_space<vmem>>[vector<16xi32>], vector<16xf32>,
    %get3A_91 = arith.constant 416 : index
    %get3A_92 = tpu.vector_load %arg5[%get3A_91] {strides = array<i32>} : memref<512xi32, #tpu.memory_space<vmem>>, vector<16xi32>,
    %add3A_93 = arith.addi %mul3A_3, %get3A_92 : vector<16xi32>
    tpu.vector_store_idx %arg6[%add3A_93], %broadcast_in_dim3A_4 {add = true} : memref<8192xf32, #tpu.memory_space<vmem>>[vector<16xi32>], vector<16xf32>,
    %get3A_94 = arith.constant 432 : index
    %get3A_95 = tpu.vector_load %arg5[%get3A_94] {strides = array<i32>} : memref<512xi32, #tpu.memory_space<vmem>>, vector<16xi32>,
    %add3A_96 = arith.addi %mul3A_3, %get3A_95 : vector<16xi32>
    tpu.vector_store_idx %arg6[%add3A_96], %broadcast_in_dim3A_4 {add = true} : memref<8192xf32, #tpu.memory_space<vmem>>[vector<16xi32>], vector<16xf32>,
    %get3A_97 = arith.constant 448 : index
    %get3A_98 = tpu.vector_load %arg5[%get3A_97] {strides = array<i32>} : memref<512xi32, #tpu.memory_space<vmem>>, vector<16xi32>,
    %add3A_99 = arith.addi %mul3A_3, %get3A_98 : vector<16xi32>
    tpu.vector_store_idx %arg6[%add3A_99], %broadcast_in_dim3A_4 {add = true} : memref<8192xf32, #tpu.memory_space<vmem>>[vector<16xi32>], vector<16xf32>,
    %get3A_100 = arith.constant 464 : index
    %get3A_101 = tpu.vector_load %arg5[%get3A_100] {strides = array<i32>} : memref<512xi32, #tpu.memory_space<vmem>>, vector<16xi32>,
    %add3A_102 = arith.addi %mul3A_3, %get3A_101 : vector<16xi32>
    tpu.vector_store_idx %arg6[%add3A_102], %broadcast_in_dim3A_4 {add = true} : memref<8192xf32, #tpu.memory_space<vmem>>[vector<16xi32>], vector<16xf32>,
    %get3A_103 = arith.constant 480 : index
    %get3A_104 = tpu.vector_load %arg5[%get3A_103] {strides = array<i32>} : memref<512xi32, #tpu.memory_space<vmem>>, vector<16xi32>,
    %add3A_105 = arith.addi %mul3A_3, %get3A_104 : vector<16xi32>
    tpu.vector_store_idx %arg6[%add3A_105], %broadcast_in_dim3A_4 {add = true} : memref<8192xf32, #tpu.memory_space<vmem>>[vector<16xi32>], vector<16xf32>,
    %get3A_106 = arith.constant 496 : index
    %get3A_107 = tpu.vector_load %arg5[%get3A_106] {strides = array<i32>} : memref<512xi32, #tpu.memory_space<vmem>>, vector<16xi32>,
    %add3A_108 = arith.addi %mul3A_3, %get3A_107 : vector<16xi32>
    tpu.vector_store_idx %arg6[%add3A_108], %broadcast_in_dim3A_4 {add = true} : memref<8192xf32, #tpu.memory_space<vmem>>[vector<16xi32>], vector<16xf32>,
    %scan3A_109 = arith.constant 0 : i32
    %scan3A_110 = arith.constant 0 : i32
    %scan3A_111 = arith.constant 32 : i32
    %scan3A_112 = arith.addi %scan3A_110, %scan3A_111 : i32
    %scan3A_113 = arith.constant 1 : i32
    scf.for %scan3A_451 = %scan3A_110 to %scan3A_112 step %scan3A_113  : i32 {
      %mul3A_452 = arith.constant 16 : i32
      %mul3A_453 = arith.muli %scan3A_451, %mul3A_452 : i32
      %get3A_454 = arith.index_cast %mul3A_453 : i32 to index
      %get3A_455 = tpu.vector_load %arg6[%get3A_454] {strides = array<i32>} : memref<8192xf32, #tpu.memory_space<vmem>>, vector<16xf32>,
      %mul3A_456 = arith.constant 16 : i32
      %mul3A_457 = arith.muli %scan3A_451, %mul3A_456 : i32
      %add3A_458 = arith.constant 512 : i32
      %add3A_459 = arith.addi %add3A_458, %mul3A_457 : i32
      %get3A_460 = arith.index_cast %add3A_459 : i32 to index
      %get3A_461 = tpu.vector_load %arg6[%get3A_460] {strides = array<i32>} : memref<8192xf32, #tpu.memory_space<vmem>>, vector<16xf32>,
      %add3A_462 = arith.addf %get3A_455, %get3A_461 : vector<16xf32>
      %mul3A_463 = arith.constant 16 : i32
      %mul3A_464 = arith.muli %scan3A_451, %mul3A_463 : i32
      %add3A_465 = arith.constant 1024 : i32
      %add3A_466 = arith.addi %add3A_465, %mul3A_464 : i32
      %get3A_467 = arith.index_cast %add3A_466 : i32 to index
      %get3A_468 = tpu.vector_load %arg6[%get3A_467] {strides = array<i32>} : memref<8192xf32, #tpu.memory_space<vmem>>, vector<16xf32>,
      %add3A_469 = arith.addf %add3A_462, %get3A_468 : vector<16xf32>
      %mul3A_470 = arith.constant 16 : i32
      %mul3A_471 = arith.muli %scan3A_451, %mul3A_470 : i32
      %add3A_472 = arith.constant 1536 : i32
      %add3A_473 = arith.addi %add3A_472, %mul3A_471 : i32
      %get3A_474 = arith.index_cast %add3A_473 : i32 to index
      %get3A_475 = tpu.vector_load %arg6[%get3A_474] {strides = array<i32>} : memref<8192xf32, #tpu.memory_space<vmem>>, vector<16xf32>,
      %add3A_476 = arith.addf %add3A_469, %get3A_475 : vector<16xf32>
      %mul3A_477 = arith.constant 16 : i32
      %mul3A_478 = arith.muli %scan3A_451, %mul3A_477 : i32
      %add3A_479 = arith.constant 2048 : i32
      %add3A_480 = arith.addi %add3A_479, %mul3A_478 : i32
      %get3A_481 = arith.index_cast %add3A_480 : i32 to index
      %get3A_482 = tpu.vector_load %arg6[%get3A_481] {strides = array<i32>} : memref<8192xf32, #tpu.memory_space<vmem>>, vector<16xf32>,
      %add3A_483 = arith.addf %add3A_476, %get3A_482 : vector<16xf32>
      %mul3A_484 = arith.constant 16 : i32
      %mul3A_485 = arith.muli %scan3A_451, %mul3A_484 : i32
      %add3A_486 = arith.constant 2560 : i32
      %add3A_487 = arith.addi %add3A_486, %mul3A_485 : i32
      %get3A_488 = arith.index_cast %add3A_487 : i32 to index
      %get3A_489 = tpu.vector_load %arg6[%get3A_488] {strides = array<i32>} : memref<8192xf32, #tpu.memory_space<vmem>>, vector<16xf32>,
      %add3A_490 = arith.addf %add3A_483, %get3A_489 : vector<16xf32>
      %mul3A_491 = arith.constant 16 : i32
      %mul3A_492 = arith.muli %scan3A_451, %mul3A_491 : i32
      %add3A_493 = arith.constant 3072 : i32
      %add3A_494 = arith.addi %add3A_493, %mul3A_492 : i32
      %get3A_495 = arith.index_cast %add3A_494 : i32 to index
      %get3A_496 = tpu.vector_load %arg6[%get3A_495] {strides = array<i32>} : memref<8192xf32, #tpu.memory_space<vmem>>, vector<16xf32>,
      %add3A_497 = arith.addf %add3A_490, %get3A_496 : vector<16xf32>
      %mul3A_498 = arith.constant 16 : i32
      %mul3A_499 = arith.muli %scan3A_451, %mul3A_498 : i32
      %add3A_500 = arith.constant 3584 : i32
      %add3A_501 = arith.addi %add3A_500, %mul3A_499 : i32
      %get3A_502 = arith.index_cast %add3A_501 : i32 to index
      %get3A_503 = tpu.vector_load %arg6[%get3A_502] {strides = array<i32>} : memref<8192xf32, #tpu.memory_space<vmem>>, vector<16xf32>,
      %add3A_504 = arith.addf %add3A_497, %get3A_503 : vector<16xf32>
      %mul3A_505 = arith.constant 16 : i32
      %mul3A_506 = arith.muli %scan3A_451, %mul3A_505 : i32
      %add3A_507 = arith.constant 4096 : i32
      %add3A_508 = arith.addi %add3A_507, %mul3A_506 : i32
      %get3A_509 = arith.index_cast %add3A_508 : i32 to index
      %get3A_510 = tpu.vector_load %arg6[%get3A_509] {strides = array<i32>} : memref<8192xf32, #tpu.memory_space<vmem>>, vector<16xf32>,
      %add3A_511 = arith.addf %add3A_504, %get3A_510 : vector<16xf32>
      %mul3A_512 = arith.constant 16 : i32
      %mul3A_513 = arith.muli %scan3A_451, %mul3A_512 : i32
      %add3A_514 = arith.constant 4608 : i32
      %add3A_515 = arith.addi %add3A_514, %mul3A_513 : i32
      %get3A_516 = arith.index_cast %add3A_515 : i32 to index
      %get3A_517 = tpu.vector_load %arg6[%get3A_516] {strides = array<i32>} : memref<8192xf32, #tpu.memory_space<vmem>>, vector<16xf32>,
      %add3A_518 = arith.addf %add3A_511, %get3A_517 : vector<16xf32>
      %mul3A_519 = arith.constant 16 : i32
      %mul3A_520 = arith.muli %scan3A_451, %mul3A_519 : i32
      %add3A_521 = arith.constant 5120 : i32
      %add3A_522 = arith.addi %add3A_521, %mul3A_520 : i32
      %get3A_523 = arith.index_cast %add3A_522 : i32 to index
      %get3A_524 = tpu.vector_load %arg6[%get3A_523] {strides = array<i32>} : memref<8192xf32, #tpu.memory_space<vmem>>, vector<16xf32>,
      %add3A_525 = arith.addf %add3A_518, %get3A_524 : vector<16xf32>
      %mul3A_526 = arith.constant 16 : i32
      %mul3A_527 = arith.muli %scan3A_451, %mul3A_526 : i32
      %add3A_528 = arith.constant 5632 : i32
      %add3A_529 = arith.addi %add3A_528, %mul3A_527 : i32
      %get3A_530 = arith.index_cast %add3A_529 : i32 to index
      %get3A_531 = tpu.vector_load %arg6[%get3A_530] {strides = array<i32>} : memref<8192xf32, #tpu.memory_space<vmem>>, vector<16xf32>,
      %add3A_532 = arith.addf %add3A_525, %get3A_531 : vector<16xf32>
      %mul3A_533 = arith.constant 16 : i32
      %mul3A_534 = arith.muli %scan3A_451, %mul3A_533 : i32
      %add3A_535 = arith.constant 6144 : i32
      %add3A_536 = arith.addi %add3A_535, %mul3A_534 : i32
      %get3A_537 = arith.index_cast %add3A_536 : i32 to index
      %get3A_538 = tpu.vector_load %arg6[%get3A_537] {strides = array<i32>} : memref<8192xf32, #tpu.memory_space<vmem>>, vector<16xf32>,
      %add3A_539 = arith.addf %add3A_532, %get3A_538 : vector<16xf32>
      %mul3A_540 = arith.constant 16 : i32
      %mul3A_541 = arith.muli %scan3A_451, %mul3A_540 : i32
      %add3A_542 = arith.constant 6656 : i32
      %add3A_543 = arith.addi %add3A_542, %mul3A_541 : i32
      %get3A_544 = arith.index_cast %add3A_543 : i32 to index
      %get3A_545 = tpu.vector_load %arg6[%get3A_544] {strides = array<i32>} : memref<8192xf32, #tpu.memory_space<vmem>>, vector<16xf32>,
      %add3A_546 = arith.addf %add3A_539, %get3A_545 : vector<16xf32>
      %mul3A_547 = arith.constant 16 : i32
      %mul3A_548 = arith.muli %scan3A_451, %mul3A_547 : i32
      %add3A_549 = arith.constant 7168 : i32
      %add3A_550 = arith.addi %add3A_549, %mul3A_548 : i32
      %get3A_551 = arith.index_cast %add3A_550 : i32 to index
      %get3A_552 = tpu.vector_load %arg6[%get3A_551] {strides = array<i32>} : memref<8192xf32, #tpu.memory_space<vmem>>, vector<16xf32>,
      %add3A_553 = arith.addf %add3A_546, %get3A_552 : vector<16xf32>
      %mul3A_554 = arith.constant 16 : i32
      %mul3A_555 = arith.muli %scan3A_451, %mul3A_554 : i32
      %add3A_556 = arith.constant 7680 : i32
      %add3A_557 = arith.addi %add3A_556, %mul3A_555 : i32
      %get3A_558 = arith.index_cast %add3A_557 : i32 to index
      %get3A_559 = tpu.vector_load %arg6[%get3A_558] {strides = array<i32>} : memref<8192xf32, #tpu.memory_space<vmem>>, vector<16xf32>,
      %add3A_560 = arith.addf %add3A_553, %get3A_559 : vector<16xf32>
      %mul3A_561 = arith.constant 16 : i32
      %mul3A_562 = arith.muli %scan3A_451, %mul3A_561 : i32
      %swap3A = arith.index_cast %mul3A_562 : i32 to index
      %swap3A_563 = tpu.vector_load %arg7[%swap3A] {strides = array<i32>} : memref<512xf32, #tpu.memory_space<vmem>>, vector<16xf32>,
      tpu.vector_store %arg7[%swap3A], %add3A_560 {strides = array<i32>} : memref<512xf32, #tpu.memory_space<vmem>>, vector<16xf32>,
    }
    %scan3A_114 = arith.constant 32 : i32
    "tpu.region"() ({
      %run_scoped3A = tpu.sem_alloc : memref<!tpu.dma_semaphore, #tpu.memory_space<semaphore_mem>>
      %dma_start3A = arith.constant 0 : i32
      %dma_start3A_451 = tpu.memref_slice %arg4[%add3A_8, %dma_start3A] : memref<64x1024xf32, #tpu.memory_space<hbm>> -> memref<1x512xf32, #tpu.memory_space<hbm>>
      %dma_start3A_452 = tpu.memref_squeeze %dma_start3A_451 : memref<1x512xf32, #tpu.memory_space<hbm>> -> memref<512xf32, #tpu.memory_space<hbm>>
      %dma_start3A_453 = arith.constant 0 : i32
      %dma_start3A_454 = tpu.memref_slice %arg4[%add3A_8, %dma_start3A_453] : memref<64x1024xf32, #tpu.memory_space<hbm>> -> memref<1x512xf32, #tpu.memory_space<hbm>>
      %dma_start3A_455 = tpu.memref_squeeze %dma_start3A_454 : memref<1x512xf32, #tpu.memory_space<hbm>> -> memref<512xf32, #tpu.memory_space<hbm>>
      tpu.enqueue_dma source(%arg7 : memref<512xf32, #tpu.memory_space<vmem>>) target(%dma_start3A_455 : memref<512xf32, #tpu.memory_space<hbm>>) target_semaphore(%run_scoped3A : memref<!tpu.dma_semaphore, #tpu.memory_space<semaphore_mem>>)
      %dma_wait3A = arith.constant 0 : i32
      %dma_wait3A_456 = tpu.memref_slice %arg4[%add3A_8, %dma_wait3A] : memref<64x1024xf32, #tpu.memory_space<hbm>> -> memref<1x512xf32, #tpu.memory_space<hbm>>
      %dma_wait3A_457 = tpu.memref_squeeze %dma_wait3A_456 : memref<1x512xf32, #tpu.memory_space<hbm>> -> memref<512xf32, #tpu.memory_space<hbm>>
      %dma_wait3A_458 = arith.constant 0 : i32
      %dma_wait3A_459 = tpu.memref_slice %arg4[%add3A_8, %dma_wait3A_458] : memref<64x1024xf32, #tpu.memory_space<hbm>> -> memref<1x512xf32, #tpu.memory_space<hbm>>
      %dma_wait3A_460 = tpu.memref_squeeze %dma_wait3A_459 : memref<1x512xf32, #tpu.memory_space<hbm>> -> memref<512xf32, #tpu.memory_space<hbm>>
      tpu.wait_dma2 semaphore(%run_scoped3A : memref<!tpu.dma_semaphore, #tpu.memory_space<semaphore_mem>>) src(%arg7 : memref<512xf32, #tpu.memory_space<vmem>>) dst(%dma_wait3A_460 : memref<512xf32, #tpu.memory_space<hbm>>)
      tpu.yield
    }) : () -> ()
    %mul3A_115 = arith.constant 2 : i32
    %mul3A_116 = arith.muli %add3A, %mul3A_115 : i32
    %add3A_117 = arith.constant 1 : i32
    %add3A_118 = arith.addi %mul3A_116, %add3A_117 : i32
    "tpu.region"() ({
      %run_scoped3A = tpu.sem_alloc : memref<!tpu.dma_semaphore, #tpu.memory_space<semaphore_mem>>
      %dma_start3A = arith.constant 0 : i32
      %dma_start3A_451 = tpu.memref_slice %arg2[%add3A_118, %dma_start3A] : memref<64x512xi32, #tpu.memory_space<hbm>> -> memref<1x512xi32, #tpu.memory_space<hbm>>
      %dma_start3A_452 = tpu.memref_squeeze %dma_start3A_451 : memref<1x512xi32, #tpu.memory_space<hbm>> -> memref<512xi32, #tpu.memory_space<hbm>>
      %dma_start3A_453 = arith.constant 0 : i32
      %dma_start3A_454 = tpu.memref_slice %arg2[%add3A_118, %dma_start3A_453] : memref<64x512xi32, #tpu.memory_space<hbm>> -> memref<1x512xi32, #tpu.memory_space<hbm>>
      %dma_start3A_455 = tpu.memref_squeeze %dma_start3A_454 : memref<1x512xi32, #tpu.memory_space<hbm>> -> memref<512xi32, #tpu.memory_space<hbm>>
      tpu.enqueue_dma source(%dma_start3A_455 : memref<512xi32, #tpu.memory_space<hbm>>) target(%arg5 : memref<512xi32, #tpu.memory_space<vmem>>) target_semaphore(%run_scoped3A : memref<!tpu.dma_semaphore, #tpu.memory_space<semaphore_mem>>)
      %dma_wait3A = arith.constant 0 : i32
      %dma_wait3A_456 = tpu.memref_slice %arg2[%add3A_118, %dma_wait3A] : memref<64x512xi32, #tpu.memory_space<hbm>> -> memref<1x512xi32, #tpu.memory_space<hbm>>
      %dma_wait3A_457 = tpu.memref_squeeze %dma_wait3A_456 : memref<1x512xi32, #tpu.memory_space<hbm>> -> memref<512xi32, #tpu.memory_space<hbm>>
      %dma_wait3A_458 = arith.constant 0 : i32
      %dma_wait3A_459 = tpu.memref_slice %arg2[%add3A_118, %dma_wait3A_458] : memref<64x512xi32, #tpu.memory_space<hbm>> -> memref<1x512xi32, #tpu.memory_space<hbm>>
      %dma_wait3A_460 = tpu.memref_squeeze %dma_wait3A_459 : memref<1x512xi32, #tpu.memory_space<hbm>> -> memref<512xi32, #tpu.memory_space<hbm>>
      tpu.wait_dma2 semaphore(%run_scoped3A : memref<!tpu.dma_semaphore, #tpu.memory_space<semaphore_mem>>) src(%dma_wait3A_460 : memref<512xi32, #tpu.memory_space<hbm>>) dst(%arg5 : memref<512xi32, #tpu.memory_space<vmem>>)
      tpu.yield
    }) : () -> ()
    %scan3A_119 = arith.constant 0 : i32
    %scan3A_120 = arith.constant 0 : i32
    %scan3A_121 = arith.constant 512 : i32
    %scan3A_122 = arith.addi %scan3A_120, %scan3A_121 : i32
    %scan3A_123 = arith.constant 8 : i32
    scf.for %scan3A_451 = %scan3A_120 to %scan3A_122 step %scan3A_123  : i32 {
      %broadcast_in_dim3A_452 = arith.constant 0.000000e+00 : f32
      %broadcast_in_dim3A_453 = vector.broadcast %broadcast_in_dim3A_452 : f32 to vector<16xf32>
      %mul3A_454 = arith.constant 16 : i32
      %mul3A_455 = arith.muli %scan3A_451, %mul3A_454 : i32
      %swap3A = arith.index_cast %mul3A_455 : i32 to index
      %swap3A_456 = tpu.vector_load %arg6[%swap3A] {strides = array<i32>} : memref<8192xf32, #tpu.memory_space<vmem>>, vector<16xf32>,
      tpu.vector_store %arg6[%swap3A], %broadcast_in_dim3A_453 {strides = array<i32>} : memref<8192xf32, #tpu.memory_space<vmem>>, vector<16xf32>,
      %scan3A_457 = arith.constant 1 : i32
      %scan3A_458 = arith.addi %scan3A_451, %scan3A_457 : i32
      %broadcast_in_dim3A_459 = arith.constant 0.000000e+00 : f32
      %broadcast_in_dim3A_460 = vector.broadcast %broadcast_in_dim3A_459 : f32 to vector<16xf32>
      %mul3A_461 = arith.constant 16 : i32
      %mul3A_462 = arith.muli %scan3A_458, %mul3A_461 : i32
      %swap3A_463 = arith.index_cast %mul3A_462 : i32 to index
      %swap3A_464 = tpu.vector_load %arg6[%swap3A_463] {strides = array<i32>} : memref<8192xf32, #tpu.memory_space<vmem>>, vector<16xf32>,
      tpu.vector_store %arg6[%swap3A_463], %broadcast_in_dim3A_460 {strides = array<i32>} : memref<8192xf32, #tpu.memory_space<vmem>>, vector<16xf32>,
      %scan3A_465 = arith.constant 2 : i32
      %scan3A_466 = arith.addi %scan3A_451, %scan3A_465 : i32
      %broadcast_in_dim3A_467 = arith.constant 0.000000e+00 : f32
      %broadcast_in_dim3A_468 = vector.broadcast %broadcast_in_dim3A_467 : f32 to vector<16xf32>
      %mul3A_469 = arith.constant 16 : i32
      %mul3A_470 = arith.muli %scan3A_466, %mul3A_469 : i32
      %swap3A_471 = arith.index_cast %mul3A_470 : i32 to index
      %swap3A_472 = tpu.vector_load %arg6[%swap3A_471] {strides = array<i32>} : memref<8192xf32, #tpu.memory_space<vmem>>, vector<16xf32>,
      tpu.vector_store %arg6[%swap3A_471], %broadcast_in_dim3A_468 {strides = array<i32>} : memref<8192xf32, #tpu.memory_space<vmem>>, vector<16xf32>,
      %scan3A_473 = arith.constant 3 : i32
      %scan3A_474 = arith.addi %scan3A_451, %scan3A_473 : i32
      %broadcast_in_dim3A_475 = arith.constant 0.000000e+00 : f32
      %broadcast_in_dim3A_476 = vector.broadcast %broadcast_in_dim3A_475 : f32 to vector<16xf32>
      %mul3A_477 = arith.constant 16 : i32
      %mul3A_478 = arith.muli %scan3A_474, %mul3A_477 : i32
      %swap3A_479 = arith.index_cast %mul3A_478 : i32 to index
      %swap3A_480 = tpu.vector_load %arg6[%swap3A_479] {strides = array<i32>} : memref<8192xf32, #tpu.memory_space<vmem>>, vector<16xf32>,
      tpu.vector_store %arg6[%swap3A_479], %broadcast_in_dim3A_476 {strides = array<i32>} : memref<8192xf32, #tpu.memory_space<vmem>>, vector<16xf32>,
      %scan3A_481 = arith.constant 4 : i32
      %scan3A_482 = arith.addi %scan3A_451, %scan3A_481 : i32
      %broadcast_in_dim3A_483 = arith.constant 0.000000e+00 : f32
      %broadcast_in_dim3A_484 = vector.broadcast %broadcast_in_dim3A_483 : f32 to vector<16xf32>
      %mul3A_485 = arith.constant 16 : i32
      %mul3A_486 = arith.muli %scan3A_482, %mul3A_485 : i32
      %swap3A_487 = arith.index_cast %mul3A_486 : i32 to index
      %swap3A_488 = tpu.vector_load %arg6[%swap3A_487] {strides = array<i32>} : memref<8192xf32, #tpu.memory_space<vmem>>, vector<16xf32>,
      tpu.vector_store %arg6[%swap3A_487], %broadcast_in_dim3A_484 {strides = array<i32>} : memref<8192xf32, #tpu.memory_space<vmem>>, vector<16xf32>,
      %scan3A_489 = arith.constant 5 : i32
      %scan3A_490 = arith.addi %scan3A_451, %scan3A_489 : i32
      %broadcast_in_dim3A_491 = arith.constant 0.000000e+00 : f32
      %broadcast_in_dim3A_492 = vector.broadcast %broadcast_in_dim3A_491 : f32 to vector<16xf32>
      %mul3A_493 = arith.constant 16 : i32
      %mul3A_494 = arith.muli %scan3A_490, %mul3A_493 : i32
      %swap3A_495 = arith.index_cast %mul3A_494 : i32 to index
      %swap3A_496 = tpu.vector_load %arg6[%swap3A_495] {strides = array<i32>} : memref<8192xf32, #tpu.memory_space<vmem>>, vector<16xf32>,
      tpu.vector_store %arg6[%swap3A_495], %broadcast_in_dim3A_492 {strides = array<i32>} : memref<8192xf32, #tpu.memory_space<vmem>>, vector<16xf32>,
      %scan3A_497 = arith.constant 6 : i32
      %scan3A_498 = arith.addi %scan3A_451, %scan3A_497 : i32
      %broadcast_in_dim3A_499 = arith.constant 0.000000e+00 : f32
      %broadcast_in_dim3A_500 = vector.broadcast %broadcast_in_dim3A_499 : f32 to vector<16xf32>
      %mul3A_501 = arith.constant 16 : i32
      %mul3A_502 = arith.muli %scan3A_498, %mul3A_501 : i32
      %swap3A_503 = arith.index_cast %mul3A_502 : i32 to index
      %swap3A_504 = tpu.vector_load %arg6[%swap3A_503] {strides = array<i32>} : memref<8192xf32, #tpu.memory_space<vmem>>, vector<16xf32>,
      tpu.vector_store %arg6[%swap3A_503], %broadcast_in_dim3A_500 {strides = array<i32>} : memref<8192xf32, #tpu.memory_space<vmem>>, vector<16xf32>,
      %scan3A_505 = arith.constant 7 : i32
      %scan3A_506 = arith.addi %scan3A_451, %scan3A_505 : i32
      %broadcast_in_dim3A_507 = arith.constant 0.000000e+00 : f32
      %broadcast_in_dim3A_508 = vector.broadcast %broadcast_in_dim3A_507 : f32 to vector<16xf32>
      %mul3A_509 = arith.constant 16 : i32
      %mul3A_510 = arith.muli %scan3A_506, %mul3A_509 : i32
      %swap3A_511 = arith.index_cast %mul3A_510 : i32 to index
      %swap3A_512 = tpu.vector_load %arg6[%swap3A_511] {strides = array<i32>} : memref<8192xf32, #tpu.memory_space<vmem>>, vector<16xf32>,
      tpu.vector_store %arg6[%swap3A_511], %broadcast_in_dim3A_508 {strides = array<i32>} : memref<8192xf32, #tpu.memory_space<vmem>>, vector<16xf32>,
    }
    %scan3A_124 = arith.constant 512 : i32
    %get3A_125 = arith.constant 0 : index
    %get3A_126 = tpu.vector_load %arg5[%get3A_125] {strides = array<i32>} : memref<512xi32, #tpu.memory_space<vmem>>, vector<16xi32>,
    %add3A_127 = arith.addi %mul3A_3, %get3A_126 : vector<16xi32>
    tpu.vector_store_idx %arg6[%add3A_127], %broadcast_in_dim3A_4 {add = true} : memref<8192xf32, #tpu.memory_space<vmem>>[vector<16xi32>], vector<16xf32>,
    %get3A_128 = arith.constant 16 : index
    %get3A_129 = tpu.vector_load %arg5[%get3A_128] {strides = array<i32>} : memref<512xi32, #tpu.memory_space<vmem>>, vector<16xi32>,
    %add3A_130 = arith.addi %mul3A_3, %get3A_129 : vector<16xi32>
    tpu.vector_store_idx %arg6[%add3A_130], %broadcast_in_dim3A_4 {add = true} : memref<8192xf32, #tpu.memory_space<vmem>>[vector<16xi32>], vector<16xf32>,
    %get3A_131 = arith.constant 32 : index
    %get3A_132 = tpu.vector_load %arg5[%get3A_131] {strides = array<i32>} : memref<512xi32, #tpu.memory_space<vmem>>, vector<16xi32>,
    %add3A_133 = arith.addi %mul3A_3, %get3A_132 : vector<16xi32>
    tpu.vector_store_idx %arg6[%add3A_133], %broadcast_in_dim3A_4 {add = true} : memref<8192xf32, #tpu.memory_space<vmem>>[vector<16xi32>], vector<16xf32>,
    %get3A_134 = arith.constant 48 : index
    %get3A_135 = tpu.vector_load %arg5[%get3A_134] {strides = array<i32>} : memref<512xi32, #tpu.memory_space<vmem>>, vector<16xi32>,
    %add3A_136 = arith.addi %mul3A_3, %get3A_135 : vector<16xi32>
    tpu.vector_store_idx %arg6[%add3A_136], %broadcast_in_dim3A_4 {add = true} : memref<8192xf32, #tpu.memory_space<vmem>>[vector<16xi32>], vector<16xf32>,
    %get3A_137 = arith.constant 64 : index
    %get3A_138 = tpu.vector_load %arg5[%get3A_137] {strides = array<i32>} : memref<512xi32, #tpu.memory_space<vmem>>, vector<16xi32>,
    %add3A_139 = arith.addi %mul3A_3, %get3A_138 : vector<16xi32>
    tpu.vector_store_idx %arg6[%add3A_139], %broadcast_in_dim3A_4 {add = true} : memref<8192xf32, #tpu.memory_space<vmem>>[vector<16xi32>], vector<16xf32>,
    %get3A_140 = arith.constant 80 : index
    %get3A_141 = tpu.vector_load %arg5[%get3A_140] {strides = array<i32>} : memref<512xi32, #tpu.memory_space<vmem>>, vector<16xi32>,
    %add3A_142 = arith.addi %mul3A_3, %get3A_141 : vector<16xi32>
    tpu.vector_store_idx %arg6[%add3A_142], %broadcast_in_dim3A_4 {add = true} : memref<8192xf32, #tpu.memory_space<vmem>>[vector<16xi32>], vector<16xf32>,
    %get3A_143 = arith.constant 96 : index
    %get3A_144 = tpu.vector_load %arg5[%get3A_143] {strides = array<i32>} : memref<512xi32, #tpu.memory_space<vmem>>, vector<16xi32>,
    %add3A_145 = arith.addi %mul3A_3, %get3A_144 : vector<16xi32>
    tpu.vector_store_idx %arg6[%add3A_145], %broadcast_in_dim3A_4 {add = true} : memref<8192xf32, #tpu.memory_space<vmem>>[vector<16xi32>], vector<16xf32>,
    %get3A_146 = arith.constant 112 : index
    %get3A_147 = tpu.vector_load %arg5[%get3A_146] {strides = array<i32>} : memref<512xi32, #tpu.memory_space<vmem>>, vector<16xi32>,
    %add3A_148 = arith.addi %mul3A_3, %get3A_147 : vector<16xi32>
    tpu.vector_store_idx %arg6[%add3A_148], %broadcast_in_dim3A_4 {add = true} : memref<8192xf32, #tpu.memory_space<vmem>>[vector<16xi32>], vector<16xf32>,
    %get3A_149 = arith.constant 128 : index
    %get3A_150 = tpu.vector_load %arg5[%get3A_149] {strides = array<i32>} : memref<512xi32, #tpu.memory_space<vmem>>, vector<16xi32>,
    %add3A_151 = arith.addi %mul3A_3, %get3A_150 : vector<16xi32>
    tpu.vector_store_idx %arg6[%add3A_151], %broadcast_in_dim3A_4 {add = true} : memref<8192xf32, #tpu.memory_space<vmem>>[vector<16xi32>], vector<16xf32>,
    %get3A_152 = arith.constant 144 : index
    %get3A_153 = tpu.vector_load %arg5[%get3A_152] {strides = array<i32>} : memref<512xi32, #tpu.memory_space<vmem>>, vector<16xi32>,
    %add3A_154 = arith.addi %mul3A_3, %get3A_153 : vector<16xi32>
    tpu.vector_store_idx %arg6[%add3A_154], %broadcast_in_dim3A_4 {add = true} : memref<8192xf32, #tpu.memory_space<vmem>>[vector<16xi32>], vector<16xf32>,
    %get3A_155 = arith.constant 160 : index
    %get3A_156 = tpu.vector_load %arg5[%get3A_155] {strides = array<i32>} : memref<512xi32, #tpu.memory_space<vmem>>, vector<16xi32>,
    %add3A_157 = arith.addi %mul3A_3, %get3A_156 : vector<16xi32>
    tpu.vector_store_idx %arg6[%add3A_157], %broadcast_in_dim3A_4 {add = true} : memref<8192xf32, #tpu.memory_space<vmem>>[vector<16xi32>], vector<16xf32>,
    %get3A_158 = arith.constant 176 : index
    %get3A_159 = tpu.vector_load %arg5[%get3A_158] {strides = array<i32>} : memref<512xi32, #tpu.memory_space<vmem>>, vector<16xi32>,
    %add3A_160 = arith.addi %mul3A_3, %get3A_159 : vector<16xi32>
    tpu.vector_store_idx %arg6[%add3A_160], %broadcast_in_dim3A_4 {add = true} : memref<8192xf32, #tpu.memory_space<vmem>>[vector<16xi32>], vector<16xf32>,
    %get3A_161 = arith.constant 192 : index
    %get3A_162 = tpu.vector_load %arg5[%get3A_161] {strides = array<i32>} : memref<512xi32, #tpu.memory_space<vmem>>, vector<16xi32>,
    %add3A_163 = arith.addi %mul3A_3, %get3A_162 : vector<16xi32>
    tpu.vector_store_idx %arg6[%add3A_163], %broadcast_in_dim3A_4 {add = true} : memref<8192xf32, #tpu.memory_space<vmem>>[vector<16xi32>], vector<16xf32>,
    %get3A_164 = arith.constant 208 : index
    %get3A_165 = tpu.vector_load %arg5[%get3A_164] {strides = array<i32>} : memref<512xi32, #tpu.memory_space<vmem>>, vector<16xi32>,
    %add3A_166 = arith.addi %mul3A_3, %get3A_165 : vector<16xi32>
    tpu.vector_store_idx %arg6[%add3A_166], %broadcast_in_dim3A_4 {add = true} : memref<8192xf32, #tpu.memory_space<vmem>>[vector<16xi32>], vector<16xf32>,
    %get3A_167 = arith.constant 224 : index
    %get3A_168 = tpu.vector_load %arg5[%get3A_167] {strides = array<i32>} : memref<512xi32, #tpu.memory_space<vmem>>, vector<16xi32>,
    %add3A_169 = arith.addi %mul3A_3, %get3A_168 : vector<16xi32>
    tpu.vector_store_idx %arg6[%add3A_169], %broadcast_in_dim3A_4 {add = true} : memref<8192xf32, #tpu.memory_space<vmem>>[vector<16xi32>], vector<16xf32>,
    %get3A_170 = arith.constant 240 : index
    %get3A_171 = tpu.vector_load %arg5[%get3A_170] {strides = array<i32>} : memref<512xi32, #tpu.memory_space<vmem>>, vector<16xi32>,
    %add3A_172 = arith.addi %mul3A_3, %get3A_171 : vector<16xi32>
    tpu.vector_store_idx %arg6[%add3A_172], %broadcast_in_dim3A_4 {add = true} : memref<8192xf32, #tpu.memory_space<vmem>>[vector<16xi32>], vector<16xf32>,
    %get3A_173 = arith.constant 256 : index
    %get3A_174 = tpu.vector_load %arg5[%get3A_173] {strides = array<i32>} : memref<512xi32, #tpu.memory_space<vmem>>, vector<16xi32>,
    %add3A_175 = arith.addi %mul3A_3, %get3A_174 : vector<16xi32>
    tpu.vector_store_idx %arg6[%add3A_175], %broadcast_in_dim3A_4 {add = true} : memref<8192xf32, #tpu.memory_space<vmem>>[vector<16xi32>], vector<16xf32>,
    %get3A_176 = arith.constant 272 : index
    %get3A_177 = tpu.vector_load %arg5[%get3A_176] {strides = array<i32>} : memref<512xi32, #tpu.memory_space<vmem>>, vector<16xi32>,
    %add3A_178 = arith.addi %mul3A_3, %get3A_177 : vector<16xi32>
    tpu.vector_store_idx %arg6[%add3A_178], %broadcast_in_dim3A_4 {add = true} : memref<8192xf32, #tpu.memory_space<vmem>>[vector<16xi32>], vector<16xf32>,
    %get3A_179 = arith.constant 288 : index
    %get3A_180 = tpu.vector_load %arg5[%get3A_179] {strides = array<i32>} : memref<512xi32, #tpu.memory_space<vmem>>, vector<16xi32>,
    %add3A_181 = arith.addi %mul3A_3, %get3A_180 : vector<16xi32>
    tpu.vector_store_idx %arg6[%add3A_181], %broadcast_in_dim3A_4 {add = true} : memref<8192xf32, #tpu.memory_space<vmem>>[vector<16xi32>], vector<16xf32>,
    %get3A_182 = arith.constant 304 : index
    %get3A_183 = tpu.vector_load %arg5[%get3A_182] {strides = array<i32>} : memref<512xi32, #tpu.memory_space<vmem>>, vector<16xi32>,
    %add3A_184 = arith.addi %mul3A_3, %get3A_183 : vector<16xi32>
    tpu.vector_store_idx %arg6[%add3A_184], %broadcast_in_dim3A_4 {add = true} : memref<8192xf32, #tpu.memory_space<vmem>>[vector<16xi32>], vector<16xf32>,
    %get3A_185 = arith.constant 320 : index
    %get3A_186 = tpu.vector_load %arg5[%get3A_185] {strides = array<i32>} : memref<512xi32, #tpu.memory_space<vmem>>, vector<16xi32>,
    %add3A_187 = arith.addi %mul3A_3, %get3A_186 : vector<16xi32>
    tpu.vector_store_idx %arg6[%add3A_187], %broadcast_in_dim3A_4 {add = true} : memref<8192xf32, #tpu.memory_space<vmem>>[vector<16xi32>], vector<16xf32>,
    %get3A_188 = arith.constant 336 : index
    %get3A_189 = tpu.vector_load %arg5[%get3A_188] {strides = array<i32>} : memref<512xi32, #tpu.memory_space<vmem>>, vector<16xi32>,
    %add3A_190 = arith.addi %mul3A_3, %get3A_189 : vector<16xi32>
    tpu.vector_store_idx %arg6[%add3A_190], %broadcast_in_dim3A_4 {add = true} : memref<8192xf32, #tpu.memory_space<vmem>>[vector<16xi32>], vector<16xf32>,
    %get3A_191 = arith.constant 352 : index
    %get3A_192 = tpu.vector_load %arg5[%get3A_191] {strides = array<i32>} : memref<512xi32, #tpu.memory_space<vmem>>, vector<16xi32>,
    %add3A_193 = arith.addi %mul3A_3, %get3A_192 : vector<16xi32>
    tpu.vector_store_idx %arg6[%add3A_193], %broadcast_in_dim3A_4 {add = true} : memref<8192xf32, #tpu.memory_space<vmem>>[vector<16xi32>], vector<16xf32>,
    %get3A_194 = arith.constant 368 : index
    %get3A_195 = tpu.vector_load %arg5[%get3A_194] {strides = array<i32>} : memref<512xi32, #tpu.memory_space<vmem>>, vector<16xi32>,
    %add3A_196 = arith.addi %mul3A_3, %get3A_195 : vector<16xi32>
    tpu.vector_store_idx %arg6[%add3A_196], %broadcast_in_dim3A_4 {add = true} : memref<8192xf32, #tpu.memory_space<vmem>>[vector<16xi32>], vector<16xf32>,
    %get3A_197 = arith.constant 384 : index
    %get3A_198 = tpu.vector_load %arg5[%get3A_197] {strides = array<i32>} : memref<512xi32, #tpu.memory_space<vmem>>, vector<16xi32>,
    %add3A_199 = arith.addi %mul3A_3, %get3A_198 : vector<16xi32>
    tpu.vector_store_idx %arg6[%add3A_199], %broadcast_in_dim3A_4 {add = true} : memref<8192xf32, #tpu.memory_space<vmem>>[vector<16xi32>], vector<16xf32>,
    %get3A_200 = arith.constant 400 : index
    %get3A_201 = tpu.vector_load %arg5[%get3A_200] {strides = array<i32>} : memref<512xi32, #tpu.memory_space<vmem>>, vector<16xi32>,
    %add3A_202 = arith.addi %mul3A_3, %get3A_201 : vector<16xi32>
    tpu.vector_store_idx %arg6[%add3A_202], %broadcast_in_dim3A_4 {add = true} : memref<8192xf32, #tpu.memory_space<vmem>>[vector<16xi32>], vector<16xf32>,
    %get3A_203 = arith.constant 416 : index
    %get3A_204 = tpu.vector_load %arg5[%get3A_203] {strides = array<i32>} : memref<512xi32, #tpu.memory_space<vmem>>, vector<16xi32>,
    %add3A_205 = arith.addi %mul3A_3, %get3A_204 : vector<16xi32>
    tpu.vector_store_idx %arg6[%add3A_205], %broadcast_in_dim3A_4 {add = true} : memref<8192xf32, #tpu.memory_space<vmem>>[vector<16xi32>], vector<16xf32>,
    %get3A_206 = arith.constant 432 : index
    %get3A_207 = tpu.vector_load %arg5[%get3A_206] {strides = array<i32>} : memref<512xi32, #tpu.memory_space<vmem>>, vector<16xi32>,
    %add3A_208 = arith.addi %mul3A_3, %get3A_207 : vector<16xi32>
    tpu.vector_store_idx %arg6[%add3A_208], %broadcast_in_dim3A_4 {add = true} : memref<8192xf32, #tpu.memory_space<vmem>>[vector<16xi32>], vector<16xf32>,
    %get3A_209 = arith.constant 448 : index
    %get3A_210 = tpu.vector_load %arg5[%get3A_209] {strides = array<i32>} : memref<512xi32, #tpu.memory_space<vmem>>, vector<16xi32>,
    %add3A_211 = arith.addi %mul3A_3, %get3A_210 : vector<16xi32>
    tpu.vector_store_idx %arg6[%add3A_211], %broadcast_in_dim3A_4 {add = true} : memref<8192xf32, #tpu.memory_space<vmem>>[vector<16xi32>], vector<16xf32>,
    %get3A_212 = arith.constant 464 : index
    %get3A_213 = tpu.vector_load %arg5[%get3A_212] {strides = array<i32>} : memref<512xi32, #tpu.memory_space<vmem>>, vector<16xi32>,
    %add3A_214 = arith.addi %mul3A_3, %get3A_213 : vector<16xi32>
    tpu.vector_store_idx %arg6[%add3A_214], %broadcast_in_dim3A_4 {add = true} : memref<8192xf32, #tpu.memory_space<vmem>>[vector<16xi32>], vector<16xf32>,
    %get3A_215 = arith.constant 480 : index
    %get3A_216 = tpu.vector_load %arg5[%get3A_215] {strides = array<i32>} : memref<512xi32, #tpu.memory_space<vmem>>, vector<16xi32>,
    %add3A_217 = arith.addi %mul3A_3, %get3A_216 : vector<16xi32>
    tpu.vector_store_idx %arg6[%add3A_217], %broadcast_in_dim3A_4 {add = true} : memref<8192xf32, #tpu.memory_space<vmem>>[vector<16xi32>], vector<16xf32>,
    %get3A_218 = arith.constant 496 : index
    %get3A_219 = tpu.vector_load %arg5[%get3A_218] {strides = array<i32>} : memref<512xi32, #tpu.memory_space<vmem>>, vector<16xi32>,
    %add3A_220 = arith.addi %mul3A_3, %get3A_219 : vector<16xi32>
    tpu.vector_store_idx %arg6[%add3A_220], %broadcast_in_dim3A_4 {add = true} : memref<8192xf32, #tpu.memory_space<vmem>>[vector<16xi32>], vector<16xf32>,
    %scan3A_221 = arith.constant 0 : i32
    %scan3A_222 = arith.constant 0 : i32
    %scan3A_223 = arith.constant 32 : i32
    %scan3A_224 = arith.addi %scan3A_222, %scan3A_223 : i32
    %scan3A_225 = arith.constant 1 : i32
    scf.for %scan3A_451 = %scan3A_222 to %scan3A_224 step %scan3A_225  : i32 {
      %mul3A_452 = arith.constant 16 : i32
      %mul3A_453 = arith.muli %scan3A_451, %mul3A_452 : i32
      %get3A_454 = arith.index_cast %mul3A_453 : i32 to index
      %get3A_455 = tpu.vector_load %arg6[%get3A_454] {strides = array<i32>} : memref<8192xf32, #tpu.memory_space<vmem>>, vector<16xf32>,
      %mul3A_456 = arith.constant 16 : i32
      %mul3A_457 = arith.muli %scan3A_451, %mul3A_456 : i32
      %add3A_458 = arith.constant 512 : i32
      %add3A_459 = arith.addi %add3A_458, %mul3A_457 : i32
      %get3A_460 = arith.index_cast %add3A_459 : i32 to index
      %get3A_461 = tpu.vector_load %arg6[%get3A_460] {strides = array<i32>} : memref<8192xf32, #tpu.memory_space<vmem>>, vector<16xf32>,
      %add3A_462 = arith.addf %get3A_455, %get3A_461 : vector<16xf32>
      %mul3A_463 = arith.constant 16 : i32
      %mul3A_464 = arith.muli %scan3A_451, %mul3A_463 : i32
      %add3A_465 = arith.constant 1024 : i32
      %add3A_466 = arith.addi %add3A_465, %mul3A_464 : i32
      %get3A_467 = arith.index_cast %add3A_466 : i32 to index
      %get3A_468 = tpu.vector_load %arg6[%get3A_467] {strides = array<i32>} : memref<8192xf32, #tpu.memory_space<vmem>>, vector<16xf32>,
      %add3A_469 = arith.addf %add3A_462, %get3A_468 : vector<16xf32>
      %mul3A_470 = arith.constant 16 : i32
      %mul3A_471 = arith.muli %scan3A_451, %mul3A_470 : i32
      %add3A_472 = arith.constant 1536 : i32
      %add3A_473 = arith.addi %add3A_472, %mul3A_471 : i32
      %get3A_474 = arith.index_cast %add3A_473 : i32 to index
      %get3A_475 = tpu.vector_load %arg6[%get3A_474] {strides = array<i32>} : memref<8192xf32, #tpu.memory_space<vmem>>, vector<16xf32>,
      %add3A_476 = arith.addf %add3A_469, %get3A_475 : vector<16xf32>
      %mul3A_477 = arith.constant 16 : i32
      %mul3A_478 = arith.muli %scan3A_451, %mul3A_477 : i32
      %add3A_479 = arith.constant 2048 : i32
      %add3A_480 = arith.addi %add3A_479, %mul3A_478 : i32
      %get3A_481 = arith.index_cast %add3A_480 : i32 to index
      %get3A_482 = tpu.vector_load %arg6[%get3A_481] {strides = array<i32>} : memref<8192xf32, #tpu.memory_space<vmem>>, vector<16xf32>,
      %add3A_483 = arith.addf %add3A_476, %get3A_482 : vector<16xf32>
      %mul3A_484 = arith.constant 16 : i32
      %mul3A_485 = arith.muli %scan3A_451, %mul3A_484 : i32
      %add3A_486 = arith.constant 2560 : i32
      %add3A_487 = arith.addi %add3A_486, %mul3A_485 : i32
      %get3A_488 = arith.index_cast %add3A_487 : i32 to index
      %get3A_489 = tpu.vector_load %arg6[%get3A_488] {strides = array<i32>} : memref<8192xf32, #tpu.memory_space<vmem>>, vector<16xf32>,
      %add3A_490 = arith.addf %add3A_483, %get3A_489 : vector<16xf32>
      %mul3A_491 = arith.constant 16 : i32
      %mul3A_492 = arith.muli %scan3A_451, %mul3A_491 : i32
      %add3A_493 = arith.constant 3072 : i32
      %add3A_494 = arith.addi %add3A_493, %mul3A_492 : i32
      %get3A_495 = arith.index_cast %add3A_494 : i32 to index
      %get3A_496 = tpu.vector_load %arg6[%get3A_495] {strides = array<i32>} : memref<8192xf32, #tpu.memory_space<vmem>>, vector<16xf32>,
      %add3A_497 = arith.addf %add3A_490, %get3A_496 : vector<16xf32>
      %mul3A_498 = arith.constant 16 : i32
      %mul3A_499 = arith.muli %scan3A_451, %mul3A_498 : i32
      %add3A_500 = arith.constant 3584 : i32
      %add3A_501 = arith.addi %add3A_500, %mul3A_499 : i32
      %get3A_502 = arith.index_cast %add3A_501 : i32 to index
      %get3A_503 = tpu.vector_load %arg6[%get3A_502] {strides = array<i32>} : memref<8192xf32, #tpu.memory_space<vmem>>, vector<16xf32>,
      %add3A_504 = arith.addf %add3A_497, %get3A_503 : vector<16xf32>
      %mul3A_505 = arith.constant 16 : i32
      %mul3A_506 = arith.muli %scan3A_451, %mul3A_505 : i32
      %add3A_507 = arith.constant 4096 : i32
      %add3A_508 = arith.addi %add3A_507, %mul3A_506 : i32
      %get3A_509 = arith.index_cast %add3A_508 : i32 to index
      %get3A_510 = tpu.vector_load %arg6[%get3A_509] {strides = array<i32>} : memref<8192xf32, #tpu.memory_space<vmem>>, vector<16xf32>,
      %add3A_511 = arith.addf %add3A_504, %get3A_510 : vector<16xf32>
      %mul3A_512 = arith.constant 16 : i32
      %mul3A_513 = arith.muli %scan3A_451, %mul3A_512 : i32
      %add3A_514 = arith.constant 4608 : i32
      %add3A_515 = arith.addi %add3A_514, %mul3A_513 : i32
      %get3A_516 = arith.index_cast %add3A_515 : i32 to index
      %get3A_517 = tpu.vector_load %arg6[%get3A_516] {strides = array<i32>} : memref<8192xf32, #tpu.memory_space<vmem>>, vector<16xf32>,
      %add3A_518 = arith.addf %add3A_511, %get3A_517 : vector<16xf32>
      %mul3A_519 = arith.constant 16 : i32
      %mul3A_520 = arith.muli %scan3A_451, %mul3A_519 : i32
      %add3A_521 = arith.constant 5120 : i32
      %add3A_522 = arith.addi %add3A_521, %mul3A_520 : i32
      %get3A_523 = arith.index_cast %add3A_522 : i32 to index
      %get3A_524 = tpu.vector_load %arg6[%get3A_523] {strides = array<i32>} : memref<8192xf32, #tpu.memory_space<vmem>>, vector<16xf32>,
      %add3A_525 = arith.addf %add3A_518, %get3A_524 : vector<16xf32>
      %mul3A_526 = arith.constant 16 : i32
      %mul3A_527 = arith.muli %scan3A_451, %mul3A_526 : i32
      %add3A_528 = arith.constant 5632 : i32
      %add3A_529 = arith.addi %add3A_528, %mul3A_527 : i32
      %get3A_530 = arith.index_cast %add3A_529 : i32 to index
      %get3A_531 = tpu.vector_load %arg6[%get3A_530] {strides = array<i32>} : memref<8192xf32, #tpu.memory_space<vmem>>, vector<16xf32>,
      %add3A_532 = arith.addf %add3A_525, %get3A_531 : vector<16xf32>
      %mul3A_533 = arith.constant 16 : i32
      %mul3A_534 = arith.muli %scan3A_451, %mul3A_533 : i32
      %add3A_535 = arith.constant 6144 : i32
      %add3A_536 = arith.addi %add3A_535, %mul3A_534 : i32
      %get3A_537 = arith.index_cast %add3A_536 : i32 to index
      %get3A_538 = tpu.vector_load %arg6[%get3A_537] {strides = array<i32>} : memref<8192xf32, #tpu.memory_space<vmem>>, vector<16xf32>,
      %add3A_539 = arith.addf %add3A_532, %get3A_538 : vector<16xf32>
      %mul3A_540 = arith.constant 16 : i32
      %mul3A_541 = arith.muli %scan3A_451, %mul3A_540 : i32
      %add3A_542 = arith.constant 6656 : i32
      %add3A_543 = arith.addi %add3A_542, %mul3A_541 : i32
      %get3A_544 = arith.index_cast %add3A_543 : i32 to index
      %get3A_545 = tpu.vector_load %arg6[%get3A_544] {strides = array<i32>} : memref<8192xf32, #tpu.memory_space<vmem>>, vector<16xf32>,
      %add3A_546 = arith.addf %add3A_539, %get3A_545 : vector<16xf32>
      %mul3A_547 = arith.constant 16 : i32
      %mul3A_548 = arith.muli %scan3A_451, %mul3A_547 : i32
      %add3A_549 = arith.constant 7168 : i32
      %add3A_550 = arith.addi %add3A_549, %mul3A_548 : i32
      %get3A_551 = arith.index_cast %add3A_550 : i32 to index
      %get3A_552 = tpu.vector_load %arg6[%get3A_551] {strides = array<i32>} : memref<8192xf32, #tpu.memory_space<vmem>>, vector<16xf32>,
      %add3A_553 = arith.addf %add3A_546, %get3A_552 : vector<16xf32>
      %mul3A_554 = arith.constant 16 : i32
      %mul3A_555 = arith.muli %scan3A_451, %mul3A_554 : i32
      %add3A_556 = arith.constant 7680 : i32
      %add3A_557 = arith.addi %add3A_556, %mul3A_555 : i32
      %get3A_558 = arith.index_cast %add3A_557 : i32 to index
      %get3A_559 = tpu.vector_load %arg6[%get3A_558] {strides = array<i32>} : memref<8192xf32, #tpu.memory_space<vmem>>, vector<16xf32>,
      %add3A_560 = arith.addf %add3A_553, %get3A_559 : vector<16xf32>
      %mul3A_561 = arith.constant 16 : i32
      %mul3A_562 = arith.muli %scan3A_451, %mul3A_561 : i32
      %swap3A = arith.index_cast %mul3A_562 : i32 to index
      %swap3A_563 = tpu.vector_load %arg7[%swap3A] {strides = array<i32>} : memref<512xf32, #tpu.memory_space<vmem>>, vector<16xf32>,
      tpu.vector_store %arg7[%swap3A], %add3A_560 {strides = array<i32>} : memref<512xf32, #tpu.memory_space<vmem>>, vector<16xf32>,
    }
    %scan3A_226 = arith.constant 32 : i32
    "tpu.region"() ({
      %run_scoped3A = tpu.sem_alloc : memref<!tpu.dma_semaphore, #tpu.memory_space<semaphore_mem>>
      %dma_start3A = arith.constant 0 : i32
      %dma_start3A_451 = tpu.memref_slice %arg4[%add3A_118, %dma_start3A] : memref<64x1024xf32, #tpu.memory_space<hbm>> -> memref<1x512xf32, #tpu.memory_space<hbm>>
      %dma_start3A_452 = tpu.memref_squeeze %dma_start3A_451 : memref<1x512xf32, #tpu.memory_space<hbm>> -> memref<512xf32, #tpu.memory_space<hbm>>
      %dma_start3A_453 = arith.constant 0 : i32
      %dma_start3A_454 = tpu.memref_slice %arg4[%add3A_118, %dma_start3A_453] : memref<64x1024xf32, #tpu.memory_space<hbm>> -> memref<1x512xf32, #tpu.memory_space<hbm>>
      %dma_start3A_455 = tpu.memref_squeeze %dma_start3A_454 : memref<1x512xf32, #tpu.memory_space<hbm>> -> memref<512xf32, #tpu.memory_space<hbm>>
      tpu.enqueue_dma source(%arg7 : memref<512xf32, #tpu.memory_space<vmem>>) target(%dma_start3A_455 : memref<512xf32, #tpu.memory_space<hbm>>) target_semaphore(%run_scoped3A : memref<!tpu.dma_semaphore, #tpu.memory_space<semaphore_mem>>)
      %dma_wait3A = arith.constant 0 : i32
      %dma_wait3A_456 = tpu.memref_slice %arg4[%add3A_118, %dma_wait3A] : memref<64x1024xf32, #tpu.memory_space<hbm>> -> memref<1x512xf32, #tpu.memory_space<hbm>>
      %dma_wait3A_457 = tpu.memref_squeeze %dma_wait3A_456 : memref<1x512xf32, #tpu.memory_space<hbm>> -> memref<512xf32, #tpu.memory_space<hbm>>
      %dma_wait3A_458 = arith.constant 0 : i32
      %dma_wait3A_459 = tpu.memref_slice %arg4[%add3A_118, %dma_wait3A_458] : memref<64x1024xf32, #tpu.memory_space<hbm>> -> memref<1x512xf32, #tpu.memory_space<hbm>>
      %dma_wait3A_460 = tpu.memref_squeeze %dma_wait3A_459 : memref<1x512xf32, #tpu.memory_space<hbm>> -> memref<512xf32, #tpu.memory_space<hbm>>
      tpu.wait_dma2 semaphore(%run_scoped3A : memref<!tpu.dma_semaphore, #tpu.memory_space<semaphore_mem>>) src(%arg7 : memref<512xf32, #tpu.memory_space<vmem>>) dst(%dma_wait3A_460 : memref<512xf32, #tpu.memory_space<hbm>>)
      tpu.yield
    }) : () -> ()
    %mul3A_227 = arith.constant 2 : i32
    %mul3A_228 = arith.muli %add3A, %mul3A_227 : i32
    %add3A_229 = arith.constant 0 : i32
    %add3A_230 = arith.addi %mul3A_228, %add3A_229 : i32
    "tpu.region"() ({
      %run_scoped3A = tpu.sem_alloc : memref<!tpu.dma_semaphore, #tpu.memory_space<semaphore_mem>>
      %dma_start3A = arith.constant 0 : i32
      %dma_start3A_451 = tpu.memref_slice %arg3[%add3A_230, %dma_start3A] : memref<64x512xi32, #tpu.memory_space<hbm>> -> memref<1x512xi32, #tpu.memory_space<hbm>>
      %dma_start3A_452 = tpu.memref_squeeze %dma_start3A_451 : memref<1x512xi32, #tpu.memory_space<hbm>> -> memref<512xi32, #tpu.memory_space<hbm>>
      %dma_start3A_453 = arith.constant 0 : i32
      %dma_start3A_454 = tpu.memref_slice %arg3[%add3A_230, %dma_start3A_453] : memref<64x512xi32, #tpu.memory_space<hbm>> -> memref<1x512xi32, #tpu.memory_space<hbm>>
      %dma_start3A_455 = tpu.memref_squeeze %dma_start3A_454 : memref<1x512xi32, #tpu.memory_space<hbm>> -> memref<512xi32, #tpu.memory_space<hbm>>
      tpu.enqueue_dma source(%dma_start3A_455 : memref<512xi32, #tpu.memory_space<hbm>>) target(%arg5 : memref<512xi32, #tpu.memory_space<vmem>>) target_semaphore(%run_scoped3A : memref<!tpu.dma_semaphore, #tpu.memory_space<semaphore_mem>>)
      %dma_wait3A = arith.constant 0 : i32
      %dma_wait3A_456 = tpu.memref_slice %arg3[%add3A_230, %dma_wait3A] : memref<64x512xi32, #tpu.memory_space<hbm>> -> memref<1x512xi32, #tpu.memory_space<hbm>>
      %dma_wait3A_457 = tpu.memref_squeeze %dma_wait3A_456 : memref<1x512xi32, #tpu.memory_space<hbm>> -> memref<512xi32, #tpu.memory_space<hbm>>
      %dma_wait3A_458 = arith.constant 0 : i32
      %dma_wait3A_459 = tpu.memref_slice %arg3[%add3A_230, %dma_wait3A_458] : memref<64x512xi32, #tpu.memory_space<hbm>> -> memref<1x512xi32, #tpu.memory_space<hbm>>
      %dma_wait3A_460 = tpu.memref_squeeze %dma_wait3A_459 : memref<1x512xi32, #tpu.memory_space<hbm>> -> memref<512xi32, #tpu.memory_space<hbm>>
      tpu.wait_dma2 semaphore(%run_scoped3A : memref<!tpu.dma_semaphore, #tpu.memory_space<semaphore_mem>>) src(%dma_wait3A_460 : memref<512xi32, #tpu.memory_space<hbm>>) dst(%arg5 : memref<512xi32, #tpu.memory_space<vmem>>)
      tpu.yield
    }) : () -> ()
    %scan3A_231 = arith.constant 0 : i32
    %scan3A_232 = arith.constant 0 : i32
    %scan3A_233 = arith.constant 512 : i32
    %scan3A_234 = arith.addi %scan3A_232, %scan3A_233 : i32
    %scan3A_235 = arith.constant 8 : i32
    scf.for %scan3A_451 = %scan3A_232 to %scan3A_234 step %scan3A_235  : i32 {
      %broadcast_in_dim3A_452 = arith.constant 0.000000e+00 : f32
      %broadcast_in_dim3A_453 = vector.broadcast %broadcast_in_dim3A_452 : f32 to vector<16xf32>
      %mul3A_454 = arith.constant 16 : i32
      %mul3A_455 = arith.muli %scan3A_451, %mul3A_454 : i32
      %swap3A = arith.index_cast %mul3A_455 : i32 to index
      %swap3A_456 = tpu.vector_load %arg6[%swap3A] {strides = array<i32>} : memref<8192xf32, #tpu.memory_space<vmem>>, vector<16xf32>,
      tpu.vector_store %arg6[%swap3A], %broadcast_in_dim3A_453 {strides = array<i32>} : memref<8192xf32, #tpu.memory_space<vmem>>, vector<16xf32>,
      %scan3A_457 = arith.constant 1 : i32
      %scan3A_458 = arith.addi %scan3A_451, %scan3A_457 : i32
      %broadcast_in_dim3A_459 = arith.constant 0.000000e+00 : f32
      %broadcast_in_dim3A_460 = vector.broadcast %broadcast_in_dim3A_459 : f32 to vector<16xf32>
      %mul3A_461 = arith.constant 16 : i32
      %mul3A_462 = arith.muli %scan3A_458, %mul3A_461 : i32
      %swap3A_463 = arith.index_cast %mul3A_462 : i32 to index
      %swap3A_464 = tpu.vector_load %arg6[%swap3A_463] {strides = array<i32>} : memref<8192xf32, #tpu.memory_space<vmem>>, vector<16xf32>,
      tpu.vector_store %arg6[%swap3A_463], %broadcast_in_dim3A_460 {strides = array<i32>} : memref<8192xf32, #tpu.memory_space<vmem>>, vector<16xf32>,
      %scan3A_465 = arith.constant 2 : i32
      %scan3A_466 = arith.addi %scan3A_451, %scan3A_465 : i32
      %broadcast_in_dim3A_467 = arith.constant 0.000000e+00 : f32
      %broadcast_in_dim3A_468 = vector.broadcast %broadcast_in_dim3A_467 : f32 to vector<16xf32>
      %mul3A_469 = arith.constant 16 : i32
      %mul3A_470 = arith.muli %scan3A_466, %mul3A_469 : i32
      %swap3A_471 = arith.index_cast %mul3A_470 : i32 to index
      %swap3A_472 = tpu.vector_load %arg6[%swap3A_471] {strides = array<i32>} : memref<8192xf32, #tpu.memory_space<vmem>>, vector<16xf32>,
      tpu.vector_store %arg6[%swap3A_471], %broadcast_in_dim3A_468 {strides = array<i32>} : memref<8192xf32, #tpu.memory_space<vmem>>, vector<16xf32>,
      %scan3A_473 = arith.constant 3 : i32
      %scan3A_474 = arith.addi %scan3A_451, %scan3A_473 : i32
      %broadcast_in_dim3A_475 = arith.constant 0.000000e+00 : f32
      %broadcast_in_dim3A_476 = vector.broadcast %broadcast_in_dim3A_475 : f32 to vector<16xf32>
      %mul3A_477 = arith.constant 16 : i32
      %mul3A_478 = arith.muli %scan3A_474, %mul3A_477 : i32
      %swap3A_479 = arith.index_cast %mul3A_478 : i32 to index
      %swap3A_480 = tpu.vector_load %arg6[%swap3A_479] {strides = array<i32>} : memref<8192xf32, #tpu.memory_space<vmem>>, vector<16xf32>,
      tpu.vector_store %arg6[%swap3A_479], %broadcast_in_dim3A_476 {strides = array<i32>} : memref<8192xf32, #tpu.memory_space<vmem>>, vector<16xf32>,
      %scan3A_481 = arith.constant 4 : i32
      %scan3A_482 = arith.addi %scan3A_451, %scan3A_481 : i32
      %broadcast_in_dim3A_483 = arith.constant 0.000000e+00 : f32
      %broadcast_in_dim3A_484 = vector.broadcast %broadcast_in_dim3A_483 : f32 to vector<16xf32>
      %mul3A_485 = arith.constant 16 : i32
      %mul3A_486 = arith.muli %scan3A_482, %mul3A_485 : i32
      %swap3A_487 = arith.index_cast %mul3A_486 : i32 to index
      %swap3A_488 = tpu.vector_load %arg6[%swap3A_487] {strides = array<i32>} : memref<8192xf32, #tpu.memory_space<vmem>>, vector<16xf32>,
      tpu.vector_store %arg6[%swap3A_487], %broadcast_in_dim3A_484 {strides = array<i32>} : memref<8192xf32, #tpu.memory_space<vmem>>, vector<16xf32>,
      %scan3A_489 = arith.constant 5 : i32
      %scan3A_490 = arith.addi %scan3A_451, %scan3A_489 : i32
      %broadcast_in_dim3A_491 = arith.constant 0.000000e+00 : f32
      %broadcast_in_dim3A_492 = vector.broadcast %broadcast_in_dim3A_491 : f32 to vector<16xf32>
      %mul3A_493 = arith.constant 16 : i32
      %mul3A_494 = arith.muli %scan3A_490, %mul3A_493 : i32
      %swap3A_495 = arith.index_cast %mul3A_494 : i32 to index
      %swap3A_496 = tpu.vector_load %arg6[%swap3A_495] {strides = array<i32>} : memref<8192xf32, #tpu.memory_space<vmem>>, vector<16xf32>,
      tpu.vector_store %arg6[%swap3A_495], %broadcast_in_dim3A_492 {strides = array<i32>} : memref<8192xf32, #tpu.memory_space<vmem>>, vector<16xf32>,
      %scan3A_497 = arith.constant 6 : i32
      %scan3A_498 = arith.addi %scan3A_451, %scan3A_497 : i32
      %broadcast_in_dim3A_499 = arith.constant 0.000000e+00 : f32
      %broadcast_in_dim3A_500 = vector.broadcast %broadcast_in_dim3A_499 : f32 to vector<16xf32>
      %mul3A_501 = arith.constant 16 : i32
      %mul3A_502 = arith.muli %scan3A_498, %mul3A_501 : i32
      %swap3A_503 = arith.index_cast %mul3A_502 : i32 to index
      %swap3A_504 = tpu.vector_load %arg6[%swap3A_503] {strides = array<i32>} : memref<8192xf32, #tpu.memory_space<vmem>>, vector<16xf32>,
      tpu.vector_store %arg6[%swap3A_503], %broadcast_in_dim3A_500 {strides = array<i32>} : memref<8192xf32, #tpu.memory_space<vmem>>, vector<16xf32>,
      %scan3A_505 = arith.constant 7 : i32
      %scan3A_506 = arith.addi %scan3A_451, %scan3A_505 : i32
      %broadcast_in_dim3A_507 = arith.constant 0.000000e+00 : f32
      %broadcast_in_dim3A_508 = vector.broadcast %broadcast_in_dim3A_507 : f32 to vector<16xf32>
      %mul3A_509 = arith.constant 16 : i32
      %mul3A_510 = arith.muli %scan3A_506, %mul3A_509 : i32
      %swap3A_511 = arith.index_cast %mul3A_510 : i32 to index
      %swap3A_512 = tpu.vector_load %arg6[%swap3A_511] {strides = array<i32>} : memref<8192xf32, #tpu.memory_space<vmem>>, vector<16xf32>,
      tpu.vector_store %arg6[%swap3A_511], %broadcast_in_dim3A_508 {strides = array<i32>} : memref<8192xf32, #tpu.memory_space<vmem>>, vector<16xf32>,
    }
    %scan3A_236 = arith.constant 512 : i32
    %get3A_237 = arith.constant 0 : index
    %get3A_238 = tpu.vector_load %arg5[%get3A_237] {strides = array<i32>} : memref<512xi32, #tpu.memory_space<vmem>>, vector<16xi32>,
    %add3A_239 = arith.addi %mul3A_3, %get3A_238 : vector<16xi32>
    tpu.vector_store_idx %arg6[%add3A_239], %broadcast_in_dim3A_4 {add = true} : memref<8192xf32, #tpu.memory_space<vmem>>[vector<16xi32>], vector<16xf32>,
    %get3A_240 = arith.constant 16 : index
    %get3A_241 = tpu.vector_load %arg5[%get3A_240] {strides = array<i32>} : memref<512xi32, #tpu.memory_space<vmem>>, vector<16xi32>,
    %add3A_242 = arith.addi %mul3A_3, %get3A_241 : vector<16xi32>
    tpu.vector_store_idx %arg6[%add3A_242], %broadcast_in_dim3A_4 {add = true} : memref<8192xf32, #tpu.memory_space<vmem>>[vector<16xi32>], vector<16xf32>,
    %get3A_243 = arith.constant 32 : index
    %get3A_244 = tpu.vector_load %arg5[%get3A_243] {strides = array<i32>} : memref<512xi32, #tpu.memory_space<vmem>>, vector<16xi32>,
    %add3A_245 = arith.addi %mul3A_3, %get3A_244 : vector<16xi32>
    tpu.vector_store_idx %arg6[%add3A_245], %broadcast_in_dim3A_4 {add = true} : memref<8192xf32, #tpu.memory_space<vmem>>[vector<16xi32>], vector<16xf32>,
    %get3A_246 = arith.constant 48 : index
    %get3A_247 = tpu.vector_load %arg5[%get3A_246] {strides = array<i32>} : memref<512xi32, #tpu.memory_space<vmem>>, vector<16xi32>,
    %add3A_248 = arith.addi %mul3A_3, %get3A_247 : vector<16xi32>
    tpu.vector_store_idx %arg6[%add3A_248], %broadcast_in_dim3A_4 {add = true} : memref<8192xf32, #tpu.memory_space<vmem>>[vector<16xi32>], vector<16xf32>,
    %get3A_249 = arith.constant 64 : index
    %get3A_250 = tpu.vector_load %arg5[%get3A_249] {strides = array<i32>} : memref<512xi32, #tpu.memory_space<vmem>>, vector<16xi32>,
    %add3A_251 = arith.addi %mul3A_3, %get3A_250 : vector<16xi32>
    tpu.vector_store_idx %arg6[%add3A_251], %broadcast_in_dim3A_4 {add = true} : memref<8192xf32, #tpu.memory_space<vmem>>[vector<16xi32>], vector<16xf32>,
    %get3A_252 = arith.constant 80 : index
    %get3A_253 = tpu.vector_load %arg5[%get3A_252] {strides = array<i32>} : memref<512xi32, #tpu.memory_space<vmem>>, vector<16xi32>,
    %add3A_254 = arith.addi %mul3A_3, %get3A_253 : vector<16xi32>
    tpu.vector_store_idx %arg6[%add3A_254], %broadcast_in_dim3A_4 {add = true} : memref<8192xf32, #tpu.memory_space<vmem>>[vector<16xi32>], vector<16xf32>,
    %get3A_255 = arith.constant 96 : index
    %get3A_256 = tpu.vector_load %arg5[%get3A_255] {strides = array<i32>} : memref<512xi32, #tpu.memory_space<vmem>>, vector<16xi32>,
    %add3A_257 = arith.addi %mul3A_3, %get3A_256 : vector<16xi32>
    tpu.vector_store_idx %arg6[%add3A_257], %broadcast_in_dim3A_4 {add = true} : memref<8192xf32, #tpu.memory_space<vmem>>[vector<16xi32>], vector<16xf32>,
    %get3A_258 = arith.constant 112 : index
    %get3A_259 = tpu.vector_load %arg5[%get3A_258] {strides = array<i32>} : memref<512xi32, #tpu.memory_space<vmem>>, vector<16xi32>,
    %add3A_260 = arith.addi %mul3A_3, %get3A_259 : vector<16xi32>
    tpu.vector_store_idx %arg6[%add3A_260], %broadcast_in_dim3A_4 {add = true} : memref<8192xf32, #tpu.memory_space<vmem>>[vector<16xi32>], vector<16xf32>,
    %get3A_261 = arith.constant 128 : index
    %get3A_262 = tpu.vector_load %arg5[%get3A_261] {strides = array<i32>} : memref<512xi32, #tpu.memory_space<vmem>>, vector<16xi32>,
    %add3A_263 = arith.addi %mul3A_3, %get3A_262 : vector<16xi32>
    tpu.vector_store_idx %arg6[%add3A_263], %broadcast_in_dim3A_4 {add = true} : memref<8192xf32, #tpu.memory_space<vmem>>[vector<16xi32>], vector<16xf32>,
    %get3A_264 = arith.constant 144 : index
    %get3A_265 = tpu.vector_load %arg5[%get3A_264] {strides = array<i32>} : memref<512xi32, #tpu.memory_space<vmem>>, vector<16xi32>,
    %add3A_266 = arith.addi %mul3A_3, %get3A_265 : vector<16xi32>
    tpu.vector_store_idx %arg6[%add3A_266], %broadcast_in_dim3A_4 {add = true} : memref<8192xf32, #tpu.memory_space<vmem>>[vector<16xi32>], vector<16xf32>,
    %get3A_267 = arith.constant 160 : index
    %get3A_268 = tpu.vector_load %arg5[%get3A_267] {strides = array<i32>} : memref<512xi32, #tpu.memory_space<vmem>>, vector<16xi32>,
    %add3A_269 = arith.addi %mul3A_3, %get3A_268 : vector<16xi32>
    tpu.vector_store_idx %arg6[%add3A_269], %broadcast_in_dim3A_4 {add = true} : memref<8192xf32, #tpu.memory_space<vmem>>[vector<16xi32>], vector<16xf32>,
    %get3A_270 = arith.constant 176 : index
    %get3A_271 = tpu.vector_load %arg5[%get3A_270] {strides = array<i32>} : memref<512xi32, #tpu.memory_space<vmem>>, vector<16xi32>,
    %add3A_272 = arith.addi %mul3A_3, %get3A_271 : vector<16xi32>
    tpu.vector_store_idx %arg6[%add3A_272], %broadcast_in_dim3A_4 {add = true} : memref<8192xf32, #tpu.memory_space<vmem>>[vector<16xi32>], vector<16xf32>,
    %get3A_273 = arith.constant 192 : index
    %get3A_274 = tpu.vector_load %arg5[%get3A_273] {strides = array<i32>} : memref<512xi32, #tpu.memory_space<vmem>>, vector<16xi32>,
    %add3A_275 = arith.addi %mul3A_3, %get3A_274 : vector<16xi32>
    tpu.vector_store_idx %arg6[%add3A_275], %broadcast_in_dim3A_4 {add = true} : memref<8192xf32, #tpu.memory_space<vmem>>[vector<16xi32>], vector<16xf32>,
    %get3A_276 = arith.constant 208 : index
    %get3A_277 = tpu.vector_load %arg5[%get3A_276] {strides = array<i32>} : memref<512xi32, #tpu.memory_space<vmem>>, vector<16xi32>,
    %add3A_278 = arith.addi %mul3A_3, %get3A_277 : vector<16xi32>
    tpu.vector_store_idx %arg6[%add3A_278], %broadcast_in_dim3A_4 {add = true} : memref<8192xf32, #tpu.memory_space<vmem>>[vector<16xi32>], vector<16xf32>,
    %get3A_279 = arith.constant 224 : index
    %get3A_280 = tpu.vector_load %arg5[%get3A_279] {strides = array<i32>} : memref<512xi32, #tpu.memory_space<vmem>>, vector<16xi32>,
    %add3A_281 = arith.addi %mul3A_3, %get3A_280 : vector<16xi32>
    tpu.vector_store_idx %arg6[%add3A_281], %broadcast_in_dim3A_4 {add = true} : memref<8192xf32, #tpu.memory_space<vmem>>[vector<16xi32>], vector<16xf32>,
    %get3A_282 = arith.constant 240 : index
    %get3A_283 = tpu.vector_load %arg5[%get3A_282] {strides = array<i32>} : memref<512xi32, #tpu.memory_space<vmem>>, vector<16xi32>,
    %add3A_284 = arith.addi %mul3A_3, %get3A_283 : vector<16xi32>
    tpu.vector_store_idx %arg6[%add3A_284], %broadcast_in_dim3A_4 {add = true} : memref<8192xf32, #tpu.memory_space<vmem>>[vector<16xi32>], vector<16xf32>,
    %get3A_285 = arith.constant 256 : index
    %get3A_286 = tpu.vector_load %arg5[%get3A_285] {strides = array<i32>} : memref<512xi32, #tpu.memory_space<vmem>>, vector<16xi32>,
    %add3A_287 = arith.addi %mul3A_3, %get3A_286 : vector<16xi32>
    tpu.vector_store_idx %arg6[%add3A_287], %broadcast_in_dim3A_4 {add = true} : memref<8192xf32, #tpu.memory_space<vmem>>[vector<16xi32>], vector<16xf32>,
    %get3A_288 = arith.constant 272 : index
    %get3A_289 = tpu.vector_load %arg5[%get3A_288] {strides = array<i32>} : memref<512xi32, #tpu.memory_space<vmem>>, vector<16xi32>,
    %add3A_290 = arith.addi %mul3A_3, %get3A_289 : vector<16xi32>
    tpu.vector_store_idx %arg6[%add3A_290], %broadcast_in_dim3A_4 {add = true} : memref<8192xf32, #tpu.memory_space<vmem>>[vector<16xi32>], vector<16xf32>,
    %get3A_291 = arith.constant 288 : index
    %get3A_292 = tpu.vector_load %arg5[%get3A_291] {strides = array<i32>} : memref<512xi32, #tpu.memory_space<vmem>>, vector<16xi32>,
    %add3A_293 = arith.addi %mul3A_3, %get3A_292 : vector<16xi32>
    tpu.vector_store_idx %arg6[%add3A_293], %broadcast_in_dim3A_4 {add = true} : memref<8192xf32, #tpu.memory_space<vmem>>[vector<16xi32>], vector<16xf32>,
    %get3A_294 = arith.constant 304 : index
    %get3A_295 = tpu.vector_load %arg5[%get3A_294] {strides = array<i32>} : memref<512xi32, #tpu.memory_space<vmem>>, vector<16xi32>,
    %add3A_296 = arith.addi %mul3A_3, %get3A_295 : vector<16xi32>
    tpu.vector_store_idx %arg6[%add3A_296], %broadcast_in_dim3A_4 {add = true} : memref<8192xf32, #tpu.memory_space<vmem>>[vector<16xi32>], vector<16xf32>,
    %get3A_297 = arith.constant 320 : index
    %get3A_298 = tpu.vector_load %arg5[%get3A_297] {strides = array<i32>} : memref<512xi32, #tpu.memory_space<vmem>>, vector<16xi32>,
    %add3A_299 = arith.addi %mul3A_3, %get3A_298 : vector<16xi32>
    tpu.vector_store_idx %arg6[%add3A_299], %broadcast_in_dim3A_4 {add = true} : memref<8192xf32, #tpu.memory_space<vmem>>[vector<16xi32>], vector<16xf32>,
    %get3A_300 = arith.constant 336 : index
    %get3A_301 = tpu.vector_load %arg5[%get3A_300] {strides = array<i32>} : memref<512xi32, #tpu.memory_space<vmem>>, vector<16xi32>,
    %add3A_302 = arith.addi %mul3A_3, %get3A_301 : vector<16xi32>
    tpu.vector_store_idx %arg6[%add3A_302], %broadcast_in_dim3A_4 {add = true} : memref<8192xf32, #tpu.memory_space<vmem>>[vector<16xi32>], vector<16xf32>,
    %get3A_303 = arith.constant 352 : index
    %get3A_304 = tpu.vector_load %arg5[%get3A_303] {strides = array<i32>} : memref<512xi32, #tpu.memory_space<vmem>>, vector<16xi32>,
    %add3A_305 = arith.addi %mul3A_3, %get3A_304 : vector<16xi32>
    tpu.vector_store_idx %arg6[%add3A_305], %broadcast_in_dim3A_4 {add = true} : memref<8192xf32, #tpu.memory_space<vmem>>[vector<16xi32>], vector<16xf32>,
    %get3A_306 = arith.constant 368 : index
    %get3A_307 = tpu.vector_load %arg5[%get3A_306] {strides = array<i32>} : memref<512xi32, #tpu.memory_space<vmem>>, vector<16xi32>,
    %add3A_308 = arith.addi %mul3A_3, %get3A_307 : vector<16xi32>
    tpu.vector_store_idx %arg6[%add3A_308], %broadcast_in_dim3A_4 {add = true} : memref<8192xf32, #tpu.memory_space<vmem>>[vector<16xi32>], vector<16xf32>,
    %get3A_309 = arith.constant 384 : index
    %get3A_310 = tpu.vector_load %arg5[%get3A_309] {strides = array<i32>} : memref<512xi32, #tpu.memory_space<vmem>>, vector<16xi32>,
    %add3A_311 = arith.addi %mul3A_3, %get3A_310 : vector<16xi32>
    tpu.vector_store_idx %arg6[%add3A_311], %broadcast_in_dim3A_4 {add = true} : memref<8192xf32, #tpu.memory_space<vmem>>[vector<16xi32>], vector<16xf32>,
    %get3A_312 = arith.constant 400 : index
    %get3A_313 = tpu.vector_load %arg5[%get3A_312] {strides = array<i32>} : memref<512xi32, #tpu.memory_space<vmem>>, vector<16xi32>,
    %add3A_314 = arith.addi %mul3A_3, %get3A_313 : vector<16xi32>
    tpu.vector_store_idx %arg6[%add3A_314], %broadcast_in_dim3A_4 {add = true} : memref<8192xf32, #tpu.memory_space<vmem>>[vector<16xi32>], vector<16xf32>,
    %get3A_315 = arith.constant 416 : index
    %get3A_316 = tpu.vector_load %arg5[%get3A_315] {strides = array<i32>} : memref<512xi32, #tpu.memory_space<vmem>>, vector<16xi32>,
    %add3A_317 = arith.addi %mul3A_3, %get3A_316 : vector<16xi32>
    tpu.vector_store_idx %arg6[%add3A_317], %broadcast_in_dim3A_4 {add = true} : memref<8192xf32, #tpu.memory_space<vmem>>[vector<16xi32>], vector<16xf32>,
    %get3A_318 = arith.constant 432 : index
    %get3A_319 = tpu.vector_load %arg5[%get3A_318] {strides = array<i32>} : memref<512xi32, #tpu.memory_space<vmem>>, vector<16xi32>,
    %add3A_320 = arith.addi %mul3A_3, %get3A_319 : vector<16xi32>
    tpu.vector_store_idx %arg6[%add3A_320], %broadcast_in_dim3A_4 {add = true} : memref<8192xf32, #tpu.memory_space<vmem>>[vector<16xi32>], vector<16xf32>,
    %get3A_321 = arith.constant 448 : index
    %get3A_322 = tpu.vector_load %arg5[%get3A_321] {strides = array<i32>} : memref<512xi32, #tpu.memory_space<vmem>>, vector<16xi32>,
    %add3A_323 = arith.addi %mul3A_3, %get3A_322 : vector<16xi32>
    tpu.vector_store_idx %arg6[%add3A_323], %broadcast_in_dim3A_4 {add = true} : memref<8192xf32, #tpu.memory_space<vmem>>[vector<16xi32>], vector<16xf32>,
    %get3A_324 = arith.constant 464 : index
    %get3A_325 = tpu.vector_load %arg5[%get3A_324] {strides = array<i32>} : memref<512xi32, #tpu.memory_space<vmem>>, vector<16xi32>,
    %add3A_326 = arith.addi %mul3A_3, %get3A_325 : vector<16xi32>
    tpu.vector_store_idx %arg6[%add3A_326], %broadcast_in_dim3A_4 {add = true} : memref<8192xf32, #tpu.memory_space<vmem>>[vector<16xi32>], vector<16xf32>,
    %get3A_327 = arith.constant 480 : index
    %get3A_328 = tpu.vector_load %arg5[%get3A_327] {strides = array<i32>} : memref<512xi32, #tpu.memory_space<vmem>>, vector<16xi32>,
    %add3A_329 = arith.addi %mul3A_3, %get3A_328 : vector<16xi32>
    tpu.vector_store_idx %arg6[%add3A_329], %broadcast_in_dim3A_4 {add = true} : memref<8192xf32, #tpu.memory_space<vmem>>[vector<16xi32>], vector<16xf32>,
    %get3A_330 = arith.constant 496 : index
    %get3A_331 = tpu.vector_load %arg5[%get3A_330] {strides = array<i32>} : memref<512xi32, #tpu.memory_space<vmem>>, vector<16xi32>,
    %add3A_332 = arith.addi %mul3A_3, %get3A_331 : vector<16xi32>
    tpu.vector_store_idx %arg6[%add3A_332], %broadcast_in_dim3A_4 {add = true} : memref<8192xf32, #tpu.memory_space<vmem>>[vector<16xi32>], vector<16xf32>,
    %scan3A_333 = arith.constant 0 : i32
    %scan3A_334 = arith.constant 0 : i32
    %scan3A_335 = arith.constant 32 : i32
    %scan3A_336 = arith.addi %scan3A_334, %scan3A_335 : i32
    %scan3A_337 = arith.constant 1 : i32
    scf.for %scan3A_451 = %scan3A_334 to %scan3A_336 step %scan3A_337  : i32 {
      %mul3A_452 = arith.constant 16 : i32
      %mul3A_453 = arith.muli %scan3A_451, %mul3A_452 : i32
      %get3A_454 = arith.index_cast %mul3A_453 : i32 to index
      %get3A_455 = tpu.vector_load %arg6[%get3A_454] {strides = array<i32>} : memref<8192xf32, #tpu.memory_space<vmem>>, vector<16xf32>,
      %mul3A_456 = arith.constant 16 : i32
      %mul3A_457 = arith.muli %scan3A_451, %mul3A_456 : i32
      %add3A_458 = arith.constant 512 : i32
      %add3A_459 = arith.addi %add3A_458, %mul3A_457 : i32
      %get3A_460 = arith.index_cast %add3A_459 : i32 to index
      %get3A_461 = tpu.vector_load %arg6[%get3A_460] {strides = array<i32>} : memref<8192xf32, #tpu.memory_space<vmem>>, vector<16xf32>,
      %add3A_462 = arith.addf %get3A_455, %get3A_461 : vector<16xf32>
      %mul3A_463 = arith.constant 16 : i32
      %mul3A_464 = arith.muli %scan3A_451, %mul3A_463 : i32
      %add3A_465 = arith.constant 1024 : i32
      %add3A_466 = arith.addi %add3A_465, %mul3A_464 : i32
      %get3A_467 = arith.index_cast %add3A_466 : i32 to index
      %get3A_468 = tpu.vector_load %arg6[%get3A_467] {strides = array<i32>} : memref<8192xf32, #tpu.memory_space<vmem>>, vector<16xf32>,
      %add3A_469 = arith.addf %add3A_462, %get3A_468 : vector<16xf32>
      %mul3A_470 = arith.constant 16 : i32
      %mul3A_471 = arith.muli %scan3A_451, %mul3A_470 : i32
      %add3A_472 = arith.constant 1536 : i32
      %add3A_473 = arith.addi %add3A_472, %mul3A_471 : i32
      %get3A_474 = arith.index_cast %add3A_473 : i32 to index
      %get3A_475 = tpu.vector_load %arg6[%get3A_474] {strides = array<i32>} : memref<8192xf32, #tpu.memory_space<vmem>>, vector<16xf32>,
      %add3A_476 = arith.addf %add3A_469, %get3A_475 : vector<16xf32>
      %mul3A_477 = arith.constant 16 : i32
      %mul3A_478 = arith.muli %scan3A_451, %mul3A_477 : i32
      %add3A_479 = arith.constant 2048 : i32
      %add3A_480 = arith.addi %add3A_479, %mul3A_478 : i32
      %get3A_481 = arith.index_cast %add3A_480 : i32 to index
      %get3A_482 = tpu.vector_load %arg6[%get3A_481] {strides = array<i32>} : memref<8192xf32, #tpu.memory_space<vmem>>, vector<16xf32>,
      %add3A_483 = arith.addf %add3A_476, %get3A_482 : vector<16xf32>
      %mul3A_484 = arith.constant 16 : i32
      %mul3A_485 = arith.muli %scan3A_451, %mul3A_484 : i32
      %add3A_486 = arith.constant 2560 : i32
      %add3A_487 = arith.addi %add3A_486, %mul3A_485 : i32
      %get3A_488 = arith.index_cast %add3A_487 : i32 to index
      %get3A_489 = tpu.vector_load %arg6[%get3A_488] {strides = array<i32>} : memref<8192xf32, #tpu.memory_space<vmem>>, vector<16xf32>,
      %add3A_490 = arith.addf %add3A_483, %get3A_489 : vector<16xf32>
      %mul3A_491 = arith.constant 16 : i32
      %mul3A_492 = arith.muli %scan3A_451, %mul3A_491 : i32
      %add3A_493 = arith.constant 3072 : i32
      %add3A_494 = arith.addi %add3A_493, %mul3A_492 : i32
      %get3A_495 = arith.index_cast %add3A_494 : i32 to index
      %get3A_496 = tpu.vector_load %arg6[%get3A_495] {strides = array<i32>} : memref<8192xf32, #tpu.memory_space<vmem>>, vector<16xf32>,
      %add3A_497 = arith.addf %add3A_490, %get3A_496 : vector<16xf32>
      %mul3A_498 = arith.constant 16 : i32
      %mul3A_499 = arith.muli %scan3A_451, %mul3A_498 : i32
      %add3A_500 = arith.constant 3584 : i32
      %add3A_501 = arith.addi %add3A_500, %mul3A_499 : i32
      %get3A_502 = arith.index_cast %add3A_501 : i32 to index
      %get3A_503 = tpu.vector_load %arg6[%get3A_502] {strides = array<i32>} : memref<8192xf32, #tpu.memory_space<vmem>>, vector<16xf32>,
      %add3A_504 = arith.addf %add3A_497, %get3A_503 : vector<16xf32>
      %mul3A_505 = arith.constant 16 : i32
      %mul3A_506 = arith.muli %scan3A_451, %mul3A_505 : i32
      %add3A_507 = arith.constant 4096 : i32
      %add3A_508 = arith.addi %add3A_507, %mul3A_506 : i32
      %get3A_509 = arith.index_cast %add3A_508 : i32 to index
      %get3A_510 = tpu.vector_load %arg6[%get3A_509] {strides = array<i32>} : memref<8192xf32, #tpu.memory_space<vmem>>, vector<16xf32>,
      %add3A_511 = arith.addf %add3A_504, %get3A_510 : vector<16xf32>
      %mul3A_512 = arith.constant 16 : i32
      %mul3A_513 = arith.muli %scan3A_451, %mul3A_512 : i32
      %add3A_514 = arith.constant 4608 : i32
      %add3A_515 = arith.addi %add3A_514, %mul3A_513 : i32
      %get3A_516 = arith.index_cast %add3A_515 : i32 to index
      %get3A_517 = tpu.vector_load %arg6[%get3A_516] {strides = array<i32>} : memref<8192xf32, #tpu.memory_space<vmem>>, vector<16xf32>,
      %add3A_518 = arith.addf %add3A_511, %get3A_517 : vector<16xf32>
      %mul3A_519 = arith.constant 16 : i32
      %mul3A_520 = arith.muli %scan3A_451, %mul3A_519 : i32
      %add3A_521 = arith.constant 5120 : i32
      %add3A_522 = arith.addi %add3A_521, %mul3A_520 : i32
      %get3A_523 = arith.index_cast %add3A_522 : i32 to index
      %get3A_524 = tpu.vector_load %arg6[%get3A_523] {strides = array<i32>} : memref<8192xf32, #tpu.memory_space<vmem>>, vector<16xf32>,
      %add3A_525 = arith.addf %add3A_518, %get3A_524 : vector<16xf32>
      %mul3A_526 = arith.constant 16 : i32
      %mul3A_527 = arith.muli %scan3A_451, %mul3A_526 : i32
      %add3A_528 = arith.constant 5632 : i32
      %add3A_529 = arith.addi %add3A_528, %mul3A_527 : i32
      %get3A_530 = arith.index_cast %add3A_529 : i32 to index
      %get3A_531 = tpu.vector_load %arg6[%get3A_530] {strides = array<i32>} : memref<8192xf32, #tpu.memory_space<vmem>>, vector<16xf32>,
      %add3A_532 = arith.addf %add3A_525, %get3A_531 : vector<16xf32>
      %mul3A_533 = arith.constant 16 : i32
      %mul3A_534 = arith.muli %scan3A_451, %mul3A_533 : i32
      %add3A_535 = arith.constant 6144 : i32
      %add3A_536 = arith.addi %add3A_535, %mul3A_534 : i32
      %get3A_537 = arith.index_cast %add3A_536 : i32 to index
      %get3A_538 = tpu.vector_load %arg6[%get3A_537] {strides = array<i32>} : memref<8192xf32, #tpu.memory_space<vmem>>, vector<16xf32>,
      %add3A_539 = arith.addf %add3A_532, %get3A_538 : vector<16xf32>
      %mul3A_540 = arith.constant 16 : i32
      %mul3A_541 = arith.muli %scan3A_451, %mul3A_540 : i32
      %add3A_542 = arith.constant 6656 : i32
      %add3A_543 = arith.addi %add3A_542, %mul3A_541 : i32
      %get3A_544 = arith.index_cast %add3A_543 : i32 to index
      %get3A_545 = tpu.vector_load %arg6[%get3A_544] {strides = array<i32>} : memref<8192xf32, #tpu.memory_space<vmem>>, vector<16xf32>,
      %add3A_546 = arith.addf %add3A_539, %get3A_545 : vector<16xf32>
      %mul3A_547 = arith.constant 16 : i32
      %mul3A_548 = arith.muli %scan3A_451, %mul3A_547 : i32
      %add3A_549 = arith.constant 7168 : i32
      %add3A_550 = arith.addi %add3A_549, %mul3A_548 : i32
      %get3A_551 = arith.index_cast %add3A_550 : i32 to index
      %get3A_552 = tpu.vector_load %arg6[%get3A_551] {strides = array<i32>} : memref<8192xf32, #tpu.memory_space<vmem>>, vector<16xf32>,
      %add3A_553 = arith.addf %add3A_546, %get3A_552 : vector<16xf32>
      %mul3A_554 = arith.constant 16 : i32
      %mul3A_555 = arith.muli %scan3A_451, %mul3A_554 : i32
      %add3A_556 = arith.constant 7680 : i32
      %add3A_557 = arith.addi %add3A_556, %mul3A_555 : i32
      %get3A_558 = arith.index_cast %add3A_557 : i32 to index
      %get3A_559 = tpu.vector_load %arg6[%get3A_558] {strides = array<i32>} : memref<8192xf32, #tpu.memory_space<vmem>>, vector<16xf32>,
      %add3A_560 = arith.addf %add3A_553, %get3A_559 : vector<16xf32>
      %mul3A_561 = arith.constant 16 : i32
      %mul3A_562 = arith.muli %scan3A_451, %mul3A_561 : i32
      %swap3A = arith.index_cast %mul3A_562 : i32 to index
      %swap3A_563 = tpu.vector_load %arg7[%swap3A] {strides = array<i32>} : memref<512xf32, #tpu.memory_space<vmem>>, vector<16xf32>,
      tpu.vector_store %arg7[%swap3A], %add3A_560 {strides = array<i32>} : memref<512xf32, #tpu.memory_space<vmem>>, vector<16xf32>,
    }
    %scan3A_338 = arith.constant 32 : i32
    "tpu.region"() ({
      %run_scoped3A = tpu.sem_alloc : memref<!tpu.dma_semaphore, #tpu.memory_space<semaphore_mem>>
      %dma_start3A = arith.constant 512 : i32
      %dma_start3A_451 = tpu.memref_slice %arg4[%add3A_230, %dma_start3A] : memref<64x1024xf32, #tpu.memory_space<hbm>> -> memref<1x512xf32, #tpu.memory_space<hbm>>
      %dma_start3A_452 = tpu.memref_squeeze %dma_start3A_451 : memref<1x512xf32, #tpu.memory_space<hbm>> -> memref<512xf32, #tpu.memory_space<hbm>>
      %dma_start3A_453 = arith.constant 512 : i32
      %dma_start3A_454 = tpu.memref_slice %arg4[%add3A_230, %dma_start3A_453] : memref<64x1024xf32, #tpu.memory_space<hbm>> -> memref<1x512xf32, #tpu.memory_space<hbm>>
      %dma_start3A_455 = tpu.memref_squeeze %dma_start3A_454 : memref<1x512xf32, #tpu.memory_space<hbm>> -> memref<512xf32, #tpu.memory_space<hbm>>
      tpu.enqueue_dma source(%arg7 : memref<512xf32, #tpu.memory_space<vmem>>) target(%dma_start3A_455 : memref<512xf32, #tpu.memory_space<hbm>>) target_semaphore(%run_scoped3A : memref<!tpu.dma_semaphore, #tpu.memory_space<semaphore_mem>>)
      %dma_wait3A = arith.constant 512 : i32
      %dma_wait3A_456 = tpu.memref_slice %arg4[%add3A_230, %dma_wait3A] : memref<64x1024xf32, #tpu.memory_space<hbm>> -> memref<1x512xf32, #tpu.memory_space<hbm>>
      %dma_wait3A_457 = tpu.memref_squeeze %dma_wait3A_456 : memref<1x512xf32, #tpu.memory_space<hbm>> -> memref<512xf32, #tpu.memory_space<hbm>>
      %dma_wait3A_458 = arith.constant 512 : i32
      %dma_wait3A_459 = tpu.memref_slice %arg4[%add3A_230, %dma_wait3A_458] : memref<64x1024xf32, #tpu.memory_space<hbm>> -> memref<1x512xf32, #tpu.memory_space<hbm>>
      %dma_wait3A_460 = tpu.memref_squeeze %dma_wait3A_459 : memref<1x512xf32, #tpu.memory_space<hbm>> -> memref<512xf32, #tpu.memory_space<hbm>>
      tpu.wait_dma2 semaphore(%run_scoped3A : memref<!tpu.dma_semaphore, #tpu.memory_space<semaphore_mem>>) src(%arg7 : memref<512xf32, #tpu.memory_space<vmem>>) dst(%dma_wait3A_460 : memref<512xf32, #tpu.memory_space<hbm>>)
      tpu.yield
    }) : () -> ()
    %mul3A_339 = arith.constant 2 : i32
    %mul3A_340 = arith.muli %add3A, %mul3A_339 : i32
    %add3A_341 = arith.constant 1 : i32
    %add3A_342 = arith.addi %mul3A_340, %add3A_341 : i32
    "tpu.region"() ({
      %run_scoped3A = tpu.sem_alloc : memref<!tpu.dma_semaphore, #tpu.memory_space<semaphore_mem>>
      %dma_start3A = arith.constant 0 : i32
      %dma_start3A_451 = tpu.memref_slice %arg3[%add3A_342, %dma_start3A] : memref<64x512xi32, #tpu.memory_space<hbm>> -> memref<1x512xi32, #tpu.memory_space<hbm>>
      %dma_start3A_452 = tpu.memref_squeeze %dma_start3A_451 : memref<1x512xi32, #tpu.memory_space<hbm>> -> memref<512xi32, #tpu.memory_space<hbm>>
      %dma_start3A_453 = arith.constant 0 : i32
      %dma_start3A_454 = tpu.memref_slice %arg3[%add3A_342, %dma_start3A_453] : memref<64x512xi32, #tpu.memory_space<hbm>> -> memref<1x512xi32, #tpu.memory_space<hbm>>
      %dma_start3A_455 = tpu.memref_squeeze %dma_start3A_454 : memref<1x512xi32, #tpu.memory_space<hbm>> -> memref<512xi32, #tpu.memory_space<hbm>>
      tpu.enqueue_dma source(%dma_start3A_455 : memref<512xi32, #tpu.memory_space<hbm>>) target(%arg5 : memref<512xi32, #tpu.memory_space<vmem>>) target_semaphore(%run_scoped3A : memref<!tpu.dma_semaphore, #tpu.memory_space<semaphore_mem>>)
      %dma_wait3A = arith.constant 0 : i32
      %dma_wait3A_456 = tpu.memref_slice %arg3[%add3A_342, %dma_wait3A] : memref<64x512xi32, #tpu.memory_space<hbm>> -> memref<1x512xi32, #tpu.memory_space<hbm>>
      %dma_wait3A_457 = tpu.memref_squeeze %dma_wait3A_456 : memref<1x512xi32, #tpu.memory_space<hbm>> -> memref<512xi32, #tpu.memory_space<hbm>>
      %dma_wait3A_458 = arith.constant 0 : i32
      %dma_wait3A_459 = tpu.memref_slice %arg3[%add3A_342, %dma_wait3A_458] : memref<64x512xi32, #tpu.memory_space<hbm>> -> memref<1x512xi32, #tpu.memory_space<hbm>>
      %dma_wait3A_460 = tpu.memref_squeeze %dma_wait3A_459 : memref<1x512xi32, #tpu.memory_space<hbm>> -> memref<512xi32, #tpu.memory_space<hbm>>
      tpu.wait_dma2 semaphore(%run_scoped3A : memref<!tpu.dma_semaphore, #tpu.memory_space<semaphore_mem>>) src(%dma_wait3A_460 : memref<512xi32, #tpu.memory_space<hbm>>) dst(%arg5 : memref<512xi32, #tpu.memory_space<vmem>>)
      tpu.yield
    }) : () -> ()
    %scan3A_343 = arith.constant 0 : i32
    %scan3A_344 = arith.constant 0 : i32
    %scan3A_345 = arith.constant 512 : i32
    %scan3A_346 = arith.addi %scan3A_344, %scan3A_345 : i32
    %scan3A_347 = arith.constant 8 : i32
    scf.for %scan3A_451 = %scan3A_344 to %scan3A_346 step %scan3A_347  : i32 {
      %broadcast_in_dim3A_452 = arith.constant 0.000000e+00 : f32
      %broadcast_in_dim3A_453 = vector.broadcast %broadcast_in_dim3A_452 : f32 to vector<16xf32>
      %mul3A_454 = arith.constant 16 : i32
      %mul3A_455 = arith.muli %scan3A_451, %mul3A_454 : i32
      %swap3A = arith.index_cast %mul3A_455 : i32 to index
      %swap3A_456 = tpu.vector_load %arg6[%swap3A] {strides = array<i32>} : memref<8192xf32, #tpu.memory_space<vmem>>, vector<16xf32>,
      tpu.vector_store %arg6[%swap3A], %broadcast_in_dim3A_453 {strides = array<i32>} : memref<8192xf32, #tpu.memory_space<vmem>>, vector<16xf32>,
      %scan3A_457 = arith.constant 1 : i32
      %scan3A_458 = arith.addi %scan3A_451, %scan3A_457 : i32
      %broadcast_in_dim3A_459 = arith.constant 0.000000e+00 : f32
      %broadcast_in_dim3A_460 = vector.broadcast %broadcast_in_dim3A_459 : f32 to vector<16xf32>
      %mul3A_461 = arith.constant 16 : i32
      %mul3A_462 = arith.muli %scan3A_458, %mul3A_461 : i32
      %swap3A_463 = arith.index_cast %mul3A_462 : i32 to index
      %swap3A_464 = tpu.vector_load %arg6[%swap3A_463] {strides = array<i32>} : memref<8192xf32, #tpu.memory_space<vmem>>, vector<16xf32>,
      tpu.vector_store %arg6[%swap3A_463], %broadcast_in_dim3A_460 {strides = array<i32>} : memref<8192xf32, #tpu.memory_space<vmem>>, vector<16xf32>,
      %scan3A_465 = arith.constant 2 : i32
      %scan3A_466 = arith.addi %scan3A_451, %scan3A_465 : i32
      %broadcast_in_dim3A_467 = arith.constant 0.000000e+00 : f32
      %broadcast_in_dim3A_468 = vector.broadcast %broadcast_in_dim3A_467 : f32 to vector<16xf32>
      %mul3A_469 = arith.constant 16 : i32
      %mul3A_470 = arith.muli %scan3A_466, %mul3A_469 : i32
      %swap3A_471 = arith.index_cast %mul3A_470 : i32 to index
      %swap3A_472 = tpu.vector_load %arg6[%swap3A_471] {strides = array<i32>} : memref<8192xf32, #tpu.memory_space<vmem>>, vector<16xf32>,
      tpu.vector_store %arg6[%swap3A_471], %broadcast_in_dim3A_468 {strides = array<i32>} : memref<8192xf32, #tpu.memory_space<vmem>>, vector<16xf32>,
      %scan3A_473 = arith.constant 3 : i32
      %scan3A_474 = arith.addi %scan3A_451, %scan3A_473 : i32
      %broadcast_in_dim3A_475 = arith.constant 0.000000e+00 : f32
      %broadcast_in_dim3A_476 = vector.broadcast %broadcast_in_dim3A_475 : f32 to vector<16xf32>
      %mul3A_477 = arith.constant 16 : i32
      %mul3A_478 = arith.muli %scan3A_474, %mul3A_477 : i32
      %swap3A_479 = arith.index_cast %mul3A_478 : i32 to index
      %swap3A_480 = tpu.vector_load %arg6[%swap3A_479] {strides = array<i32>} : memref<8192xf32, #tpu.memory_space<vmem>>, vector<16xf32>,
      tpu.vector_store %arg6[%swap3A_479], %broadcast_in_dim3A_476 {strides = array<i32>} : memref<8192xf32, #tpu.memory_space<vmem>>, vector<16xf32>,
      %scan3A_481 = arith.constant 4 : i32
      %scan3A_482 = arith.addi %scan3A_451, %scan3A_481 : i32
      %broadcast_in_dim3A_483 = arith.constant 0.000000e+00 : f32
      %broadcast_in_dim3A_484 = vector.broadcast %broadcast_in_dim3A_483 : f32 to vector<16xf32>
      %mul3A_485 = arith.constant 16 : i32
      %mul3A_486 = arith.muli %scan3A_482, %mul3A_485 : i32
      %swap3A_487 = arith.index_cast %mul3A_486 : i32 to index
      %swap3A_488 = tpu.vector_load %arg6[%swap3A_487] {strides = array<i32>} : memref<8192xf32, #tpu.memory_space<vmem>>, vector<16xf32>,
      tpu.vector_store %arg6[%swap3A_487], %broadcast_in_dim3A_484 {strides = array<i32>} : memref<8192xf32, #tpu.memory_space<vmem>>, vector<16xf32>,
      %scan3A_489 = arith.constant 5 : i32
      %scan3A_490 = arith.addi %scan3A_451, %scan3A_489 : i32
      %broadcast_in_dim3A_491 = arith.constant 0.000000e+00 : f32
      %broadcast_in_dim3A_492 = vector.broadcast %broadcast_in_dim3A_491 : f32 to vector<16xf32>
      %mul3A_493 = arith.constant 16 : i32
      %mul3A_494 = arith.muli %scan3A_490, %mul3A_493 : i32
      %swap3A_495 = arith.index_cast %mul3A_494 : i32 to index
      %swap3A_496 = tpu.vector_load %arg6[%swap3A_495] {strides = array<i32>} : memref<8192xf32, #tpu.memory_space<vmem>>, vector<16xf32>,
      tpu.vector_store %arg6[%swap3A_495], %broadcast_in_dim3A_492 {strides = array<i32>} : memref<8192xf32, #tpu.memory_space<vmem>>, vector<16xf32>,
      %scan3A_497 = arith.constant 6 : i32
      %scan3A_498 = arith.addi %scan3A_451, %scan3A_497 : i32
      %broadcast_in_dim3A_499 = arith.constant 0.000000e+00 : f32
      %broadcast_in_dim3A_500 = vector.broadcast %broadcast_in_dim3A_499 : f32 to vector<16xf32>
      %mul3A_501 = arith.constant 16 : i32
      %mul3A_502 = arith.muli %scan3A_498, %mul3A_501 : i32
      %swap3A_503 = arith.index_cast %mul3A_502 : i32 to index
      %swap3A_504 = tpu.vector_load %arg6[%swap3A_503] {strides = array<i32>} : memref<8192xf32, #tpu.memory_space<vmem>>, vector<16xf32>,
      tpu.vector_store %arg6[%swap3A_503], %broadcast_in_dim3A_500 {strides = array<i32>} : memref<8192xf32, #tpu.memory_space<vmem>>, vector<16xf32>,
      %scan3A_505 = arith.constant 7 : i32
      %scan3A_506 = arith.addi %scan3A_451, %scan3A_505 : i32
      %broadcast_in_dim3A_507 = arith.constant 0.000000e+00 : f32
      %broadcast_in_dim3A_508 = vector.broadcast %broadcast_in_dim3A_507 : f32 to vector<16xf32>
      %mul3A_509 = arith.constant 16 : i32
      %mul3A_510 = arith.muli %scan3A_506, %mul3A_509 : i32
      %swap3A_511 = arith.index_cast %mul3A_510 : i32 to index
      %swap3A_512 = tpu.vector_load %arg6[%swap3A_511] {strides = array<i32>} : memref<8192xf32, #tpu.memory_space<vmem>>, vector<16xf32>,
      tpu.vector_store %arg6[%swap3A_511], %broadcast_in_dim3A_508 {strides = array<i32>} : memref<8192xf32, #tpu.memory_space<vmem>>, vector<16xf32>,
    }
    %scan3A_348 = arith.constant 512 : i32
    %get3A_349 = arith.constant 0 : index
    %get3A_350 = tpu.vector_load %arg5[%get3A_349] {strides = array<i32>} : memref<512xi32, #tpu.memory_space<vmem>>, vector<16xi32>,
    %add3A_351 = arith.addi %mul3A_3, %get3A_350 : vector<16xi32>
    tpu.vector_store_idx %arg6[%add3A_351], %broadcast_in_dim3A_4 {add = true} : memref<8192xf32, #tpu.memory_space<vmem>>[vector<16xi32>], vector<16xf32>,
    %get3A_352 = arith.constant 16 : index
    %get3A_353 = tpu.vector_load %arg5[%get3A_352] {strides = array<i32>} : memref<512xi32, #tpu.memory_space<vmem>>, vector<16xi32>,
    %add3A_354 = arith.addi %mul3A_3, %get3A_353 : vector<16xi32>
    tpu.vector_store_idx %arg6[%add3A_354], %broadcast_in_dim3A_4 {add = true} : memref<8192xf32, #tpu.memory_space<vmem>>[vector<16xi32>], vector<16xf32>,
    %get3A_355 = arith.constant 32 : index
    %get3A_356 = tpu.vector_load %arg5[%get3A_355] {strides = array<i32>} : memref<512xi32, #tpu.memory_space<vmem>>, vector<16xi32>,
    %add3A_357 = arith.addi %mul3A_3, %get3A_356 : vector<16xi32>
    tpu.vector_store_idx %arg6[%add3A_357], %broadcast_in_dim3A_4 {add = true} : memref<8192xf32, #tpu.memory_space<vmem>>[vector<16xi32>], vector<16xf32>,
    %get3A_358 = arith.constant 48 : index
    %get3A_359 = tpu.vector_load %arg5[%get3A_358] {strides = array<i32>} : memref<512xi32, #tpu.memory_space<vmem>>, vector<16xi32>,
    %add3A_360 = arith.addi %mul3A_3, %get3A_359 : vector<16xi32>
    tpu.vector_store_idx %arg6[%add3A_360], %broadcast_in_dim3A_4 {add = true} : memref<8192xf32, #tpu.memory_space<vmem>>[vector<16xi32>], vector<16xf32>,
    %get3A_361 = arith.constant 64 : index
    %get3A_362 = tpu.vector_load %arg5[%get3A_361] {strides = array<i32>} : memref<512xi32, #tpu.memory_space<vmem>>, vector<16xi32>,
    %add3A_363 = arith.addi %mul3A_3, %get3A_362 : vector<16xi32>
    tpu.vector_store_idx %arg6[%add3A_363], %broadcast_in_dim3A_4 {add = true} : memref<8192xf32, #tpu.memory_space<vmem>>[vector<16xi32>], vector<16xf32>,
    %get3A_364 = arith.constant 80 : index
    %get3A_365 = tpu.vector_load %arg5[%get3A_364] {strides = array<i32>} : memref<512xi32, #tpu.memory_space<vmem>>, vector<16xi32>,
    %add3A_366 = arith.addi %mul3A_3, %get3A_365 : vector<16xi32>
    tpu.vector_store_idx %arg6[%add3A_366], %broadcast_in_dim3A_4 {add = true} : memref<8192xf32, #tpu.memory_space<vmem>>[vector<16xi32>], vector<16xf32>,
    %get3A_367 = arith.constant 96 : index
    %get3A_368 = tpu.vector_load %arg5[%get3A_367] {strides = array<i32>} : memref<512xi32, #tpu.memory_space<vmem>>, vector<16xi32>,
    %add3A_369 = arith.addi %mul3A_3, %get3A_368 : vector<16xi32>
    tpu.vector_store_idx %arg6[%add3A_369], %broadcast_in_dim3A_4 {add = true} : memref<8192xf32, #tpu.memory_space<vmem>>[vector<16xi32>], vector<16xf32>,
    %get3A_370 = arith.constant 112 : index
    %get3A_371 = tpu.vector_load %arg5[%get3A_370] {strides = array<i32>} : memref<512xi32, #tpu.memory_space<vmem>>, vector<16xi32>,
    %add3A_372 = arith.addi %mul3A_3, %get3A_371 : vector<16xi32>
    tpu.vector_store_idx %arg6[%add3A_372], %broadcast_in_dim3A_4 {add = true} : memref<8192xf32, #tpu.memory_space<vmem>>[vector<16xi32>], vector<16xf32>,
    %get3A_373 = arith.constant 128 : index
    %get3A_374 = tpu.vector_load %arg5[%get3A_373] {strides = array<i32>} : memref<512xi32, #tpu.memory_space<vmem>>, vector<16xi32>,
    %add3A_375 = arith.addi %mul3A_3, %get3A_374 : vector<16xi32>
    tpu.vector_store_idx %arg6[%add3A_375], %broadcast_in_dim3A_4 {add = true} : memref<8192xf32, #tpu.memory_space<vmem>>[vector<16xi32>], vector<16xf32>,
    %get3A_376 = arith.constant 144 : index
    %get3A_377 = tpu.vector_load %arg5[%get3A_376] {strides = array<i32>} : memref<512xi32, #tpu.memory_space<vmem>>, vector<16xi32>,
    %add3A_378 = arith.addi %mul3A_3, %get3A_377 : vector<16xi32>
    tpu.vector_store_idx %arg6[%add3A_378], %broadcast_in_dim3A_4 {add = true} : memref<8192xf32, #tpu.memory_space<vmem>>[vector<16xi32>], vector<16xf32>,
    %get3A_379 = arith.constant 160 : index
    %get3A_380 = tpu.vector_load %arg5[%get3A_379] {strides = array<i32>} : memref<512xi32, #tpu.memory_space<vmem>>, vector<16xi32>,
    %add3A_381 = arith.addi %mul3A_3, %get3A_380 : vector<16xi32>
    tpu.vector_store_idx %arg6[%add3A_381], %broadcast_in_dim3A_4 {add = true} : memref<8192xf32, #tpu.memory_space<vmem>>[vector<16xi32>], vector<16xf32>,
    %get3A_382 = arith.constant 176 : index
    %get3A_383 = tpu.vector_load %arg5[%get3A_382] {strides = array<i32>} : memref<512xi32, #tpu.memory_space<vmem>>, vector<16xi32>,
    %add3A_384 = arith.addi %mul3A_3, %get3A_383 : vector<16xi32>
    tpu.vector_store_idx %arg6[%add3A_384], %broadcast_in_dim3A_4 {add = true} : memref<8192xf32, #tpu.memory_space<vmem>>[vector<16xi32>], vector<16xf32>,
    %get3A_385 = arith.constant 192 : index
    %get3A_386 = tpu.vector_load %arg5[%get3A_385] {strides = array<i32>} : memref<512xi32, #tpu.memory_space<vmem>>, vector<16xi32>,
    %add3A_387 = arith.addi %mul3A_3, %get3A_386 : vector<16xi32>
    tpu.vector_store_idx %arg6[%add3A_387], %broadcast_in_dim3A_4 {add = true} : memref<8192xf32, #tpu.memory_space<vmem>>[vector<16xi32>], vector<16xf32>,
    %get3A_388 = arith.constant 208 : index
    %get3A_389 = tpu.vector_load %arg5[%get3A_388] {strides = array<i32>} : memref<512xi32, #tpu.memory_space<vmem>>, vector<16xi32>,
    %add3A_390 = arith.addi %mul3A_3, %get3A_389 : vector<16xi32>
    tpu.vector_store_idx %arg6[%add3A_390], %broadcast_in_dim3A_4 {add = true} : memref<8192xf32, #tpu.memory_space<vmem>>[vector<16xi32>], vector<16xf32>,
    %get3A_391 = arith.constant 224 : index
    %get3A_392 = tpu.vector_load %arg5[%get3A_391] {strides = array<i32>} : memref<512xi32, #tpu.memory_space<vmem>>, vector<16xi32>,
    %add3A_393 = arith.addi %mul3A_3, %get3A_392 : vector<16xi32>
    tpu.vector_store_idx %arg6[%add3A_393], %broadcast_in_dim3A_4 {add = true} : memref<8192xf32, #tpu.memory_space<vmem>>[vector<16xi32>], vector<16xf32>,
    %get3A_394 = arith.constant 240 : index
    %get3A_395 = tpu.vector_load %arg5[%get3A_394] {strides = array<i32>} : memref<512xi32, #tpu.memory_space<vmem>>, vector<16xi32>,
    %add3A_396 = arith.addi %mul3A_3, %get3A_395 : vector<16xi32>
    tpu.vector_store_idx %arg6[%add3A_396], %broadcast_in_dim3A_4 {add = true} : memref<8192xf32, #tpu.memory_space<vmem>>[vector<16xi32>], vector<16xf32>,
    %get3A_397 = arith.constant 256 : index
    %get3A_398 = tpu.vector_load %arg5[%get3A_397] {strides = array<i32>} : memref<512xi32, #tpu.memory_space<vmem>>, vector<16xi32>,
    %add3A_399 = arith.addi %mul3A_3, %get3A_398 : vector<16xi32>
    tpu.vector_store_idx %arg6[%add3A_399], %broadcast_in_dim3A_4 {add = true} : memref<8192xf32, #tpu.memory_space<vmem>>[vector<16xi32>], vector<16xf32>,
    %get3A_400 = arith.constant 272 : index
    %get3A_401 = tpu.vector_load %arg5[%get3A_400] {strides = array<i32>} : memref<512xi32, #tpu.memory_space<vmem>>, vector<16xi32>,
    %add3A_402 = arith.addi %mul3A_3, %get3A_401 : vector<16xi32>
    tpu.vector_store_idx %arg6[%add3A_402], %broadcast_in_dim3A_4 {add = true} : memref<8192xf32, #tpu.memory_space<vmem>>[vector<16xi32>], vector<16xf32>,
    %get3A_403 = arith.constant 288 : index
    %get3A_404 = tpu.vector_load %arg5[%get3A_403] {strides = array<i32>} : memref<512xi32, #tpu.memory_space<vmem>>, vector<16xi32>,
    %add3A_405 = arith.addi %mul3A_3, %get3A_404 : vector<16xi32>
    tpu.vector_store_idx %arg6[%add3A_405], %broadcast_in_dim3A_4 {add = true} : memref<8192xf32, #tpu.memory_space<vmem>>[vector<16xi32>], vector<16xf32>,
    %get3A_406 = arith.constant 304 : index
    %get3A_407 = tpu.vector_load %arg5[%get3A_406] {strides = array<i32>} : memref<512xi32, #tpu.memory_space<vmem>>, vector<16xi32>,
    %add3A_408 = arith.addi %mul3A_3, %get3A_407 : vector<16xi32>
    tpu.vector_store_idx %arg6[%add3A_408], %broadcast_in_dim3A_4 {add = true} : memref<8192xf32, #tpu.memory_space<vmem>>[vector<16xi32>], vector<16xf32>,
    %get3A_409 = arith.constant 320 : index
    %get3A_410 = tpu.vector_load %arg5[%get3A_409] {strides = array<i32>} : memref<512xi32, #tpu.memory_space<vmem>>, vector<16xi32>,
    %add3A_411 = arith.addi %mul3A_3, %get3A_410 : vector<16xi32>
    tpu.vector_store_idx %arg6[%add3A_411], %broadcast_in_dim3A_4 {add = true} : memref<8192xf32, #tpu.memory_space<vmem>>[vector<16xi32>], vector<16xf32>,
    %get3A_412 = arith.constant 336 : index
    %get3A_413 = tpu.vector_load %arg5[%get3A_412] {strides = array<i32>} : memref<512xi32, #tpu.memory_space<vmem>>, vector<16xi32>,
    %add3A_414 = arith.addi %mul3A_3, %get3A_413 : vector<16xi32>
    tpu.vector_store_idx %arg6[%add3A_414], %broadcast_in_dim3A_4 {add = true} : memref<8192xf32, #tpu.memory_space<vmem>>[vector<16xi32>], vector<16xf32>,
    %get3A_415 = arith.constant 352 : index
    %get3A_416 = tpu.vector_load %arg5[%get3A_415] {strides = array<i32>} : memref<512xi32, #tpu.memory_space<vmem>>, vector<16xi32>,
    %add3A_417 = arith.addi %mul3A_3, %get3A_416 : vector<16xi32>
    tpu.vector_store_idx %arg6[%add3A_417], %broadcast_in_dim3A_4 {add = true} : memref<8192xf32, #tpu.memory_space<vmem>>[vector<16xi32>], vector<16xf32>,
    %get3A_418 = arith.constant 368 : index
    %get3A_419 = tpu.vector_load %arg5[%get3A_418] {strides = array<i32>} : memref<512xi32, #tpu.memory_space<vmem>>, vector<16xi32>,
    %add3A_420 = arith.addi %mul3A_3, %get3A_419 : vector<16xi32>
    tpu.vector_store_idx %arg6[%add3A_420], %broadcast_in_dim3A_4 {add = true} : memref<8192xf32, #tpu.memory_space<vmem>>[vector<16xi32>], vector<16xf32>,
    %get3A_421 = arith.constant 384 : index
    %get3A_422 = tpu.vector_load %arg5[%get3A_421] {strides = array<i32>} : memref<512xi32, #tpu.memory_space<vmem>>, vector<16xi32>,
    %add3A_423 = arith.addi %mul3A_3, %get3A_422 : vector<16xi32>
    tpu.vector_store_idx %arg6[%add3A_423], %broadcast_in_dim3A_4 {add = true} : memref<8192xf32, #tpu.memory_space<vmem>>[vector<16xi32>], vector<16xf32>,
    %get3A_424 = arith.constant 400 : index
    %get3A_425 = tpu.vector_load %arg5[%get3A_424] {strides = array<i32>} : memref<512xi32, #tpu.memory_space<vmem>>, vector<16xi32>,
    %add3A_426 = arith.addi %mul3A_3, %get3A_425 : vector<16xi32>
    tpu.vector_store_idx %arg6[%add3A_426], %broadcast_in_dim3A_4 {add = true} : memref<8192xf32, #tpu.memory_space<vmem>>[vector<16xi32>], vector<16xf32>,
    %get3A_427 = arith.constant 416 : index
    %get3A_428 = tpu.vector_load %arg5[%get3A_427] {strides = array<i32>} : memref<512xi32, #tpu.memory_space<vmem>>, vector<16xi32>,
    %add3A_429 = arith.addi %mul3A_3, %get3A_428 : vector<16xi32>
    tpu.vector_store_idx %arg6[%add3A_429], %broadcast_in_dim3A_4 {add = true} : memref<8192xf32, #tpu.memory_space<vmem>>[vector<16xi32>], vector<16xf32>,
    %get3A_430 = arith.constant 432 : index
    %get3A_431 = tpu.vector_load %arg5[%get3A_430] {strides = array<i32>} : memref<512xi32, #tpu.memory_space<vmem>>, vector<16xi32>,
    %add3A_432 = arith.addi %mul3A_3, %get3A_431 : vector<16xi32>
    tpu.vector_store_idx %arg6[%add3A_432], %broadcast_in_dim3A_4 {add = true} : memref<8192xf32, #tpu.memory_space<vmem>>[vector<16xi32>], vector<16xf32>,
    %get3A_433 = arith.constant 448 : index
    %get3A_434 = tpu.vector_load %arg5[%get3A_433] {strides = array<i32>} : memref<512xi32, #tpu.memory_space<vmem>>, vector<16xi32>,
    %add3A_435 = arith.addi %mul3A_3, %get3A_434 : vector<16xi32>
    tpu.vector_store_idx %arg6[%add3A_435], %broadcast_in_dim3A_4 {add = true} : memref<8192xf32, #tpu.memory_space<vmem>>[vector<16xi32>], vector<16xf32>,
    %get3A_436 = arith.constant 464 : index
    %get3A_437 = tpu.vector_load %arg5[%get3A_436] {strides = array<i32>} : memref<512xi32, #tpu.memory_space<vmem>>, vector<16xi32>,
    %add3A_438 = arith.addi %mul3A_3, %get3A_437 : vector<16xi32>
    tpu.vector_store_idx %arg6[%add3A_438], %broadcast_in_dim3A_4 {add = true} : memref<8192xf32, #tpu.memory_space<vmem>>[vector<16xi32>], vector<16xf32>,
    %get3A_439 = arith.constant 480 : index
    %get3A_440 = tpu.vector_load %arg5[%get3A_439] {strides = array<i32>} : memref<512xi32, #tpu.memory_space<vmem>>, vector<16xi32>,
    %add3A_441 = arith.addi %mul3A_3, %get3A_440 : vector<16xi32>
    tpu.vector_store_idx %arg6[%add3A_441], %broadcast_in_dim3A_4 {add = true} : memref<8192xf32, #tpu.memory_space<vmem>>[vector<16xi32>], vector<16xf32>,
    %get3A_442 = arith.constant 496 : index
    %get3A_443 = tpu.vector_load %arg5[%get3A_442] {strides = array<i32>} : memref<512xi32, #tpu.memory_space<vmem>>, vector<16xi32>,
    %add3A_444 = arith.addi %mul3A_3, %get3A_443 : vector<16xi32>
    tpu.vector_store_idx %arg6[%add3A_444], %broadcast_in_dim3A_4 {add = true} : memref<8192xf32, #tpu.memory_space<vmem>>[vector<16xi32>], vector<16xf32>,
    %scan3A_445 = arith.constant 0 : i32
    %scan3A_446 = arith.constant 0 : i32
    %scan3A_447 = arith.constant 32 : i32
    %scan3A_448 = arith.addi %scan3A_446, %scan3A_447 : i32
    %scan3A_449 = arith.constant 1 : i32
    scf.for %scan3A_451 = %scan3A_446 to %scan3A_448 step %scan3A_449  : i32 {
      %mul3A_452 = arith.constant 16 : i32
      %mul3A_453 = arith.muli %scan3A_451, %mul3A_452 : i32
      %get3A_454 = arith.index_cast %mul3A_453 : i32 to index
      %get3A_455 = tpu.vector_load %arg6[%get3A_454] {strides = array<i32>} : memref<8192xf32, #tpu.memory_space<vmem>>, vector<16xf32>,
      %mul3A_456 = arith.constant 16 : i32
      %mul3A_457 = arith.muli %scan3A_451, %mul3A_456 : i32
      %add3A_458 = arith.constant 512 : i32
      %add3A_459 = arith.addi %add3A_458, %mul3A_457 : i32
      %get3A_460 = arith.index_cast %add3A_459 : i32 to index
      %get3A_461 = tpu.vector_load %arg6[%get3A_460] {strides = array<i32>} : memref<8192xf32, #tpu.memory_space<vmem>>, vector<16xf32>,
      %add3A_462 = arith.addf %get3A_455, %get3A_461 : vector<16xf32>
      %mul3A_463 = arith.constant 16 : i32
      %mul3A_464 = arith.muli %scan3A_451, %mul3A_463 : i32
      %add3A_465 = arith.constant 1024 : i32
      %add3A_466 = arith.addi %add3A_465, %mul3A_464 : i32
      %get3A_467 = arith.index_cast %add3A_466 : i32 to index
      %get3A_468 = tpu.vector_load %arg6[%get3A_467] {strides = array<i32>} : memref<8192xf32, #tpu.memory_space<vmem>>, vector<16xf32>,
      %add3A_469 = arith.addf %add3A_462, %get3A_468 : vector<16xf32>
      %mul3A_470 = arith.constant 16 : i32
      %mul3A_471 = arith.muli %scan3A_451, %mul3A_470 : i32
      %add3A_472 = arith.constant 1536 : i32
      %add3A_473 = arith.addi %add3A_472, %mul3A_471 : i32
      %get3A_474 = arith.index_cast %add3A_473 : i32 to index
      %get3A_475 = tpu.vector_load %arg6[%get3A_474] {strides = array<i32>} : memref<8192xf32, #tpu.memory_space<vmem>>, vector<16xf32>,
      %add3A_476 = arith.addf %add3A_469, %get3A_475 : vector<16xf32>
      %mul3A_477 = arith.constant 16 : i32
      %mul3A_478 = arith.muli %scan3A_451, %mul3A_477 : i32
      %add3A_479 = arith.constant 2048 : i32
      %add3A_480 = arith.addi %add3A_479, %mul3A_478 : i32
      %get3A_481 = arith.index_cast %add3A_480 : i32 to index
      %get3A_482 = tpu.vector_load %arg6[%get3A_481] {strides = array<i32>} : memref<8192xf32, #tpu.memory_space<vmem>>, vector<16xf32>,
      %add3A_483 = arith.addf %add3A_476, %get3A_482 : vector<16xf32>
      %mul3A_484 = arith.constant 16 : i32
      %mul3A_485 = arith.muli %scan3A_451, %mul3A_484 : i32
      %add3A_486 = arith.constant 2560 : i32
      %add3A_487 = arith.addi %add3A_486, %mul3A_485 : i32
      %get3A_488 = arith.index_cast %add3A_487 : i32 to index
      %get3A_489 = tpu.vector_load %arg6[%get3A_488] {strides = array<i32>} : memref<8192xf32, #tpu.memory_space<vmem>>, vector<16xf32>,
      %add3A_490 = arith.addf %add3A_483, %get3A_489 : vector<16xf32>
      %mul3A_491 = arith.constant 16 : i32
      %mul3A_492 = arith.muli %scan3A_451, %mul3A_491 : i32
      %add3A_493 = arith.constant 3072 : i32
      %add3A_494 = arith.addi %add3A_493, %mul3A_492 : i32
      %get3A_495 = arith.index_cast %add3A_494 : i32 to index
      %get3A_496 = tpu.vector_load %arg6[%get3A_495] {strides = array<i32>} : memref<8192xf32, #tpu.memory_space<vmem>>, vector<16xf32>,
      %add3A_497 = arith.addf %add3A_490, %get3A_496 : vector<16xf32>
      %mul3A_498 = arith.constant 16 : i32
      %mul3A_499 = arith.muli %scan3A_451, %mul3A_498 : i32
      %add3A_500 = arith.constant 3584 : i32
      %add3A_501 = arith.addi %add3A_500, %mul3A_499 : i32
      %get3A_502 = arith.index_cast %add3A_501 : i32 to index
      %get3A_503 = tpu.vector_load %arg6[%get3A_502] {strides = array<i32>} : memref<8192xf32, #tpu.memory_space<vmem>>, vector<16xf32>,
      %add3A_504 = arith.addf %add3A_497, %get3A_503 : vector<16xf32>
      %mul3A_505 = arith.constant 16 : i32
      %mul3A_506 = arith.muli %scan3A_451, %mul3A_505 : i32
      %add3A_507 = arith.constant 4096 : i32
      %add3A_508 = arith.addi %add3A_507, %mul3A_506 : i32
      %get3A_509 = arith.index_cast %add3A_508 : i32 to index
      %get3A_510 = tpu.vector_load %arg6[%get3A_509] {strides = array<i32>} : memref<8192xf32, #tpu.memory_space<vmem>>, vector<16xf32>,
      %add3A_511 = arith.addf %add3A_504, %get3A_510 : vector<16xf32>
      %mul3A_512 = arith.constant 16 : i32
      %mul3A_513 = arith.muli %scan3A_451, %mul3A_512 : i32
      %add3A_514 = arith.constant 4608 : i32
      %add3A_515 = arith.addi %add3A_514, %mul3A_513 : i32
      %get3A_516 = arith.index_cast %add3A_515 : i32 to index
      %get3A_517 = tpu.vector_load %arg6[%get3A_516] {strides = array<i32>} : memref<8192xf32, #tpu.memory_space<vmem>>, vector<16xf32>,
      %add3A_518 = arith.addf %add3A_511, %get3A_517 : vector<16xf32>
      %mul3A_519 = arith.constant 16 : i32
      %mul3A_520 = arith.muli %scan3A_451, %mul3A_519 : i32
      %add3A_521 = arith.constant 5120 : i32
      %add3A_522 = arith.addi %add3A_521, %mul3A_520 : i32
      %get3A_523 = arith.index_cast %add3A_522 : i32 to index
      %get3A_524 = tpu.vector_load %arg6[%get3A_523] {strides = array<i32>} : memref<8192xf32, #tpu.memory_space<vmem>>, vector<16xf32>,
      %add3A_525 = arith.addf %add3A_518, %get3A_524 : vector<16xf32>
      %mul3A_526 = arith.constant 16 : i32
      %mul3A_527 = arith.muli %scan3A_451, %mul3A_526 : i32
      %add3A_528 = arith.constant 5632 : i32
      %add3A_529 = arith.addi %add3A_528, %mul3A_527 : i32
      %get3A_530 = arith.index_cast %add3A_529 : i32 to index
      %get3A_531 = tpu.vector_load %arg6[%get3A_530] {strides = array<i32>} : memref<8192xf32, #tpu.memory_space<vmem>>, vector<16xf32>,
      %add3A_532 = arith.addf %add3A_525, %get3A_531 : vector<16xf32>
      %mul3A_533 = arith.constant 16 : i32
      %mul3A_534 = arith.muli %scan3A_451, %mul3A_533 : i32
      %add3A_535 = arith.constant 6144 : i32
      %add3A_536 = arith.addi %add3A_535, %mul3A_534 : i32
      %get3A_537 = arith.index_cast %add3A_536 : i32 to index
      %get3A_538 = tpu.vector_load %arg6[%get3A_537] {strides = array<i32>} : memref<8192xf32, #tpu.memory_space<vmem>>, vector<16xf32>,
      %add3A_539 = arith.addf %add3A_532, %get3A_538 : vector<16xf32>
      %mul3A_540 = arith.constant 16 : i32
      %mul3A_541 = arith.muli %scan3A_451, %mul3A_540 : i32
      %add3A_542 = arith.constant 6656 : i32
      %add3A_543 = arith.addi %add3A_542, %mul3A_541 : i32
      %get3A_544 = arith.index_cast %add3A_543 : i32 to index
      %get3A_545 = tpu.vector_load %arg6[%get3A_544] {strides = array<i32>} : memref<8192xf32, #tpu.memory_space<vmem>>, vector<16xf32>,
      %add3A_546 = arith.addf %add3A_539, %get3A_545 : vector<16xf32>
      %mul3A_547 = arith.constant 16 : i32
      %mul3A_548 = arith.muli %scan3A_451, %mul3A_547 : i32
      %add3A_549 = arith.constant 7168 : i32
      %add3A_550 = arith.addi %add3A_549, %mul3A_548 : i32
      %get3A_551 = arith.index_cast %add3A_550 : i32 to index
      %get3A_552 = tpu.vector_load %arg6[%get3A_551] {strides = array<i32>} : memref<8192xf32, #tpu.memory_space<vmem>>, vector<16xf32>,
      %add3A_553 = arith.addf %add3A_546, %get3A_552 : vector<16xf32>
      %mul3A_554 = arith.constant 16 : i32
      %mul3A_555 = arith.muli %scan3A_451, %mul3A_554 : i32
      %add3A_556 = arith.constant 7680 : i32
      %add3A_557 = arith.addi %add3A_556, %mul3A_555 : i32
      %get3A_558 = arith.index_cast %add3A_557 : i32 to index
      %get3A_559 = tpu.vector_load %arg6[%get3A_558] {strides = array<i32>} : memref<8192xf32, #tpu.memory_space<vmem>>, vector<16xf32>,
      %add3A_560 = arith.addf %add3A_553, %get3A_559 : vector<16xf32>
      %mul3A_561 = arith.constant 16 : i32
      %mul3A_562 = arith.muli %scan3A_451, %mul3A_561 : i32
      %swap3A = arith.index_cast %mul3A_562 : i32 to index
      %swap3A_563 = tpu.vector_load %arg7[%swap3A] {strides = array<i32>} : memref<512xf32, #tpu.memory_space<vmem>>, vector<16xf32>,
      tpu.vector_store %arg7[%swap3A], %add3A_560 {strides = array<i32>} : memref<512xf32, #tpu.memory_space<vmem>>, vector<16xf32>,
    }
    %scan3A_450 = arith.constant 32 : i32
    "tpu.region"() ({
      %run_scoped3A = tpu.sem_alloc : memref<!tpu.dma_semaphore, #tpu.memory_space<semaphore_mem>>
      %dma_start3A = arith.constant 512 : i32
      %dma_start3A_451 = tpu.memref_slice %arg4[%add3A_342, %dma_start3A] : memref<64x1024xf32, #tpu.memory_space<hbm>> -> memref<1x512xf32, #tpu.memory_space<hbm>>
      %dma_start3A_452 = tpu.memref_squeeze %dma_start3A_451 : memref<1x512xf32, #tpu.memory_space<hbm>> -> memref<512xf32, #tpu.memory_space<hbm>>
      %dma_start3A_453 = arith.constant 512 : i32
      %dma_start3A_454 = tpu.memref_slice %arg4[%add3A_342, %dma_start3A_453] : memref<64x1024xf32, #tpu.memory_space<hbm>> -> memref<1x512xf32, #tpu.memory_space<hbm>>
      %dma_start3A_455 = tpu.memref_squeeze %dma_start3A_454 : memref<1x512xf32, #tpu.memory_space<hbm>> -> memref<512xf32, #tpu.memory_space<hbm>>
      tpu.enqueue_dma source(%arg7 : memref<512xf32, #tpu.memory_space<vmem>>) target(%dma_start3A_455 : memref<512xf32, #tpu.memory_space<hbm>>) target_semaphore(%run_scoped3A : memref<!tpu.dma_semaphore, #tpu.memory_space<semaphore_mem>>)
      %dma_wait3A = arith.constant 512 : i32
      %dma_wait3A_456 = tpu.memref_slice %arg4[%add3A_342, %dma_wait3A] : memref<64x1024xf32, #tpu.memory_space<hbm>> -> memref<1x512xf32, #tpu.memory_space<hbm>>
      %dma_wait3A_457 = tpu.memref_squeeze %dma_wait3A_456 : memref<1x512xf32, #tpu.memory_space<hbm>> -> memref<512xf32, #tpu.memory_space<hbm>>
      %dma_wait3A_458 = arith.constant 512 : i32
      %dma_wait3A_459 = tpu.memref_slice %arg4[%add3A_342, %dma_wait3A_458] : memref<64x1024xf32, #tpu.memory_space<hbm>> -> memref<1x512xf32, #tpu.memory_space<hbm>>
      %dma_wait3A_460 = tpu.memref_squeeze %dma_wait3A_459 : memref<1x512xf32, #tpu.memory_space<hbm>> -> memref<512xf32, #tpu.memory_space<hbm>>
      tpu.wait_dma2 semaphore(%run_scoped3A : memref<!tpu.dma_semaphore, #tpu.memory_space<semaphore_mem>>) src(%arg7 : memref<512xf32, #tpu.memory_space<vmem>>) dst(%dma_wait3A_460 : memref<512xf32, #tpu.memory_space<hbm>>)
      tpu.yield
    }) : () -> ()
    return
  }
}

module attributes {stable_mosaic.version = 14 : i64} {
  func.func @_tc2_body(%arg0: memref<64x1024xf32, #tpu.memory_space<vmem>>, %arg1: memref<512x1024xf32, #tpu.memory_space<vmem>>, %arg2: memref<512xf32, #tpu.memory_space<vmem>>, %arg3: memref<11x512xf32, #tpu.memory_space<vmem>>, %arg4: memref<11xf32, #tpu.memory_space<vmem>>, %arg5: memref<64x11xf32, #tpu.memory_space<vmem>>) attributes {dimension_semantics = [], scalar_prefetch = 0 : i64, scratch_operands = 0 : i64, tpu.core_type = #tpu.core_type<tc>} {
    %get3A = arith.constant 0 : index
    %get3A_0 = arith.constant 0 : index
    %get3A_1 = vector.load %arg0[%get3A, %get3A_0] : memref<64x1024xf32, #tpu.memory_space<vmem>>, vector<64x1024xf32>
    %get3A_2 = arith.constant 0 : index
    %get3A_3 = arith.constant 0 : index
    %get3A_4 = vector.load %arg1[%get3A_2, %get3A_3] : memref<512x1024xf32, #tpu.memory_space<vmem>>, vector<512x1024xf32>
    %dot_general3A = arith.constant dense<0.000000e+00> : vector<64x512xf32>
    %dot_general3A_5 = tpu.matmul %get3A_1, %get3A_4, %dot_general3A {dimension_numbers = #tpu.dot_dimension_numbers<[1], [1], [0], [0], [0, 0, 1, 0], [], []>, transpose_lhs_hint = false} : vector<64x1024xf32>, vector<512x1024xf32>, vector<64x512xf32> -> vector<64x512xf32>
    %get3A_6 = arith.constant 0 : index
    %get3A_7 = vector.load %arg2[%get3A_6] : memref<512xf32, #tpu.memory_space<vmem>>, vector<512xf32>
    %broadcast_in_dim3A = vector.shape_cast %get3A_7 : vector<512xf32> to vector<1x512xf32>
    %add3A = vector.broadcast %broadcast_in_dim3A : vector<1x512xf32> to vector<64x512xf32>
    %add3A_8 = arith.addf %dot_general3A_5, %add3A : vector<64x512xf32>
    %max3A = arith.constant 0.000000e+00 : f32
    %max3A_9 = vector.broadcast %max3A : f32 to vector<64x512xf32>
    %max3A_10 = arith.maximumf %add3A_8, %max3A_9 : vector<64x512xf32>
    %get3A_11 = arith.constant 0 : index
    %get3A_12 = arith.constant 0 : index
    %get3A_13 = vector.load %arg3[%get3A_11, %get3A_12] : memref<11x512xf32, #tpu.memory_space<vmem>>, vector<11x512xf32>
    %dot_general3A_14 = arith.constant dense<0.000000e+00> : vector<64x11xf32>
    %dot_general3A_15 = tpu.matmul %max3A_10, %get3A_13, %dot_general3A_14 {dimension_numbers = #tpu.dot_dimension_numbers<[1], [1], [0], [0], [0, 0, 1, 0], [], []>, transpose_lhs_hint = false} : vector<64x512xf32>, vector<11x512xf32>, vector<64x11xf32> -> vector<64x11xf32>
    %get3A_16 = arith.constant 0 : index
    %get3A_17 = vector.load %arg4[%get3A_16] : memref<11xf32, #tpu.memory_space<vmem>>, vector<11xf32>
    %broadcast_in_dim3A_18 = vector.shape_cast %get3A_17 : vector<11xf32> to vector<1x11xf32>
    %add3A_19 = vector.broadcast %broadcast_in_dim3A_18 : vector<1x11xf32> to vector<64x11xf32>
    %add3A_20 = arith.addf %dot_general3A_15, %add3A_19 : vector<64x11xf32>
    %swap3A = arith.constant 0 : index
    %swap3A_21 = arith.constant 0 : index
    %swap3A_22 = vector.load %arg5[%swap3A, %swap3A_21] : memref<64x11xf32, #tpu.memory_space<vmem>>, vector<64x11xf32>
    tpu.vector_store %arg5[%swap3A, %swap3A_21], %add3A_20 {strides = array<i32>} : memref<64x11xf32, #tpu.memory_space<vmem>>, vector<64x11xf32>,
    return
  }
}

module attributes {stable_mosaic.version = 14 : i64} {
  func.func @_tc1_body(%arg0: i32, %arg1: memref<8x512x128xf32, #tpu.memory_space<vmem>>, %arg2: memref<8x512x128xf32, #tpu.memory_space<vmem>>, %arg3: memref<512x128xf32, #tpu.memory_space<vmem>>, %arg4: memref<512x128xf32, #tpu.memory_space<vmem>>, %arg5: memref<8x512xi32, #tpu.memory_space<vmem>>, %arg6: memref<8x512xi32, #tpu.memory_space<vmem>>, %arg7: memref<2x512x128xf32, #tpu.memory_space<vmem>>, %arg8: memref<2x512xf32, #tpu.memory_space<vmem>>, %arg9: memref<1x512xf32, #tpu.memory_space<vmem>>) attributes {dimension_semantics = [#tpu.dimension_semantics<arbitrary>], iteration_bounds = array<i64: 8>, scalar_prefetch = 0 : i64, scratch_operands = 3 : i64, tpu.core_type = #tpu.core_type<tc>, window_params = [{transform_indices = @transform_0, window_bounds = array<i64: 8, 512, 128>}, {transform_indices = @transform_1, window_bounds = array<i64: 8, 512, 128>}, {pipeline_mode = #tpu.pipeline_mode<synchronous>, transform_indices = @transform_2, window_bounds = array<i64: 512, 128>}, {pipeline_mode = #tpu.pipeline_mode<synchronous>, transform_indices = @transform_3, window_bounds = array<i64: 512, 128>}, {transform_indices = @transform_4, window_bounds = array<i64: 8, 512>}, {transform_indices = @transform_5, window_bounds = array<i64: 8, 512>}]} {
    %eq3A = arith.constant 0 : i32
    %eq3A_0 = arith.cmpi eq, %arg0, %eq3A : i32
    %convert_element_type3A = arith.extui %eq3A_0 : i1 to i32
    %cond3A = arith.constant 0 : i32
    %cond3A_1 = arith.cmpi ne, %convert_element_type3A, %cond3A : i32
    scf.if %cond3A_1 {
      %get3A_80 = arith.constant 0 : index
      %get3A_81 = arith.constant 0 : index
      %get3A_82 = vector.load %arg3[%get3A_80, %get3A_81] : memref<512x128xf32, #tpu.memory_space<vmem>>, vector<512x128xf32>
      %get3A_83 = arith.constant 0 : index
      %get3A_84 = arith.constant 0 : index
      %get3A_85 = vector.load %arg4[%get3A_83, %get3A_84] : memref<512x128xf32, #tpu.memory_space<vmem>>, vector<512x128xf32>
      %mul3A_86 = arith.constant -2.000000e+00 : f32
      %mul3A_87 = vector.broadcast %mul3A_86 : f32 to vector<512x128xf32>
      %mul3A_88 = arith.mulf %mul3A_87, %get3A_82 : vector<512x128xf32>
      %swap3A_89 = arith.constant 0 : index
      %swap3A_90 = arith.constant 0 : index
      %swap3A_91 = arith.constant 0 : index
      %swap3A_92 = vector.load %arg7[%swap3A_89, %swap3A_90, %swap3A_91] : memref<2x512x128xf32, #tpu.memory_space<vmem>>, vector<1x512x128xf32>
      %swap3A_93 = vector.shape_cast %swap3A_92 : vector<1x512x128xf32> to vector<512x128xf32>
      %swap3A_94 = vector.shape_cast %mul3A_88 : vector<512x128xf32> to vector<1x512x128xf32>
      tpu.vector_store %arg7[%swap3A_89, %swap3A_90, %swap3A_91], %swap3A_94 {strides = array<i32>} : memref<2x512x128xf32, #tpu.memory_space<vmem>>, vector<1x512x128xf32>,
      %mul3A_95 = arith.constant -2.000000e+00 : f32
      %mul3A_96 = vector.broadcast %mul3A_95 : f32 to vector<512x128xf32>
      %mul3A_97 = arith.mulf %mul3A_96, %get3A_85 : vector<512x128xf32>
      %swap3A_98 = arith.constant 1 : index
      %swap3A_99 = arith.constant 0 : index
      %swap3A_100 = arith.constant 0 : index
      %swap3A_101 = vector.load %arg7[%swap3A_98, %swap3A_99, %swap3A_100] : memref<2x512x128xf32, #tpu.memory_space<vmem>>, vector<1x512x128xf32>
      %swap3A_102 = vector.shape_cast %swap3A_101 : vector<1x512x128xf32> to vector<512x128xf32>
      %swap3A_103 = vector.shape_cast %mul3A_97 : vector<512x128xf32> to vector<1x512x128xf32>
      tpu.vector_store %arg7[%swap3A_98, %swap3A_99, %swap3A_100], %swap3A_103 {strides = array<i32>} : memref<2x512x128xf32, #tpu.memory_space<vmem>>, vector<1x512x128xf32>,
      %mul3A_104 = arith.mulf %get3A_82, %get3A_82 : vector<512x128xf32>
      %reduce_sum3A_105 = arith.constant dense<0.000000e+00> : vector<512xf32>
      %reduce_sum3A_106 = vector.multi_reduction <add>, %mul3A_104, %reduce_sum3A_105 [1] : vector<512x128xf32> to vector<512xf32>
      %swap3A_107 = arith.constant 0 : index
      %swap3A_108 = arith.constant 0 : index
      %swap3A_109 = vector.load %arg8[%swap3A_107, %swap3A_108] : memref<2x512xf32, #tpu.memory_space<vmem>>, vector<1x512xf32>
      %swap3A_110 = vector.shape_cast %swap3A_109 : vector<1x512xf32> to vector<512xf32>
      %swap3A_111 = vector.shape_cast %reduce_sum3A_106 : vector<512xf32> to vector<1x512xf32>
      tpu.vector_store %arg8[%swap3A_107, %swap3A_108], %swap3A_111 {strides = array<i32>} : memref<2x512xf32, #tpu.memory_space<vmem>>, vector<1x512xf32>,
      %mul3A_112 = arith.mulf %get3A_85, %get3A_85 : vector<512x128xf32>
      %reduce_sum3A_113 = arith.constant dense<0.000000e+00> : vector<512xf32>
      %reduce_sum3A_114 = vector.multi_reduction <add>, %mul3A_112, %reduce_sum3A_113 [1] : vector<512x128xf32> to vector<512xf32>
      %swap3A_115 = arith.constant 1 : index
      %swap3A_116 = arith.constant 0 : index
      %swap3A_117 = vector.load %arg8[%swap3A_115, %swap3A_116] : memref<2x512xf32, #tpu.memory_space<vmem>>, vector<1x512xf32>
      %swap3A_118 = vector.shape_cast %swap3A_117 : vector<1x512xf32> to vector<512xf32>
      %swap3A_119 = vector.shape_cast %reduce_sum3A_114 : vector<512xf32> to vector<1x512xf32>
      tpu.vector_store %arg8[%swap3A_115, %swap3A_116], %swap3A_119 {strides = array<i32>} : memref<2x512xf32, #tpu.memory_space<vmem>>, vector<1x512xf32>,
      %iota3A = tpu.iota {dimensions = array<i32: 1>} : vector<1x512xi32>
      %convert_element_type3A_120 = arith.sitofp %iota3A : vector<1x512xi32> to vector<1x512xf32>
      %swap3A_121 = arith.constant 0 : index
      %swap3A_122 = arith.constant 0 : index
      %swap3A_123 = vector.load %arg9[%swap3A_121, %swap3A_122] : memref<1x512xf32, #tpu.memory_space<vmem>>, vector<1x512xf32>
      tpu.vector_store %arg9[%swap3A_121, %swap3A_122], %convert_element_type3A_120 {strides = array<i32>} : memref<1x512xf32, #tpu.memory_space<vmem>>, vector<1x512xf32>,
    } else {
    }
    %get3A = arith.constant 0 : index
    %get3A_2 = arith.constant 0 : index
    %get3A_3 = vector.load %arg9[%get3A, %get3A_2] : memref<1x512xf32, #tpu.memory_space<vmem>>, vector<1x512xf32>
    %get3A_4 = arith.constant 0 : index
    %get3A_5 = arith.constant 0 : index
    %get3A_6 = arith.constant 0 : index
    %get3A_7 = vector.load %arg1[%get3A_4, %get3A_5, %get3A_6] : memref<8x512x128xf32, #tpu.memory_space<vmem>>, vector<8x512x128xf32>
    %reshape3A = vector.shape_cast %get3A_7 : vector<8x512x128xf32> to vector<4096x128xf32>
    %get3A_8 = arith.constant 0 : index
    %get3A_9 = arith.constant 0 : index
    %get3A_10 = arith.constant 0 : index
    %get3A_11 = vector.load %arg7[%get3A_8, %get3A_9, %get3A_10] : memref<2x512x128xf32, #tpu.memory_space<vmem>>, vector<1x512x128xf32>
    %get3A_12 = vector.shape_cast %get3A_11 : vector<1x512x128xf32> to vector<512x128xf32>
    %get3A_13 = arith.constant 0 : index
    %get3A_14 = arith.constant 0 : index
    %get3A_15 = vector.load %arg8[%get3A_13, %get3A_14] : memref<2x512xf32, #tpu.memory_space<vmem>>, vector<1x512xf32>
    %get3A_16 = vector.shape_cast %get3A_15 : vector<1x512xf32> to vector<512xf32>
    %broadcast_in_dim3A = vector.shape_cast %get3A_16 : vector<512xf32> to vector<1x512xf32>
    %mul3A = arith.mulf %reshape3A, %reshape3A : vector<4096x128xf32>
    %reduce_sum3A = arith.constant dense<0.000000e+00> : vector<4096xf32>
    %reduce_sum3A_17 = vector.multi_reduction <add>, %mul3A, %reduce_sum3A [1] : vector<4096x128xf32> to vector<4096xf32>
    %broadcast_in_dim3A_18 = vector.shape_cast %reduce_sum3A_17 : vector<4096xf32> to vector<4096x1xf32>
    %dot_general3A = arith.constant dense<0.000000e+00> : vector<4096x512xf32>
    %dot_general3A_19 = tpu.matmul %reshape3A, %get3A_12, %dot_general3A {dimension_numbers = #tpu.dot_dimension_numbers<[1], [1], [0], [0], [0, 0, 1, 0], [], []>, transpose_lhs_hint = false} : vector<4096x128xf32>, vector<512x128xf32>, vector<4096x512xf32> -> vector<4096x512xf32>
    %add3A = vector.broadcast %broadcast_in_dim3A_18 : vector<4096x1xf32> to vector<4096x512xf32>
    %add3A_20 = arith.addf %add3A, %dot_general3A_19 : vector<4096x512xf32>
    %add3A_21 = vector.broadcast %broadcast_in_dim3A : vector<1x512xf32> to vector<4096x512xf32>
    %add3A_22 = arith.addf %add3A_20, %add3A_21 : vector<4096x512xf32>
    %reduce_min3A = arith.constant dense<0x7F800000> : vector<4096xf32>
    %reduce_min3A_23 = vector.multi_reduction <minimumf>, %add3A_22, %reduce_min3A [1] : vector<4096x512xf32> to vector<4096xf32>
    %broadcast_in_dim3A_24 = vector.shape_cast %reduce_min3A_23 : vector<4096xf32> to vector<4096x1xf32>
    %eq3A_25 = vector.broadcast %broadcast_in_dim3A_24 : vector<4096x1xf32> to vector<4096x512xf32>
    %eq3A_26 = arith.cmpf oeq, %add3A_22, %eq3A_25 : vector<4096x512xf32>
    %jit3A = arith.constant 5.120000e+02 : f32
    %broadcast_in_dim3A_27 = vector.shape_cast %get3A_3 : vector<1x512xf32> to vector<1x512xf32>
    %broadcast_in_dim3A_28 = vector.broadcast %broadcast_in_dim3A_27 : vector<1x512xf32> to vector<4096x512xf32>
    %broadcast_in_dim3A_29 = vector.broadcast %jit3A : f32 to vector<4096x512xf32>
    %select_n3A = arith.select %eq3A_26, %broadcast_in_dim3A_28, %broadcast_in_dim3A_29 : vector<4096x512xi1>, vector<4096x512xf32>
    %reduce_min3A_30 = arith.constant dense<0x7F800000> : vector<4096xf32>
    %reduce_min3A_31 = vector.multi_reduction <minimumf>, %select_n3A, %reduce_min3A_30 [1] : vector<4096x512xf32> to vector<4096xf32>
    %broadcast_in_dim3A_32 = vector.shape_cast %reduce_min3A_31 : vector<4096xf32> to vector<4096x1xf32>
    %convert_element_type3A_33 = arith.fptosi %broadcast_in_dim3A_32 : vector<4096x1xf32> to vector<4096x1xi32>
    %reshape3A_34 = vector.shape_cast %convert_element_type3A_33 : vector<4096x1xi32> to vector<8x512xi32>
    %swap3A = arith.constant 0 : index
    %swap3A_35 = arith.constant 0 : index
    %swap3A_36 = vector.load %arg5[%swap3A, %swap3A_35] : memref<8x512xi32, #tpu.memory_space<vmem>>, vector<8x512xi32>
    tpu.vector_store %arg5[%swap3A, %swap3A_35], %reshape3A_34 {strides = array<i32>} : memref<8x512xi32, #tpu.memory_space<vmem>>, vector<8x512xi32>,
    %get3A_37 = arith.constant 0 : index
    %get3A_38 = arith.constant 0 : index
    %get3A_39 = arith.constant 0 : index
    %get3A_40 = vector.load %arg2[%get3A_37, %get3A_38, %get3A_39] : memref<8x512x128xf32, #tpu.memory_space<vmem>>, vector<8x512x128xf32>
    %reshape3A_41 = vector.shape_cast %get3A_40 : vector<8x512x128xf32> to vector<4096x128xf32>
    %get3A_42 = arith.constant 1 : index
    %get3A_43 = arith.constant 0 : index
    %get3A_44 = arith.constant 0 : index
    %get3A_45 = vector.load %arg7[%get3A_42, %get3A_43, %get3A_44] : memref<2x512x128xf32, #tpu.memory_space<vmem>>, vector<1x512x128xf32>
    %get3A_46 = vector.shape_cast %get3A_45 : vector<1x512x128xf32> to vector<512x128xf32>
    %get3A_47 = arith.constant 1 : index
    %get3A_48 = arith.constant 0 : index
    %get3A_49 = vector.load %arg8[%get3A_47, %get3A_48] : memref<2x512xf32, #tpu.memory_space<vmem>>, vector<1x512xf32>
    %get3A_50 = vector.shape_cast %get3A_49 : vector<1x512xf32> to vector<512xf32>
    %broadcast_in_dim3A_51 = vector.shape_cast %get3A_50 : vector<512xf32> to vector<1x512xf32>
    %mul3A_52 = arith.mulf %reshape3A_41, %reshape3A_41 : vector<4096x128xf32>
    %reduce_sum3A_53 = arith.constant dense<0.000000e+00> : vector<4096xf32>
    %reduce_sum3A_54 = vector.multi_reduction <add>, %mul3A_52, %reduce_sum3A_53 [1] : vector<4096x128xf32> to vector<4096xf32>
    %broadcast_in_dim3A_55 = vector.shape_cast %reduce_sum3A_54 : vector<4096xf32> to vector<4096x1xf32>
    %dot_general3A_56 = arith.constant dense<0.000000e+00> : vector<4096x512xf32>
    %dot_general3A_57 = tpu.matmul %reshape3A_41, %get3A_46, %dot_general3A_56 {dimension_numbers = #tpu.dot_dimension_numbers<[1], [1], [0], [0], [0, 0, 1, 0], [], []>, transpose_lhs_hint = false} : vector<4096x128xf32>, vector<512x128xf32>, vector<4096x512xf32> -> vector<4096x512xf32>
    %add3A_58 = vector.broadcast %broadcast_in_dim3A_55 : vector<4096x1xf32> to vector<4096x512xf32>
    %add3A_59 = arith.addf %add3A_58, %dot_general3A_57 : vector<4096x512xf32>
    %add3A_60 = vector.broadcast %broadcast_in_dim3A_51 : vector<1x512xf32> to vector<4096x512xf32>
    %add3A_61 = arith.addf %add3A_59, %add3A_60 : vector<4096x512xf32>
    %reduce_min3A_62 = arith.constant dense<0x7F800000> : vector<4096xf32>
    %reduce_min3A_63 = vector.multi_reduction <minimumf>, %add3A_61, %reduce_min3A_62 [1] : vector<4096x512xf32> to vector<4096xf32>
    %broadcast_in_dim3A_64 = vector.shape_cast %reduce_min3A_63 : vector<4096xf32> to vector<4096x1xf32>
    %eq3A_65 = vector.broadcast %broadcast_in_dim3A_64 : vector<4096x1xf32> to vector<4096x512xf32>
    %eq3A_66 = arith.cmpf oeq, %add3A_61, %eq3A_65 : vector<4096x512xf32>
    %jit3A_67 = arith.constant 5.120000e+02 : f32
    %broadcast_in_dim3A_68 = vector.shape_cast %get3A_3 : vector<1x512xf32> to vector<1x512xf32>
    %broadcast_in_dim3A_69 = vector.broadcast %broadcast_in_dim3A_68 : vector<1x512xf32> to vector<4096x512xf32>
    %broadcast_in_dim3A_70 = vector.broadcast %jit3A_67 : f32 to vector<4096x512xf32>
    %select_n3A_71 = arith.select %eq3A_66, %broadcast_in_dim3A_69, %broadcast_in_dim3A_70 : vector<4096x512xi1>, vector<4096x512xf32>
    %reduce_min3A_72 = arith.constant dense<0x7F800000> : vector<4096xf32>
    %reduce_min3A_73 = vector.multi_reduction <minimumf>, %select_n3A_71, %reduce_min3A_72 [1] : vector<4096x512xf32> to vector<4096xf32>
    %broadcast_in_dim3A_74 = vector.shape_cast %reduce_min3A_73 : vector<4096xf32> to vector<4096x1xf32>
    %convert_element_type3A_75 = arith.fptosi %broadcast_in_dim3A_74 : vector<4096x1xf32> to vector<4096x1xi32>
    %reshape3A_76 = vector.shape_cast %convert_element_type3A_75 : vector<4096x1xi32> to vector<8x512xi32>
    %swap3A_77 = arith.constant 0 : index
    %swap3A_78 = arith.constant 0 : index
    %swap3A_79 = vector.load %arg6[%swap3A_77, %swap3A_78] : memref<8x512xi32, #tpu.memory_space<vmem>>, vector<8x512xi32>
    tpu.vector_store %arg6[%swap3A_77, %swap3A_78], %reshape3A_76 {strides = array<i32>} : memref<8x512xi32, #tpu.memory_space<vmem>>, vector<8x512xi32>,
    return
  }
  func.func @transform_0(%arg0: i32) -> (i32, i32, i32) {
    %c0_i32 = arith.constant 0 : i32
    %c0_i32_0 = arith.constant 0 : i32
    %c0_i32_1 = arith.constant 0 : i32
    return %arg0, %c0_i32, %c0_i32_0 : i32, i32, i32
  }
  func.func @transform_1(%arg0: i32) -> (i32, i32, i32) {
    %c0_i32 = arith.constant 0 : i32
    %c0_i32_0 = arith.constant 0 : i32
    %c0_i32_1 = arith.constant 0 : i32
    return %arg0, %c0_i32, %c0_i32_0 : i32, i32, i32
  }
  func.func @transform_2(%arg0: i32) -> (i32, i32) {
    %c0_i32 = arith.constant 0 : i32
    %c0_i32_0 = arith.constant 0 : i32
    %c0_i32_1 = arith.constant 0 : i32
    return %c0_i32, %c0_i32_0 : i32, i32
  }
  func.func @transform_3(%arg0: i32) -> (i32, i32) {
    %c0_i32 = arith.constant 0 : i32
    %c0_i32_0 = arith.constant 0 : i32
    %c0_i32_1 = arith.constant 0 : i32
    return %c0_i32, %c0_i32_0 : i32, i32
  }
  func.func @transform_4(%arg0: i32) -> (i32, i32) {
    %c0_i32 = arith.constant 0 : i32
    %c0_i32_0 = arith.constant 0 : i32
    return %arg0, %c0_i32 : i32, i32
  }
  func.func @transform_5(%arg0: i32) -> (i32, i32) {
    %c0_i32 = arith.constant 0 : i32
    %c0_i32_0 = arith.constant 0 : i32
    return %arg0, %c0_i32 : i32, i32
  }
}

</mosaic_0001>

<sc_bundles>
// kernel: kernel.5.cloned.1.call-start
scs
__scs_entry_jumppad:
0x0: {  	(pc) =	sbr.rel $0x88, $3  }
0x1: {  	(tag) =	ssettag $0x0;
	lr =	simm.s32 $0x1  }
0x2: {  	[smem:$0x3F99] =	sst lr;
	_ =	strace $0xD0000000  }
0x3: {  	_ = 	snop  }
0x4: {  	_ = 	snop  }
0x5: {  	_ = 	snop  }
0x6: {  	_ = 	snop  }
0x7: {  	_ = 	snop  }
__scs_overlays_trampoline_lowered:
0x8: {  	[smem:$0x3FA8] =	sst s0  }
0x9: {  	[smem:$0x3FA9] =	sst s1  }
0xa: {  	[smem:$0x3FAA] =	sst s2  }
0xb: {  	[smem:$0x3FAB] =	sst s3  }
0xc: {  	[smem:$0x3FAC] =	sst s4  }
0xd: {  	[smem:$0x3FAD] =	sst s5  }
0xe: {  	[smem:$0x3FAE] =	sst s6  }
0xf: {  	[smem:$0x3FAF] =	sst s7  }
0x10: {  	[smem:$0x3FB0] =	sst s8  }
0x11: {  	[smem:$0x3FB1] =	sst s9;
	s0 =	simm.s32 @!p0 $0x0  }
0x12: {  	s1 =	sld [smem:$0x3F97];
	s0 =	simm.s32 @p0 $0x1  }
0x13: {  	[smem:$0x3FB2] =	sst s0;
	s0 =	simm.s32 @!p1 $0x0  }
0x14: {  	s2 =	sld [smem:$0x3F96];
	s0 =	simm.s32 @p1 $0x1  }
0x15: {  	[smem:$0x3FB3] =	sst s0;
	s0 =	simm.s32 @!p2 $0x0  }
0x16: {  	s3 =	sld [smem:$0x3FDB];
	s0 =	simm.s32 @p2 $0x1  }
0x17: {  	s4 =	simm.s32 $0x1BF5;
	[smem:$0x3FB5] =	sst s0  }
0x18: {  	s0 =	sld [smem:$0x3F98];
	_ =	swait.ge [sflag:s4], $0x0  }
0x19: {  	s7 =	sld [smem:$0x3F99]  }
0x1a: {  	s8 =	sadd.s32 $0xFFFFE003, lr  }
0x1b: {  	s9 =	sadd.s32 $0xFFFFFEF7, lr;
	s5 =	simm.s32 $0xFFFFFFFF;
	p2 =	slt.u32 s8, $0xFFFFF086  }
0x1c: {  	p1 =	slt.u32 s9, $0xF7A;
	s5 =	simm.s32 @!p2 $0x0  }
0x1d: {  	s5 =	simm.s32 @p1 $0x1;
	p0 =	seq.s32 s7, s2  }
0x1e: {  	s7 =	smul.u32 @!p0 $0xF7A, s2;
	p2 =	seq.s32 @!p0 s5, $0x0  }
0x1f: {  	s9 =	smul.u32 $0xF7A, s1;
	s8 =	simm.s32 @!p0 $0x1BF5;
	p2 =	por !p2, p0  }
0x20: {  	[sflag:s8] =	ssyncset.s32 @!p0 $0xFFFFF086;
	s6 =	sadd.s32 @!p0 s3, s7;
	s7 =	simm.s32 @!p0 $0x108  }
0x21: {  	s3 =	sadd.s32 s3, s9;
	s6 =	sadd.s32 @!p0 $0x88, s6;
	s7 =	simm.s32 @p2 $0x1082  }
0x22: {  	[simem:s7], [sflag:s8] =	dma.local @!p0 [hbm:s6], $0xF7A  }
0x23: {  	s9 =	sor.u32 $0xD0000000, s2;
	s6 =	simm.s32 $0x108;
	_ =	swait.ge @!p0 [sflag:s8], $0x0  }
0x24: {  	s3 =	sadd.s32 $0x88, s3;
	s6 =	simm.s32 @!p1 $0x1082;
	[sflag:s4] =	ssyncset.s32 $0xFFFFF086  }
0x25: {  	[simem:s6], [sflag:s4] =	dma.local [hbm:s3], $0xF7A  }
0x26: {  	[smem:$0x3F99] =	sst s1;
	(tag) =	ssettag s2;
	_ =	strace s9  }
0x27: {  	s1 =	sld [smem:$0x3FA9]  }
0x28: {  	s2 =	sld [smem:$0x3FAA]  }
0x29: {  	s4 =	sld [smem:$0x3FAC]  }
0x2a: {  	p0 =	seq.s32 s5, $0x0;
	s5 =	sld [smem:$0x3FAD]  }
0x2b: {  	s6 =	sld [smem:$0x3FAE]  }
0x2c: {  	s7 =	sld [smem:$0x3FAF]  }
0x2d: {  	s3 =	simm.s32 $0x108;
	s8 =	sld [smem:$0x3FB0]  }
0x2e: {  	s3 =	simm.s32 @!p0 $0x1082;
	s9 =	sld [smem:$0x3FB1]  }
0x2f: {  	lr =	sadd.s32 s0, s3;
	s0 =	sld [smem:$0x3FA8]  }
0x30: {  	s3 =	sld [smem:$0x3FAB]  }
0x31: {  	[smem:$0x3FB4] =	sst s10  }
0x32: {  	s10 =	sld [smem:$0x3FB2];
	_ =	sdelay $0x3  }
0x33: {  	p0 =	seq.s32 s10, $0x1;
	s10 =	sld [smem:$0x3FB4];
	_ =	sdelay $0x3  }
0x34: {  	[smem:$0x3FB4] =	sst s10  }
0x35: {  	s10 =	sld [smem:$0x3FB3];
	_ =	sdelay $0x3  }
0x36: {  	p1 =	seq.s32 s10, $0x1;
	s10 =	sld [smem:$0x3FB4];
	_ =	sdelay $0x3  }
0x37: {  	[smem:$0x3FB4] =	sst s10  }
0x38: {  	s10 =	sld [smem:$0x3FB5]  }
0x39: {  	_ = 	snop;
	(pc) =	sbr.ind lr, $3  }
0x3a: {  	_ = 	snop  }
0x3b: {  	_ = 	snop  }
0x3c: {  	p2 =	seq.s32 s10, $0x1;
	s10 =	sld [smem:$0x3FB4]  }
0x3d: {  	_ =	shalt  }
0x3e: {  	_ =	shalt  }
0x3f: {  	_ =	shalt  }
0x40: {  	_ =	shalt  }
0x41: {  	_ =	shalt  }
0x42: {  	_ =	shalt  }
0x43: {  	_ =	shalt  }
0x44: {  	_ =	shalt  }
0x45: {  	_ =	shalt  }
0x46: {  	_ =	shalt  }
0x47: {  	_ =	shalt  }
0x48: {  	_ =	shalt  }
0x49: {  	_ =	shalt  }
0x4a: {  	_ =	shalt  }
0x4b: {  	_ =	shalt  }
0x4c: {  	_ =	shalt  }
0x4d: {  	_ =	shalt  }
0x4e: {  	_ =	shalt  }
0x4f: {  	_ =	shalt  }
0x50: {  	_ =	shalt  }
0x51: {  	_ =	shalt  }
0x52: {  	_ =	shalt  }
0x53: {  	_ =	shalt  }
0x54: {  	_ =	shalt  }
0x55: {  	_ =	shalt  }
0x56: {  	_ =	shalt  }
0x57: {  	_ =	shalt  }
0x58: {  	_ =	shalt  }
0x59: {  	_ =	shalt  }
0x5a: {  	_ =	shalt  }
0x5b: {  	_ =	shalt  }
0x5c: {  	_ =	shalt  }
0x5d: {  	_ =	shalt  }
0x5e: {  	_ =	shalt  }
0x5f: {  	_ =	shalt  }
0x60: {  	_ =	shalt  }
0x61: {  	_ =	shalt  }
0x62: {  	_ =	shalt  }
0x63: {  	_ =	shalt  }
0x64: {  	_ =	shalt  }
0x65: {  	_ =	shalt  }
0x66: {  	_ =	shalt  }
0x67: {  	_ =	shalt  }
0x68: {  	_ =	shalt  }
0x69: {  	_ =	shalt  }
0x6a: {  	_ =	shalt  }
0x6b: {  	_ =	shalt  }
0x6c: {  	_ =	shalt  }
0x6d: {  	_ =	shalt  }
0x6e: {  	_ =	shalt  }
0x6f: {  	_ =	shalt  }
0x70: {  	_ =	shalt  }
0x71: {  	_ =	shalt  }
0x72: {  	_ =	shalt  }
0x73: {  	_ =	shalt  }
0x74: {  	_ =	shalt  }
0x75: {  	_ =	shalt  }
0x76: {  	_ =	shalt  }
0x77: {  	_ =	shalt  }
0x78: {  	_ =	shalt  }
0x79: {  	_ =	shalt  }
0x7a: {  	_ =	shalt  }
0x7b: {  	_ =	shalt  }
0x7c: {  	_ =	shalt  }
0x7d: {  	_ =	shalt  }
0x7e: {  	_ =	shalt  }
0x7f: {  	_ =	shalt  }
0x80: {  	_ =	shalt  }
0x81: {  	_ =	shalt  }
0x82: {  	_ =	shalt  }
0x83: {  	_ =	shalt  }
0x84: {  	_ =	shalt  }
0x85: {  	_ =	shalt  }
0x86: {  	_ =	shalt  }
0x87: {  	_ =	shalt  }
.Lfunc_end0:
.L_simem_size_0:
called_computation_lowered:
.L_overlay_start_0:
0x88: {  	s2 =	sld [smem:$0x3FD9]  }
0x89: {  	s3 =	sld [smem:$0x3FFE];
	_ =	sdelay $0x1  }
0x8a: {  	s1 =	srdreg.scid  }
0x8b: {  	s0 =	sand.u32 $0x1, s1  }
0x8c: {  	s16 =	sshll.u32 s0, $0xA;
	s2 =	sadd.s32 s3, s2  }
0x8d: {  	s2 =	sadd.s32 s2, s16  }
0x8e: {  	[smem:$0x3FC0] =	sst s2  }
0x8f: {  	_ = 	snop  }
0x90: {  	(tm) =	ssettm $0x1  }
0x91: {  	s17 =	sld [smem:$0x3FFB];
	_ =	sdelay $0x3  }
0x92: {  	_ =	strace s17  }
0x93: {  	s2 =	sld [smem:$0x3FFC];
	_ =	sdelay $0x3  }
0x94: {  	_ =	strace s2  }
0x95: {  	s2 =	sld [smem:$0x3FFD];
	_ =	sdelay $0x3  }
0x96: {  	_ =	strace s2  }
0x97: {  	_ =	strace $0x8FFFFFFF  }
0x98: {  	s18 =	sld [smem:$0x3FDB];
	_ =	sdelay $0x1  }
0x99: {  	s19 =	simm.s32 $_scs_section_size  }
0x9a: {  	s4 =	simm.s32 $_size__tile_overlayer_lowered;
	s5 =	simm.s32 $_tile_overlayer_lowered  }
0x9b: {  	s22 =	simm.s32 $0x1BFF;
	s21 =	sshll.u32 s5, $0x1;
	s2 =	sadd.s32 s19, s18  }
0x9c: {  	s6 =	simm.s32 $0x0;
	s20 =	sshll.u32 s4, $0x1;
	s4 =	sadd.s32 s21, s2  }
0x9d: {  	[timem:s6], [sflag:s22] =	dma.local [hbm:s4], s20  }
0x9e: {  	_ =	swait.ge [sflag:s22], s20  }
0x9f: {  	s3 =	ssub.s32 $0x0, s20;
	[sflag:s22] =	ssyncset.done $0x0  }
0xa0: {  	[sflag:s22] =	ssyncadd.s32 s3;
	_ =	sdelay $0x1  }
0xa1: {  	s23 =	simm.s32 $0x1B8B  }
0xa2: {  	_ =	swait.ge [sflag:s23], $0x1  }
0xa3: {  	[sflag:s23] =	ssyncset.done $0x0  }
0xa4: {  	s25 =	simm.s32 $0x1B8E;
	s24 =	sld [smem:$0x3FFE];
	[sflag:s23] =	ssyncadd.s32 $0xFFFFFFFF  }
0xa5: {  	s26 =	simm.s32 $execute0_lowered;
	[smem:$0x3FD2] =	sst s25  }
0xa6: {  	s4 =	sshll.u32 s26, $0x1;
	_ =	strace $0x80000046;
	[dreg:$0x1] =	wrdreg $0xFFFFFFFF  }
0xa7: {  	s28 =	simm.s32 $_size_execute0_lowered;
	s2 =	sadd.s32 s2, s4;
	[dreg:$0x0] =	wrdreg $0x0  }
0xa8: {  	s4 =	sshll.u32 s28, $0x1;
	[dreg:$0x2] =	wrdreg s2  }
0xa9: {  	[dreg:$0x3] =	wrdreg s4  }
0xaa: {  	[dreg:$0x4] =	wrdreg $0xC0  }
0xab: {  	_ =	task [dreg:s6], $0x5FFFF  }
0xac: {  	[dreg:$0x1] =	wrdreg $0xFFFFFFFF  }
0xad: {  	[dreg:$0x0] =	wrdreg $0x60  }
0xae: {  	[dreg:$0x2] =	wrdreg s24  }
0xaf: {  	[dreg:$0x3] =	wrdreg $0x9  }
0xb0: {  	_ =	task.clear_ibuf [dreg:s6], $0x4FFFF;
	_ =	strace $0x90000046  }
0xb1: {  	s29 =	simm.s32 $0x9;
	_ =	strace $0x80000048  }
0xb2: {  	_ =	swait.ge [sflag:s29], $0x1  }
0xb3: {  	[sflag:s29] =	ssyncadd.s32 $0xFFFFFFFF  }
0xb4: {  	_ =	strace $0x90000048  }
0xb5: {  	_ =	sfence  }
0xb6: {  	s30 =	sld [smem:$0x0];
	_ =	sdelay $0x2  }
0xb7: {  	s31 =	sshll.u32 s1, $0xD;
	s1 =	sshrl.u32 s1, $0x2  }
0xb8: {  	s3 =	sand.u32 $0x4000, s31;
	s1 =	sadd.s32 s1, s30  }
0xb9: {  	s0 =	sor.u32 s3, s0;
	s1 =	sshll.u32 s1, $0x11  }
0xba: {  	s0 =	sor.u32 s1, s0  }
0xbb: {  	s0 =	sadd.s32 $0x8F2B, s0  }
0xbc: {  	[sflag:s0] =	ssyncadd.remote.s32 $0x1  }
0xbd: {  	_ =	sfence.sel $0xFFFF  }
0xbe: {  	[dreg:$0x0] =	wrdreg $0xFFFFFFFF;
	(pc) =	sbr.abs _section_cstart, $3  }
0xbf: {  	[dreg:$0x1] =	wrdreg $0xFFFFFFFF  }
0xc0: {  	_ =	task.clear_ibuf [dreg:s6], $0x2FFFF;
	_ =	strace $0x9FFFFFFF  }
0xc1: {  	(tm) =	ssettm $0x7FFFFFFF  }
tec
execute0_lowered:
.L_overlay_start_1:
0x0: {  	(tag) =	ssettag $0x1  }
0x1: {  	s8 =	rddreg [dreg:$0x0]  }
0x2: {  	s0 =	rddreg [dreg:$0x1];
	s1 =	simm.s32 $0x0  }
0x3: {  	s3 =	srdreg.scid;
	s2 =	stileid.u32;
	s16 =	simm.s32 $0x0  }
0x4: {  	[smem:$0x7FF] =	sst s1;
	s5 =	sadd.s32 $0x1A00, s8;
	s3 =	sand.u32 $0x1, s3  }
0x5: {  	s9 =	sadd.s32 $0x2A00, s8;
	s6 =	sshll.u32 s2, $0x9;
	s7 =	sshrl.u32 s2, $0x1  }
0x6: {  	s12 =	sadd.s32 $0x3A00, s8;
	s31 =	sadd.s32 $0x3C00, s8;
	_ =	strace $0x80000047  }
0x7: {  	s4 =	ssub.s32 $0x2, s3;
	s3 =	sshll.u32 s3, $0x8;
	s6 =	sand.u32 $0x200, s6  }
0x8: {  	s11 =	sshll.u32 s7, $0xC;
	s10 =	sshrl.u32 s4, $0x1;
	s6 =	sor.u32 s3, s6  }
0x9: {  	s28 =	sshll.u32 s7, $0xD;
	s13 =	ssub.s32 s4, s10;
	s3 =	sor.u32 s11, s6  }
0xa: {  	s29 =	sor.u32 $0x80, s6;
	s6 =	sor.u32 s28, s6;
	s26 =	sshrl.u32 s3, $0x3  }
0xb: {  	s11 =	sor.u32 s11, s29;
	s14 =	sshrl.u32 s6, $0x3;
	s30 =	sor.u32 s28, s29  }
0xc: {  	s3 =	sadd.s32 s5, s26;
	s11 =	sshrl.u32 s11, $0x3;
	s4 =	sadd.s32 s12, s14  }
0xd: {  	s15 =	sshrl.u32 s30, $0x3;
	s7 =	sadd.s32 s9, s26;
	s8 =	sadd.s32 s14, s31  }
0xe: {  	s14 =	simm.s32 $0x1;
	s5 =	sadd.s32 s5, s11;
	s6 =	sadd.s32 s12, s15  }
0xf: {  	v1 =	vlaneseq.u32;
	s9 =	sadd.s32 s9, s11;
	s10 =	sadd.s32 s15, s31;
	s11 =	smax.u32 s13, $0x1  }
0x10: {  	v0 =	vimm.f32 $0.0e+00;
	v2 =	vimm.f32 $1.953125000e-03;
	v1 =	vmul.u32 $0x200, v1;
	s12 =	simm.s32 $0x80;
	s13 =	simm.s32 $0x400;
	s15 =	simm.s32 $0x2200  }
.LBB2_1:
0x11: {  	[tilespmem:s1], [sflag:$0x1] =	stream.strided.gather [hbm4b:s3+s12], $0x200, s13, s12, $0x38;
	[tilespmem:$0x2400] =	vst v63  }
0x12: {  	_ =	swait.ge [sflag:s14], $0x200  }
0x13: {  	[sflag:s14] =	ssyncset.done $0x0  }
0x14: {  	s17 =	simm.s32 $0x240;
	[sflag:s14] =	ssyncadd.s32 $0xFFFFFE00  }
0x15: {  	[tilespmem:s17+$0xFFFFFFC0] =	vst v0  }
0x16: {  	[tilespmem:s17+$0x30] =	vst v0  }
0x17: {  	[tilespmem:s17+$0x20] =	vst v0  }
0x18: {  	[tilespmem:s17+$0x10] =	vst v0  }
0x19: {  	[tilespmem:s17+$0x0] =	vst v0  }
0x1a: {  	[tilespmem:s17+$0xFFFFFFF0] =	vst v0  }
0x1b: {  	s18 =	simm.s32 $0x0;
	[tilespmem:s17+$0xFFFFFFE0] =	vst v0  }
.LBB2_2:
0x1c: {  	s18 =	sadd.s32 $0x8, s18;
	[tilespmem:s17+$0xFFFFFFD0] =	vst v0;
	s17 =	sadd.s32 $0x80, s17  }
0x1d: {  	[tilespmem:s17+$0xFFFFFFC0] =	vst v0;
	p0 =	slt.u32 s18, $0x1F8  }
0x1e: {  	[tilespmem:s17+$0x30] =	vst v0  }
.Ltmp0:
0x1f: {  	[tilespmem:s17+$0x20] =	vst v0;
	(pc) =	sbr.rel @p0 .LBB2_2-.Ltmp0, $4  }
0x20: {  	[tilespmem:s17+$0x10] =	vst v0  }
0x21: {  	[tilespmem:s17+$0x0] =	vst v0  }
0x22: {  	[tilespmem:s17+$0xFFFFFFF0] =	vst v0  }
0x23: {  	[tilespmem:s17+$0xFFFFFFE0] =	vst v0  }
0x24: {  	[tilespmem:s17+$0xFFFFFFD0] =	vst v0  }
0x25: {  	v3 =	vld [tilespmem:$0x0];
	_ =	sdelay $0x4  }
0x26: {  	v3 =	vadd.s32 v1, v3;
	_ =	sdelay $0x3  }
0x27: {  	s30 =	simm.s32 $0x200  }
0x28: {  	[tilespmem:v3+s30+$0x0] =	vst.idx.add.f32.msk $0xffff, v2  }
0x29: {  	v3 =	vld [tilespmem:$0x10];
	_ =	sdelay $0x4  }
0x2a: {  	v3 =	vadd.s32 v1, v3;
	_ =	sdelay $0x4  }
0x2b: {  	[tilespmem:v3+s30+$0x0] =	vst.idx.add.f32.msk $0xffff, v2  }
0x2c: {  	v3 =	vld [tilespmem:$0x20];
	_ =	sdelay $0x4  }
0x2d: {  	v3 =	vadd.s32 v1, v3;
	_ =	sdelay $0x4  }
0x2e: {  	[tilespmem:v3+s30+$0x0] =	vst.idx.add.f32.msk $0xffff, v2  }
0x2f: {  	v3 =	vld [tilespmem:$0x30];
	_ =	sdelay $0x4  }
0x30: {  	v3 =	vadd.s32 v1, v3;
	_ =	sdelay $0x4  }
0x31: {  	[tilespmem:v3+s30+$0x0] =	vst.idx.add.f32.msk $0xffff, v2  }
0x32: {  	v3 =	vld [tilespmem:$0x40];
	_ =	sdelay $0x4  }
0x33: {  	v3 =	vadd.s32 v1, v3;
	_ =	sdelay $0x4  }
0x34: {  	[tilespmem:v3+s30+$0x0] =	vst.idx.add.f32.msk $0xffff, v2  }
0x35: {  	v3 =	vld [tilespmem:$0x50];
	_ =	sdelay $0x4  }
0x36: {  	v3 =	vadd.s32 v1, v3;
	_ =	sdelay $0x4  }
0x37: {  	[tilespmem:v3+s30+$0x0] =	vst.idx.add.f32.msk $0xffff, v2  }
0x38: {  	v3 =	vld [tilespmem:$0x60];
	_ =	sdelay $0x4  }
0x39: {  	v3 =	vadd.s32 v1, v3;
	_ =	sdelay $0x4  }
0x3a: {  	[tilespmem:v3+s30+$0x0] =	vst.idx.add.f32.msk $0xffff, v2  }
0x3b: {  	v3 =	vld [tilespmem:$0x70];
	_ =	sdelay $0x4  }
0x3c: {  	v3 =	vadd.s32 v1, v3;
	_ =	sdelay $0x4  }
0x3d: {  	[tilespmem:v3+s30+$0x0] =	vst.idx.add.f32.msk $0xffff, v2  }
0x3e: {  	v3 =	vld [tilespmem:$0x80];
	_ =	sdelay $0x4  }
0x3f: {  	v3 =	vadd.s32 v1, v3;
	_ =	sdelay $0x4  }
0x40: {  	[tilespmem:v3+s30+$0x0] =	vst.idx.add.f32.msk $0xffff, v2  }
0x41: {  	v3 =	vld [tilespmem:$0x90];
	_ =	sdelay $0x4  }
0x42: {  	v3 =	vadd.s32 v1, v3;
	_ =	sdelay $0x4  }
0x43: {  	[tilespmem:v3+s30+$0x0] =	vst.idx.add.f32.msk $0xffff, v2  }
0x44: {  	v3 =	vld [tilespmem:$0xA0];
	_ =	sdelay $0x4  }
0x45: {  	v3 =	vadd.s32 v1, v3;
	_ =	sdelay $0x4  }
0x46: {  	[tilespmem:v3+s30+$0x0] =	vst.idx.add.f32.msk $0xffff, v2  }
0x47: {  	v3 =	vld [tilespmem:$0xB0];
	_ =	sdelay $0x4  }
0x48: {  	v3 =	vadd.s32 v1, v3;
	_ =	sdelay $0x4  }
0x49: {  	[tilespmem:v3+s30+$0x0] =	vst.idx.add.f32.msk $0xffff, v2  }
0x4a: {  	v3 =	vld [tilespmem:$0xC0];
	_ =	sdelay $0x4  }
0x4b: {  	v3 =	vadd.s32 v1, v3;
	_ =	sdelay $0x4  }
0x4c: {  	[tilespmem:v3+s30+$0x0] =	vst.idx.add.f32.msk $0xffff, v2  }
0x4d: {  	v3 =	vld [tilespmem:$0xD0];
	_ =	sdelay $0x4  }
0x4e: {  	v3 =	vadd.s32 v1, v3;
	_ =	sdelay $0x4  }
0x4f: {  	[tilespmem:v3+s30+$0x0] =	vst.idx.add.f32.msk $0xffff, v2  }
0x50: {  	v3 =	vld [tilespmem:$0xE0];
	_ =	sdelay $0x4  }
0x51: {  	v3 =	vadd.s32 v1, v3;
	_ =	sdelay $0x4  }
0x52: {  	[tilespmem:v3+s30+$0x0] =	vst.idx.add.f32.msk $0xffff, v2  }
0x53: {  	v3 =	vld [tilespmem:$0xF0];
	_ =	sdelay $0x4  }
0x54: {  	v3 =	vadd.s32 v1, v3;
	_ =	sdelay $0x4  }
0x55: {  	[tilespmem:v3+s30+$0x0] =	vst.idx.add.f32.msk $0xffff, v2  }
0x56: {  	v3 =	vld [tilespmem:$0x100];
	_ =	sdelay $0x4  }
0x57: {  	v3 =	vadd.s32 v1, v3;
	_ =	sdelay $0x4  }
0x58: {  	[tilespmem:v3+s30+$0x0] =	vst.idx.add.f32.msk $0xffff, v2  }
0x59: {  	v3 =	vld [tilespmem:$0x110];
	_ =	sdelay $0x4  }
0x5a: {  	v3 =	vadd.s32 v1, v3;
	_ =	sdelay $0x4  }
0x5b: {  	[tilespmem:v3+s30+$0x0] =	vst.idx.add.f32.msk $0xffff, v2  }
0x5c: {  	v3 =	vld [tilespmem:$0x120];
	_ =	sdelay $0x4  }
0x5d: {  	v3 =	vadd.s32 v1, v3;
	_ =	sdelay $0x4  }
0x5e: {  	[tilespmem:v3+s30+$0x0] =	vst.idx.add.f32.msk $0xffff, v2  }
0x5f: {  	v3 =	vld [tilespmem:$0x130];
	_ =	sdelay $0x4  }
0x60: {  	v3 =	vadd.s32 v1, v3;
	_ =	sdelay $0x4  }
0x61: {  	[tilespmem:v3+s30+$0x0] =	vst.idx.add.f32.msk $0xffff, v2  }
0x62: {  	v3 =	vld [tilespmem:$0x140];
	_ =	sdelay $0x4  }
0x63: {  	v3 =	vadd.s32 v1, v3;
	_ =	sdelay $0x4  }
0x64: {  	[tilespmem:v3+s30+$0x0] =	vst.idx.add.f32.msk $0xffff, v2  }
0x65: {  	v3 =	vld [tilespmem:$0x150];
	_ =	sdelay $0x4  }
0x66: {  	v3 =	vadd.s32 v1, v3;
	_ =	sdelay $0x4  }
0x67: {  	[tilespmem:v3+s30+$0x0] =	vst.idx.add.f32.msk $0xffff, v2  }
0x68: {  	v3 =	vld [tilespmem:$0x160];
	_ =	sdelay $0x4  }
0x69: {  	v3 =	vadd.s32 v1, v3;
	_ =	sdelay $0x4  }
0x6a: {  	[tilespmem:v3+s30+$0x0] =	vst.idx.add.f32.msk $0xffff, v2  }
0x6b: {  	v3 =	vld [tilespmem:$0x170];
	_ =	sdelay $0x4  }
0x6c: {  	v3 =	vadd.s32 v1, v3;
	_ =	sdelay $0x4  }
0x6d: {  	[tilespmem:v3+s30+$0x0] =	vst.idx.add.f32.msk $0xffff, v2  }
0x6e: {  	v3 =	vld [tilespmem:$0x180];
	_ =	sdelay $0x4  }
0x6f: {  	v3 =	vadd.s32 v1, v3;
	_ =	sdelay $0x4  }
0x70: {  	[tilespmem:v3+s30+$0x0] =	vst.idx.add.f32.msk $0xffff, v2  }
0x71: {  	v3 =	vld [tilespmem:$0x190];
	_ =	sdelay $0x4  }
0x72: {  	v3 =	vadd.s32 v1, v3;
	_ =	sdelay $0x4  }
0x73: {  	[tilespmem:v3+s30+$0x0] =	vst.idx.add.f32.msk $0xffff, v2  }
0x74: {  	v3 =	vld [tilespmem:$0x1A0];
	_ =	sdelay $0x4  }
0x75: {  	v3 =	vadd.s32 v1, v3;
	_ =	sdelay $0x4  }
0x76: {  	[tilespmem:v3+s30+$0x0] =	vst.idx.add.f32.msk $0xffff, v2  }
0x77: {  	v3 =	vld [tilespmem:$0x1B0];
	_ =	sdelay $0x4  }
0x78: {  	v3 =	vadd.s32 v1, v3;
	_ =	sdelay $0x4  }
0x79: {  	[tilespmem:v3+s30+$0x0] =	vst.idx.add.f32.msk $0xffff, v2  }
0x7a: {  	v3 =	vld [tilespmem:$0x1C0];
	_ =	sdelay $0x4  }
0x7b: {  	v3 =	vadd.s32 v1, v3;
	_ =	sdelay $0x4  }
0x7c: {  	[tilespmem:v3+s30+$0x0] =	vst.idx.add.f32.msk $0xffff, v2  }
0x7d: {  	v3 =	vld [tilespmem:$0x1D0];
	_ =	sdelay $0x4  }
0x7e: {  	v3 =	vadd.s32 v1, v3;
	_ =	sdelay $0x4  }
0x7f: {  	[tilespmem:v3+s30+$0x0] =	vst.idx.add.f32.msk $0xffff, v2  }
0x80: {  	v3 =	vld [tilespmem:$0x1E0];
	_ =	sdelay $0x4  }
0x81: {  	v3 =	vadd.s32 v1, v3;
	_ =	sdelay $0x4  }
0x82: {  	[tilespmem:v3+s30+$0x0] =	vst.idx.add.f32.msk $0xffff, v2  }
0x83: {  	v3 =	vld [tilespmem:$0x1F0];
	_ =	sdelay $0x4  }
0x84: {  	v3 =	vadd.s32 v1, v3;
	_ =	sdelay $0x3  }
0x85: {  	s18 =	simm.s32 $0x0  }
0x86: {  	s18 =	sand.u32 $0x1F0, s18;
	[tilespmem:v3+s30+$0x0] =	vst.idx.add.f32.msk $0xffff, v2  }
0x87: {  	v3 =	vld [tilespmem:s18+$0x400]  }
0x88: {  	v4 =	vld [tilespmem:s30+$0x0];
	_ =	sdelay $0x1  }
0x89: {  	v5 =	vld [tilespmem:s18+$0x600];
	_ =	sdelay $0x1  }
0x8a: {  	v6 =	vld [tilespmem:s18+$0x800]  }
0x8b: {  	v3 =	vadd.f32 v3, v4  }
0x8c: {  	v4 =	vld [tilespmem:s18+$0xA00]  }
0x8d: {  	v3 =	vadd.f32 v5, v3  }
0x8e: {  	v5 =	vld [tilespmem:s18+$0xC00]  }
0x8f: {  	v3 =	vadd.f32 v6, v3  }
0x90: {  	v60 =	vld [tilespmem:s18+$0xE00]  }
0x91: {  	v3 =	vadd.f32 v4, v3  }
0x92: {  	v4 =	vld [tilespmem:s18+$0x1000]  }
0x93: {  	v3 =	vadd.f32 v5, v3  }
0x94: {  	v5 =	vld [tilespmem:s18+$0x1200]  }
0x95: {  	v3 =	vadd.f32 v60, v3  }
0x96: {  	v61 =	vld [tilespmem:s18+$0x1400]  }
0x97: {  	v3 =	vadd.f32 v4, v3  }
0x98: {  	v4 =	vld [tilespmem:s18+$0x1600]  }
0x99: {  	v3 =	vadd.f32 v5, v3  }
0x9a: {  	v5 =	vld [tilespmem:s18+$0x1800]  }
0x9b: {  	v3 =	vadd.f32 v61, v3  }
0x9c: {  	v62 =	vld [tilespmem:s18+$0x1A00]  }
0x9d: {  	v3 =	vadd.f32 v4, v3  }
0x9e: {  	v4 =	vld [tilespmem:s18+$0x1C00]  }
0x9f: {  	v3 =	vadd.f32 v5, v3  }
0xa0: {  	v5 =	vld [tilespmem:s18+$0x1E00]  }
0xa1: {  	v3 =	vadd.f32 v62, v3  }
0xa2: {  	v63 =	vld [tilespmem:s18+$0x2000]  }
0xa3: {  	v3 =	vadd.f32 v4, v3;
	_ =	sdelay $0x1  }
0xa4: {  	v3 =	vadd.f32 v5, v3;
	_ =	sdelay $0x1  }
0xa5: {  	v3 =	vadd.f32 v63, v3  }
0xa6: {  	s17 =	simm.s32 $0x2200;
	s31 =	simm.s32 $0x10  }
0xa7: {  	s18 =	sand.u32 $0x1F0, s31;
	[tilespmem:s17+$0x0] =	vst v3  }
0xa8: {  	s20 =	simm.s32 $0x20;
	s19 =	simm.s32 $0x210;
	v3 =	vld [tilespmem:s18+$0x400]  }
.LBB2_4:
0xa9: {  	p0 =	sne.s32 s20, $0x1F0;
	v4 =	vld [tilespmem:s19+$0x0];
	_ =	sdelay $0x1  }
0xaa: {  	v5 =	vld [tilespmem:s18+$0x600];
	_ =	sdelay $0x1  }
0xab: {  	v6 =	vld [tilespmem:s18+$0x800]  }
0xac: {  	v3 =	vadd.f32 v3, v4  }
0xad: {  	v4 =	vld [tilespmem:s18+$0xA00]  }
0xae: {  	v3 =	vadd.f32 v5, v3  }
0xaf: {  	v5 =	vld [tilespmem:s18+$0xC00]  }
0xb0: {  	v3 =	vadd.f32 v6, v3  }
0xb1: {  	v6 =	vld [tilespmem:s18+$0xE00]  }
0xb2: {  	v3 =	vadd.f32 v4, v3  }
0xb3: {  	v4 =	vld [tilespmem:s18+$0x1000]  }
0xb4: {  	v3 =	vadd.f32 v5, v3  }
0xb5: {  	v5 =	vld [tilespmem:s18+$0x1200]  }
0xb6: {  	v3 =	vadd.f32 v6, v3  }
0xb7: {  	v6 =	vld [tilespmem:s18+$0x1400]  }
0xb8: {  	v3 =	vadd.f32 v4, v3  }
0xb9: {  	v4 =	vld [tilespmem:s18+$0x1600]  }
0xba: {  	v3 =	vadd.f32 v5, v3  }
0xbb: {  	v5 =	vld [tilespmem:s18+$0x1800]  }
0xbc: {  	v3 =	vadd.f32 v6, v3  }
0xbd: {  	v6 =	vld [tilespmem:s18+$0x1A00]  }
0xbe: {  	v3 =	vadd.f32 v4, v3  }
0xbf: {  	v4 =	vld [tilespmem:s18+$0x1C00]  }
0xc0: {  	v3 =	vadd.f32 v5, v3  }
0xc1: {  	v5 =	vld [tilespmem:s18+$0x1E00]  }
0xc2: {  	v3 =	vadd.f32 v6, v3  }
0xc3: {  	v6 =	vld [tilespmem:s18+$0x2000]  }
0xc4: {  	v3 =	vadd.f32 v4, v3;
	_ =	sdelay $0x1  }
0xc5: {  	v3 =	vadd.f32 v5, v3  }
.Ltmp1:
0xc6: {  	(pc) =	sbr.rel @p0 .LBB2_4-.Ltmp1, $4  }
0xc7: {  	v3 =	vadd.f32 v6, v3  }
0xc8: {  	s17 =	sadd.s32 $0x10, s17  }
0xc9: {  	s18 =	sand.u32 $0x1F0, s20;
	[tilespmem:s17+$0x0] =	vst v3  }
0xca: {  	s19 =	sadd.s32 $0x10, s19;
	s20 =	sadd.s32 $0x10, s20;
	v3 =	vld [tilespmem:s18+$0x400]  }
0xcb: {  	v4 =	vld [tilespmem:s19+$0x0];
	_ =	sdelay $0x1  }
0xcc: {  	v5 =	vld [tilespmem:s18+$0x600];
	_ =	sdelay $0x1  }
0xcd: {  	v6 =	vld [tilespmem:s18+$0x800]  }
0xce: {  	v3 =	vadd.f32 v3, v4  }
0xcf: {  	v52 =	vld [tilespmem:s18+$0xA00]  }
0xd0: {  	v3 =	vadd.f32 v5, v3  }
0xd1: {  	v53 =	vld [tilespmem:s18+$0xC00]  }
0xd2: {  	v3 =	vadd.f32 v6, v3  }
0xd3: {  	v54 =	vld [tilespmem:s18+$0xE00]  }
0xd4: {  	v3 =	vadd.f32 v52, v3  }
0xd5: {  	v55 =	vld [tilespmem:s18+$0x1000]  }
0xd6: {  	v3 =	vadd.f32 v53, v3  }
0xd7: {  	v56 =	vld [tilespmem:s18+$0x1200]  }
0xd8: {  	v3 =	vadd.f32 v54, v3  }
0xd9: {  	v57 =	vld [tilespmem:s18+$0x1400]  }
0xda: {  	v3 =	vadd.f32 v55, v3  }
0xdb: {  	v58 =	vld [tilespmem:s18+$0x1600]  }
0xdc: {  	v3 =	vadd.f32 v56, v3  }
0xdd: {  	v59 =	vld [tilespmem:s18+$0x1800]  }
0xde: {  	v3 =	vadd.f32 v57, v3  }
0xdf: {  	v60 =	vld [tilespmem:s18+$0x1A00]  }
0xe0: {  	v3 =	vadd.f32 v58, v3  }
0xe1: {  	v61 =	vld [tilespmem:s18+$0x1C00]  }
0xe2: {  	v3 =	vadd.f32 v59, v3  }
0xe3: {  	v62 =	vld [tilespmem:s18+$0x1E00]  }
0xe4: {  	v3 =	vadd.f32 v60, v3  }
0xe5: {  	v63 =	vld [tilespmem:s18+$0x2000]  }
0xe6: {  	v3 =	vadd.f32 v61, v3;
	_ =	sdelay $0x1  }
0xe7: {  	v3 =	vadd.f32 v62, v3;
	_ =	sdelay $0x1  }
0xe8: {  	v3 =	vadd.f32 v63, v3  }
0xe9: {  	s17 =	sadd.s32 $0x10, s17  }
0xea: {  	[tilespmem:s17+$0x0] =	vst v3  }
0xeb: {  	[hbm4b:s4+s12] =	stream.strided.scatter [tilespmem:s15], [sflag:$0x1], $0x200, s13, s12, $0x38;
	[tilespmem:$0x2400] =	vst v63  }
0xec: {  	_ =	swait.ge [sflag:s14], $0x200  }
0xed: {  	[sflag:s14] =	ssyncset.done $0x0  }
0xee: {  	[sflag:s14] =	ssyncadd.s32 $0xFFFFFE00  }
0xef: {  	[tilespmem:s1], [sflag:$0x1] =	stream.strided.gather [hbm4b:s5+s12], $0x200, s13, s12, $0x38;
	[tilespmem:$0x2400] =	vst v63  }
0xf0: {  	_ =	swait.ge [sflag:s14], $0x200  }
0xf1: {  	[sflag:s14] =	ssyncset.done $0x0  }
0xf2: {  	s17 =	simm.s32 $0x240;
	[sflag:s14] =	ssyncadd.s32 $0xFFFFFE00  }
0xf3: {  	[tilespmem:s17+$0xFFFFFFC0] =	vst v0  }
0xf4: {  	[tilespmem:s17+$0x30] =	vst v0  }
0xf5: {  	[tilespmem:s17+$0x20] =	vst v0  }
0xf6: {  	[tilespmem:s17+$0x10] =	vst v0  }
0xf7: {  	[tilespmem:s17+$0x0] =	vst v0  }
0xf8: {  	[tilespmem:s17+$0xFFFFFFF0] =	vst v0  }
0xf9: {  	s18 =	simm.s32 $0x0;
	[tilespmem:s17+$0xFFFFFFE0] =	vst v0  }
.LBB2_6:
0xfa: {  	s18 =	sadd.s32 $0x8, s18;
	[tilespmem:s17+$0xFFFFFFD0] =	vst v0;
	s17 =	sadd.s32 $0x80, s17  }
0xfb: {  	[tilespmem:s17+$0xFFFFFFC0] =	vst v0;
	p0 =	slt.u32 s18, $0x1F8  }
0xfc: {  	[tilespmem:s17+$0x30] =	vst v0  }
.Ltmp2:
0xfd: {  	[tilespmem:s17+$0x20] =	vst v0;
	(pc) =	sbr.rel @p0 .LBB2_6-.Ltmp2, $4  }
0xfe: {  	[tilespmem:s17+$0x10] =	vst v0  }
0xff: {  	[tilespmem:s17+$0x0] =	vst v0  }
0x100: {  	[tilespmem:s17+$0xFFFFFFF0] =	vst v0  }
0x101: {  	[tilespmem:s17+$0xFFFFFFE0] =	vst v0  }
0x102: {  	[tilespmem:s17+$0xFFFFFFD0] =	vst v0  }
0x103: {  	v3 =	vld [tilespmem:$0x0];
	_ =	sdelay $0x4  }
0x104: {  	v3 =	vadd.s32 v1, v3;
	_ =	sdelay $0x3  }
0x105: {  	s30 =	simm.s32 $0x200  }
0x106: {  	[tilespmem:v3+s30+$0x0] =	vst.idx.add.f32.msk $0xffff, v2  }
0x107: {  	v3 =	vld [tilespmem:$0x10];
	_ =	sdelay $0x4  }
0x108: {  	v3 =	vadd.s32 v1, v3;
	_ =	sdelay $0x4  }
0x109: {  	[tilespmem:v3+s30+$0x0] =	vst.idx.add.f32.msk $0xffff, v2  }
0x10a: {  	v3 =	vld [tilespmem:$0x20];
	_ =	sdelay $0x4  }
0x10b: {  	v3 =	vadd.s32 v1, v3;
	_ =	sdelay $0x4  }
0x10c: {  	[tilespmem:v3+s30+$0x0] =	vst.idx.add.f32.msk $0xffff, v2  }
0x10d: {  	v3 =	vld [tilespmem:$0x30];
	_ =	sdelay $0x4  }
0x10e: {  	v3 =	vadd.s32 v1, v3;
	_ =	sdelay $0x4  }
0x10f: {  	[tilespmem:v3+s30+$0x0] =	vst.idx.add.f32.msk $0xffff, v2  }
0x110: {  	v3 =	vld [tilespmem:$0x40];
	_ =	sdelay $0x4  }
0x111: {  	v3 =	vadd.s32 v1, v3;
	_ =	sdelay $0x4  }
0x112: {  	[tilespmem:v3+s30+$0x0] =	vst.idx.add.f32.msk $0xffff, v2  }
0x113: {  	v3 =	vld [tilespmem:$0x50];
	_ =	sdelay $0x4  }
0x114: {  	v3 =	vadd.s32 v1, v3;
	_ =	sdelay $0x4  }
0x115: {  	[tilespmem:v3+s30+$0x0] =	vst.idx.add.f32.msk $0xffff, v2  }
0x116: {  	v3 =	vld [tilespmem:$0x60];
	_ =	sdelay $0x4  }
0x117: {  	v3 =	vadd.s32 v1, v3;
	_ =	sdelay $0x4  }
0x118: {  	[tilespmem:v3+s30+$0x0] =	vst.idx.add.f32.msk $0xffff, v2  }
0x119: {  	v3 =	vld [tilespmem:$0x70];
	_ =	sdelay $0x4  }
0x11a: {  	v3 =	vadd.s32 v1, v3;
	_ =	sdelay $0x4  }
0x11b: {  	[tilespmem:v3+s30+$0x0] =	vst.idx.add.f32.msk $0xffff, v2  }
0x11c: {  	v3 =	vld [tilespmem:$0x80];
	_ =	sdelay $0x4  }
0x11d: {  	v3 =	vadd.s32 v1, v3;
	_ =	sdelay $0x4  }
0x11e: {  	[tilespmem:v3+s30+$0x0] =	vst.idx.add.f32.msk $0xffff, v2  }
0x11f: {  	v3 =	vld [tilespmem:$0x90];
	_ =	sdelay $0x4  }
0x120: {  	v3 =	vadd.s32 v1, v3;
	_ =	sdelay $0x4  }
0x121: {  	[tilespmem:v3+s30+$0x0] =	vst.idx.add.f32.msk $0xffff, v2  }
0x122: {  	v3 =	vld [tilespmem:$0xA0];
	_ =	sdelay $0x4  }
0x123: {  	v3 =	vadd.s32 v1, v3;
	_ =	sdelay $0x4  }
0x124: {  	[tilespmem:v3+s30+$0x0] =	vst.idx.add.f32.msk $0xffff, v2  }
0x125: {  	v3 =	vld [tilespmem:$0xB0];
	_ =	sdelay $0x4  }
0x126: {  	v3 =	vadd.s32 v1, v3;
	_ =	sdelay $0x4  }
0x127: {  	[tilespmem:v3+s30+$0x0] =	vst.idx.add.f32.msk $0xffff, v2  }
0x128: {  	v3 =	vld [tilespmem:$0xC0];
	_ =	sdelay $0x4  }
0x129: {  	v3 =	vadd.s32 v1, v3;
	_ =	sdelay $0x4  }
0x12a: {  	[tilespmem:v3+s30+$0x0] =	vst.idx.add.f32.msk $0xffff, v2  }
0x12b: {  	v3 =	vld [tilespmem:$0xD0];
	_ =	sdelay $0x4  }
0x12c: {  	v3 =	vadd.s32 v1, v3;
	_ =	sdelay $0x4  }
0x12d: {  	[tilespmem:v3+s30+$0x0] =	vst.idx.add.f32.msk $0xffff, v2  }
0x12e: {  	v3 =	vld [tilespmem:$0xE0];
	_ =	sdelay $0x4  }
0x12f: {  	v3 =	vadd.s32 v1, v3;
	_ =	sdelay $0x4  }
0x130: {  	[tilespmem:v3+s30+$0x0] =	vst.idx.add.f32.msk $0xffff, v2  }
0x131: {  	v3 =	vld [tilespmem:$0xF0];
	_ =	sdelay $0x4  }
0x132: {  	v3 =	vadd.s32 v1, v3;
	_ =	sdelay $0x4  }
0x133: {  	[tilespmem:v3+s30+$0x0] =	vst.idx.add.f32.msk $0xffff, v2  }
0x134: {  	v3 =	vld [tilespmem:$0x100];
	_ =	sdelay $0x4  }
0x135: {  	v3 =	vadd.s32 v1, v3;
	_ =	sdelay $0x4  }
0x136: {  	[tilespmem:v3+s30+$0x0] =	vst.idx.add.f32.msk $0xffff, v2  }
0x137: {  	v3 =	vld [tilespmem:$0x110];
	_ =	sdelay $0x4  }
0x138: {  	v3 =	vadd.s32 v1, v3;
	_ =	sdelay $0x4  }
0x139: {  	[tilespmem:v3+s30+$0x0] =	vst.idx.add.f32.msk $0xffff, v2  }
0x13a: {  	v3 =	vld [tilespmem:$0x120];
	_ =	sdelay $0x4  }
0x13b: {  	v3 =	vadd.s32 v1, v3;
	_ =	sdelay $0x4  }
0x13c: {  	[tilespmem:v3+s30+$0x0] =	vst.idx.add.f32.msk $0xffff, v2  }
0x13d: {  	v3 =	vld [tilespmem:$0x130];
	_ =	sdelay $0x4  }
0x13e: {  	v3 =	vadd.s32 v1, v3;
	_ =	sdelay $0x4  }
0x13f: {  	[tilespmem:v3+s30+$0x0] =	vst.idx.add.f32.msk $0xffff, v2  }
0x140: {  	v3 =	vld [tilespmem:$0x140];
	_ =	sdelay $0x4  }
0x141: {  	v3 =	vadd.s32 v1, v3;
	_ =	sdelay $0x4  }
0x142: {  	[tilespmem:v3+s30+$0x0] =	vst.idx.add.f32.msk $0xffff, v2  }
0x143: {  	v3 =	vld [tilespmem:$0x150];
	_ =	sdelay $0x4  }
0x144: {  	v3 =	vadd.s32 v1, v3;
	_ =	sdelay $0x4  }
0x145: {  	[tilespmem:v3+s30+$0x0] =	vst.idx.add.f32.msk $0xffff, v2  }
0x146: {  	v3 =	vld [tilespmem:$0x160];
	_ =	sdelay $0x4  }
0x147: {  	v3 =	vadd.s32 v1, v3;
	_ =	sdelay $0x4  }
0x148: {  	[tilespmem:v3+s30+$0x0] =	vst.idx.add.f32.msk $0xffff, v2  }
0x149: {  	v3 =	vld [tilespmem:$0x170];
	_ =	sdelay $0x4  }
0x14a: {  	v3 =	vadd.s32 v1, v3;
	_ =	sdelay $0x4  }
0x14b: {  	[tilespmem:v3+s30+$0x0] =	vst.idx.add.f32.msk $0xffff, v2  }
0x14c: {  	v3 =	vld [tilespmem:$0x180];
	_ =	sdelay $0x4  }
0x14d: {  	v3 =	vadd.s32 v1, v3;
	_ =	sdelay $0x4  }
0x14e: {  	[tilespmem:v3+s30+$0x0] =	vst.idx.add.f32.msk $0xffff, v2  }
0x14f: {  	v3 =	vld [tilespmem:$0x190];
	_ =	sdelay $0x4  }
0x150: {  	v3 =	vadd.s32 v1, v3;
	_ =	sdelay $0x4  }
0x151: {  	[tilespmem:v3+s30+$0x0] =	vst.idx.add.f32.msk $0xffff, v2  }
0x152: {  	v3 =	vld [tilespmem:$0x1A0];
	_ =	sdelay $0x4  }
0x153: {  	v3 =	vadd.s32 v1, v3;
	_ =	sdelay $0x4  }
0x154: {  	[tilespmem:v3+s30+$0x0] =	vst.idx.add.f32.msk $0xffff, v2  }
0x155: {  	v3 =	vld [tilespmem:$0x1B0];
	_ =	sdelay $0x4  }
0x156: {  	v3 =	vadd.s32 v1, v3;
	_ =	sdelay $0x4  }
0x157: {  	[tilespmem:v3+s30+$0x0] =	vst.idx.add.f32.msk $0xffff, v2  }
0x158: {  	v3 =	vld [tilespmem:$0x1C0];
	_ =	sdelay $0x4  }
0x159: {  	v3 =	vadd.s32 v1, v3;
	_ =	sdelay $0x4  }
0x15a: {  	[tilespmem:v3+s30+$0x0] =	vst.idx.add.f32.msk $0xffff, v2  }
0x15b: {  	v3 =	vld [tilespmem:$0x1D0];
	_ =	sdelay $0x4  }
0x15c: {  	v3 =	vadd.s32 v1, v3;
	_ =	sdelay $0x4  }
0x15d: {  	[tilespmem:v3+s30+$0x0] =	vst.idx.add.f32.msk $0xffff, v2  }
0x15e: {  	v3 =	vld [tilespmem:$0x1E0];
	_ =	sdelay $0x4  }
0x15f: {  	v3 =	vadd.s32 v1, v3;
	_ =	sdelay $0x4  }
0x160: {  	[tilespmem:v3+s30+$0x0] =	vst.idx.add.f32.msk $0xffff, v2  }
0x161: {  	v3 =	vld [tilespmem:$0x1F0];
	_ =	sdelay $0x4  }
0x162: {  	v3 =	vadd.s32 v1, v3;
	_ =	sdelay $0x3  }
0x163: {  	s18 =	simm.s32 $0x0  }
0x164: {  	s18 =	sand.u32 $0x1F0, s18;
	[tilespmem:v3+s30+$0x0] =	vst.idx.add.f32.msk $0xffff, v2  }
0x165: {  	v3 =	vld [tilespmem:s18+$0x400]  }
0x166: {  	v4 =	vld [tilespmem:s30+$0x0];
	_ =	sdelay $0x1  }
0x167: {  	v5 =	vld [tilespmem:s18+$0x600];
	_ =	sdelay $0x1  }
0x168: {  	v6 =	vld [tilespmem:s18+$0x800]  }
0x169: {  	v3 =	vadd.f32 v3, v4  }
0x16a: {  	v4 =	vld [tilespmem:s18+$0xA00]  }
0x16b: {  	v3 =	vadd.f32 v5, v3  }
0x16c: {  	v5 =	vld [tilespmem:s18+$0xC00]  }
0x16d: {  	v3 =	vadd.f32 v6, v3  }
0x16e: {  	v60 =	vld [tilespmem:s18+$0xE00]  }
0x16f: {  	v3 =	vadd.f32 v4, v3  }
0x170: {  	v4 =	vld [tilespmem:s18+$0x1000]  }
0x171: {  	v3 =	vadd.f32 v5, v3  }
0x172: {  	v5 =	vld [tilespmem:s18+$0x1200]  }
0x173: {  	v3 =	vadd.f32 v60, v3  }
0x174: {  	v61 =	vld [tilespmem:s18+$0x1400]  }
0x175: {  	v3 =	vadd.f32 v4, v3  }
0x176: {  	v4 =	vld [tilespmem:s18+$0x1600]  }
0x177: {  	v3 =	vadd.f32 v5, v3  }
0x178: {  	v5 =	vld [tilespmem:s18+$0x1800]  }
0x179: {  	v3 =	vadd.f32 v61, v3  }
0x17a: {  	v62 =	vld [tilespmem:s18+$0x1A00]  }
0x17b: {  	v3 =	vadd.f32 v4, v3  }
0x17c: {  	v4 =	vld [tilespmem:s18+$0x1C00]  }
0x17d: {  	v3 =	vadd.f32 v5, v3  }
0x17e: {  	v5 =	vld [tilespmem:s18+$0x1E00]  }
0x17f: {  	v3 =	vadd.f32 v62, v3  }
0x180: {  	v63 =	vld [tilespmem:s18+$0x2000]  }
0x181: {  	v3 =	vadd.f32 v4, v3;
	_ =	sdelay $0x1  }
0x182: {  	v3 =	vadd.f32 v5, v3;
	_ =	sdelay $0x1  }
0x183: {  	v3 =	vadd.f32 v63, v3  }
0x184: {  	s17 =	simm.s32 $0x2200;
	s31 =	simm.s32 $0x10  }
0x185: {  	s18 =	sand.u32 $0x1F0, s31;
	[tilespmem:s17+$0x0] =	vst v3  }
0x186: {  	s20 =	simm.s32 $0x20;
	s19 =	simm.s32 $0x210;
	v3 =	vld [tilespmem:s18+$0x400]  }
.LBB2_8:
0x187: {  	p0 =	sne.s32 s20, $0x1F0;
	v4 =	vld [tilespmem:s19+$0x0];
	_ =	sdelay $0x1  }
0x188: {  	v5 =	vld [tilespmem:s18+$0x600];
	_ =	sdelay $0x1  }
0x189: {  	v6 =	vld [tilespmem:s18+$0x800]  }
0x18a: {  	v3 =	vadd.f32 v3, v4  }
0x18b: {  	v4 =	vld [tilespmem:s18+$0xA00]  }
0x18c: {  	v3 =	vadd.f32 v5, v3  }
0x18d: {  	v5 =	vld [tilespmem:s18+$0xC00]  }
0x18e: {  	v3 =	vadd.f32 v6, v3  }
0x18f: {  	v6 =	vld [tilespmem:s18+$0xE00]  }
0x190: {  	v3 =	vadd.f32 v4, v3  }
0x191: {  	v4 =	vld [tilespmem:s18+$0x1000]  }
0x192: {  	v3 =	vadd.f32 v5, v3  }
0x193: {  	v5 =	vld [tilespmem:s18+$0x1200]  }
0x194: {  	v3 =	vadd.f32 v6, v3  }
0x195: {  	v6 =	vld [tilespmem:s18+$0x1400]  }
0x196: {  	v3 =	vadd.f32 v4, v3  }
0x197: {  	v4 =	vld [tilespmem:s18+$0x1600]  }
0x198: {  	v3 =	vadd.f32 v5, v3  }
0x199: {  	v5 =	vld [tilespmem:s18+$0x1800]  }
0x19a: {  	v3 =	vadd.f32 v6, v3  }
0x19b: {  	v6 =	vld [tilespmem:s18+$0x1A00]  }
0x19c: {  	v3 =	vadd.f32 v4, v3  }
0x19d: {  	v4 =	vld [tilespmem:s18+$0x1C00]  }
0x19e: {  	v3 =	vadd.f32 v5, v3  }
0x19f: {  	v5 =	vld [tilespmem:s18+$0x1E00]  }
0x1a0: {  	v3 =	vadd.f32 v6, v3  }
0x1a1: {  	v6 =	vld [tilespmem:s18+$0x2000]  }
0x1a2: {  	v3 =	vadd.f32 v4, v3;
	_ =	sdelay $0x1  }
0x1a3: {  	v3 =	vadd.f32 v5, v3  }
.Ltmp3:
0x1a4: {  	(pc) =	sbr.rel @p0 .LBB2_8-.Ltmp3, $4  }
0x1a5: {  	v3 =	vadd.f32 v6, v3  }
0x1a6: {  	s17 =	sadd.s32 $0x10, s17  }
0x1a7: {  	s18 =	sand.u32 $0x1F0, s20;
	[tilespmem:s17+$0x0] =	vst v3  }
0x1a8: {  	s19 =	sadd.s32 $0x10, s19;
	s20 =	sadd.s32 $0x10, s20;
	v3 =	vld [tilespmem:s18+$0x400]  }
0x1a9: {  	v4 =	vld [tilespmem:s19+$0x0];
	_ =	sdelay $0x1  }
0x1aa: {  	v5 =	vld [tilespmem:s18+$0x600];
	_ =	sdelay $0x1  }
0x1ab: {  	v6 =	vld [tilespmem:s18+$0x800]  }
0x1ac: {  	v3 =	vadd.f32 v3, v4  }
0x1ad: {  	v52 =	vld [tilespmem:s18+$0xA00]  }
0x1ae: {  	v3 =	vadd.f32 v5, v3  }
0x1af: {  	v53 =	vld [tilespmem:s18+$0xC00]  }
0x1b0: {  	v3 =	vadd.f32 v6, v3  }
0x1b1: {  	v54 =	vld [tilespmem:s18+$0xE00]  }
0x1b2: {  	v3 =	vadd.f32 v52, v3  }
0x1b3: {  	v55 =	vld [tilespmem:s18+$0x1000]  }
0x1b4: {  	v3 =	vadd.f32 v53, v3  }
0x1b5: {  	v56 =	vld [tilespmem:s18+$0x1200]  }
0x1b6: {  	v3 =	vadd.f32 v54, v3  }
0x1b7: {  	v57 =	vld [tilespmem:s18+$0x1400]  }
0x1b8: {  	v3 =	vadd.f32 v55, v3  }
0x1b9: {  	v58 =	vld [tilespmem:s18+$0x1600]  }
0x1ba: {  	v3 =	vadd.f32 v56, v3  }
0x1bb: {  	v59 =	vld [tilespmem:s18+$0x1800]  }
0x1bc: {  	v3 =	vadd.f32 v57, v3  }
0x1bd: {  	v60 =	vld [tilespmem:s18+$0x1A00]  }
0x1be: {  	v3 =	vadd.f32 v58, v3  }
0x1bf: {  	v61 =	vld [tilespmem:s18+$0x1C00]  }
0x1c0: {  	v3 =	vadd.f32 v59, v3  }
0x1c1: {  	v62 =	vld [tilespmem:s18+$0x1E00]  }
0x1c2: {  	v3 =	vadd.f32 v60, v3  }
0x1c3: {  	v63 =	vld [tilespmem:s18+$0x2000]  }
0x1c4: {  	v3 =	vadd.f32 v61, v3;
	_ =	sdelay $0x1  }
0x1c5: {  	v3 =	vadd.f32 v62, v3;
	_ =	sdelay $0x1  }
0x1c6: {  	v3 =	vadd.f32 v63, v3  }
0x1c7: {  	s17 =	sadd.s32 $0x10, s17  }
0x1c8: {  	[tilespmem:s17+$0x0] =	vst v3  }
0x1c9: {  	[hbm4b:s6+s12] =	stream.strided.scatter [tilespmem:s15], [sflag:$0x1], $0x200, s13, s12, $0x38;
	[tilespmem:$0x2400] =	vst v63  }
0x1ca: {  	_ =	swait.ge [sflag:s14], $0x200  }
0x1cb: {  	[sflag:s14] =	ssyncset.done $0x0  }
0x1cc: {  	[sflag:s14] =	ssyncadd.s32 $0xFFFFFE00  }
0x1cd: {  	[tilespmem:s1], [sflag:$0x1] =	stream.strided.gather [hbm4b:s7+s12], $0x200, s13, s12, $0x38;
	[tilespmem:$0x2400] =	vst v63  }
0x1ce: {  	_ =	swait.ge [sflag:s14], $0x200  }
0x1cf: {  	[sflag:s14] =	ssyncset.done $0x0  }
0x1d0: {  	s17 =	simm.s32 $0x240;
	[sflag:s14] =	ssyncadd.s32 $0xFFFFFE00  }
0x1d1: {  	[tilespmem:s17+$0xFFFFFFC0] =	vst v0  }
0x1d2: {  	[tilespmem:s17+$0x30] =	vst v0  }
0x1d3: {  	[tilespmem:s17+$0x20] =	vst v0  }
0x1d4: {  	[tilespmem:s17+$0x10] =	vst v0  }
0x1d5: {  	[tilespmem:s17+$0x0] =	vst v0  }
0x1d6: {  	[tilespmem:s17+$0xFFFFFFF0] =	vst v0  }
0x1d7: {  	s18 =	simm.s32 $0x0;
	[tilespmem:s17+$0xFFFFFFE0] =	vst v0  }
.LBB2_10:
0x1d8: {  	s18 =	sadd.s32 $0x8, s18;
	[tilespmem:s17+$0xFFFFFFD0] =	vst v0;
	s17 =	sadd.s32 $0x80, s17  }
0x1d9: {  	[tilespmem:s17+$0xFFFFFFC0] =	vst v0;
	p0 =	slt.u32 s18, $0x1F8  }
0x1da: {  	[tilespmem:s17+$0x30] =	vst v0  }
.Ltmp4:
0x1db: {  	[tilespmem:s17+$0x20] =	vst v0;
	(pc) =	sbr.rel @p0 .LBB2_10-.Ltmp4, $4  }
0x1dc: {  	[tilespmem:s17+$0x10] =	vst v0  }
0x1dd: {  	[tilespmem:s17+$0x0] =	vst v0  }
0x1de: {  	[tilespmem:s17+$0xFFFFFFF0] =	vst v0  }
0x1df: {  	[tilespmem:s17+$0xFFFFFFE0] =	vst v0  }
0x1e0: {  	[tilespmem:s17+$0xFFFFFFD0] =	vst v0  }
0x1e1: {  	v3 =	vld [tilespmem:$0x0];
	_ =	sdelay $0x4  }
0x1e2: {  	v3 =	vadd.s32 v1, v3;
	_ =	sdelay $0x3  }
0x1e3: {  	s30 =	simm.s32 $0x200  }
0x1e4: {  	[tilespmem:v3+s30+$0x0] =	vst.idx.add.f32.msk $0xffff, v2  }
0x1e5: {  	v3 =	vld [tilespmem:$0x10];
	_ =	sdelay $0x4  }
0x1e6: {  	v3 =	vadd.s32 v1, v3;
	_ =	sdelay $0x4  }
0x1e7: {  	[tilespmem:v3+s30+$0x0] =	vst.idx.add.f32.msk $0xffff, v2  }
0x1e8: {  	v3 =	vld [tilespmem:$0x20];
	_ =	sdelay $0x4  }
0x1e9: {  	v3 =	vadd.s32 v1, v3;
	_ =	sdelay $0x4  }
0x1ea: {  	[tilespmem:v3+s30+$0x0] =	vst.idx.add.f32.msk $0xffff, v2  }
0x1eb: {  	v3 =	vld [tilespmem:$0x30];
	_ =	sdelay $0x4  }
0x1ec: {  	v3 =	vadd.s32 v1, v3;
	_ =	sdelay $0x4  }
0x1ed: {  	[tilespmem:v3+s30+$0x0] =	vst.idx.add.f32.msk $0xffff, v2  }
0x1ee: {  	v3 =	vld [tilespmem:$0x40];
	_ =	sdelay $0x4  }
0x1ef: {  	v3 =	vadd.s32 v1, v3;
	_ =	sdelay $0x4  }
0x1f0: {  	[tilespmem:v3+s30+$0x0] =	vst.idx.add.f32.msk $0xffff, v2  }
0x1f1: {  	v3 =	vld [tilespmem:$0x50];
	_ =	sdelay $0x4  }
0x1f2: {  	v3 =	vadd.s32 v1, v3;
	_ =	sdelay $0x4  }
0x1f3: {  	[tilespmem:v3+s30+$0x0] =	vst.idx.add.f32.msk $0xffff, v2  }
0x1f4: {  	v3 =	vld [tilespmem:$0x60];
	_ =	sdelay $0x4  }
0x1f5: {  	v3 =	vadd.s32 v1, v3;
	_ =	sdelay $0x4  }
0x1f6: {  	[tilespmem:v3+s30+$0x0] =	vst.idx.add.f32.msk $0xffff, v2  }
0x1f7: {  	v3 =	vld [tilespmem:$0x70];
	_ =	sdelay $0x4  }
0x1f8: {  	v3 =	vadd.s32 v1, v3;
	_ =	sdelay $0x4  }
0x1f9: {  	[tilespmem:v3+s30+$0x0] =	vst.idx.add.f32.msk $0xffff, v2  }
0x1fa: {  	v3 =	vld [tilespmem:$0x80];
	_ =	sdelay $0x4  }
0x1fb: {  	v3 =	vadd.s32 v1, v3;
	_ =	sdelay $0x4  }
0x1fc: {  	[tilespmem:v3+s30+$0x0] =	vst.idx.add.f32.msk $0xffff, v2  }
0x1fd: {  	v3 =	vld [tilespmem:$0x90];
	_ =	sdelay $0x4  }
0x1fe: {  	v3 =	vadd.s32 v1, v3;
	_ =	sdelay $0x4  }
0x1ff: {  	[tilespmem:v3+s30+$0x0] =	vst.idx.add.f32.msk $0xffff, v2  }
0x200: {  	v3 =	vld [tilespmem:$0xA0];
	_ =	sdelay $0x4  }
0x201: {  	v3 =	vadd.s32 v1, v3;
	_ =	sdelay $0x4  }
0x202: {  	[tilespmem:v3+s30+$0x0] =	vst.idx.add.f32.msk $0xffff, v2  }
0x203: {  	v3 =	vld [tilespmem:$0xB0];
	_ =	sdelay $0x4  }
0x204: {  	v3 =	vadd.s32 v1, v3;
	_ =	sdelay $0x4  }
0x205: {  	[tilespmem:v3+s30+$0x0] =	vst.idx.add.f32.msk $0xffff, v2  }
0x206: {  	v3 =	vld [tilespmem:$0xC0];
	_ =	sdelay $0x4  }
0x207: {  	v3 =	vadd.s32 v1, v3;
	_ =	sdelay $0x4  }
0x208: {  	[tilespmem:v3+s30+$0x0] =	vst.idx.add.f32.msk $0xffff, v2  }
0x209: {  	v3 =	vld [tilespmem:$0xD0];
	_ =	sdelay $0x4  }
0x20a: {  	v3 =	vadd.s32 v1, v3;
	_ =	sdelay $0x4  }
0x20b: {  	[tilespmem:v3+s30+$0x0] =	vst.idx.add.f32.msk $0xffff, v2  }
0x20c: {  	v3 =	vld [tilespmem:$0xE0];
	_ =	sdelay $0x4  }
0x20d: {  	v3 =	vadd.s32 v1, v3;
	_ =	sdelay $0x4  }
0x20e: {  	[tilespmem:v3+s30+$0x0] =	vst.idx.add.f32.msk $0xffff, v2  }
0x20f: {  	v3 =	vld [tilespmem:$0xF0];
	_ =	sdelay $0x4  }
0x210: {  	v3 =	vadd.s32 v1, v3;
	_ =	sdelay $0x4  }
0x211: {  	[tilespmem:v3+s30+$0x0] =	vst.idx.add.f32.msk $0xffff, v2  }
0x212: {  	v3 =	vld [tilespmem:$0x100];
	_ =	sdelay $0x4  }
0x213: {  	v3 =	vadd.s32 v1, v3;
	_ =	sdelay $0x4  }
0x214: {  	[tilespmem:v3+s30+$0x0] =	vst.idx.add.f32.msk $0xffff, v2  }
0x215: {  	v3 =	vld [tilespmem:$0x110];
	_ =	sdelay $0x4  }
0x216: {  	v3 =	vadd.s32 v1, v3;
	_ =	sdelay $0x4  }
0x217: {  	[tilespmem:v3+s30+$0x0] =	vst.idx.add.f32.msk $0xffff, v2  }
0x218: {  	v3 =	vld [tilespmem:$0x120];
	_ =	sdelay $0x4  }
0x219: {  	v3 =	vadd.s32 v1, v3;
	_ =	sdelay $0x4  }
0x21a: {  	[tilespmem:v3+s30+$0x0] =	vst.idx.add.f32.msk $0xffff, v2  }
0x21b: {  	v3 =	vld [tilespmem:$0x130];
	_ =	sdelay $0x4  }
0x21c: {  	v3 =	vadd.s32 v1, v3;
	_ =	sdelay $0x4  }
0x21d: {  	[tilespmem:v3+s30+$0x0] =	vst.idx.add.f32.msk $0xffff, v2  }
0x21e: {  	v3 =	vld [tilespmem:$0x140];
	_ =	sdelay $0x4  }
0x21f: {  	v3 =	vadd.s32 v1, v3;
	_ =	sdelay $0x4  }
0x220: {  	[tilespmem:v3+s30+$0x0] =	vst.idx.add.f32.msk $0xffff, v2  }
0x221: {  	v3 =	vld [tilespmem:$0x150];
	_ =	sdelay $0x4  }
0x222: {  	v3 =	vadd.s32 v1, v3;
	_ =	sdelay $0x4  }
0x223: {  	[tilespmem:v3+s30+$0x0] =	vst.idx.add.f32.msk $0xffff, v2  }
0x224: {  	v3 =	vld [tilespmem:$0x160];
	_ =	sdelay $0x4  }
0x225: {  	v3 =	vadd.s32 v1, v3;
	_ =	sdelay $0x4  }
0x226: {  	[tilespmem:v3+s30+$0x0] =	vst.idx.add.f32.msk $0xffff, v2  }
0x227: {  	v3 =	vld [tilespmem:$0x170];
	_ =	sdelay $0x4  }
0x228: {  	v3 =	vadd.s32 v1, v3;
	_ =	sdelay $0x4  }
0x229: {  	[tilespmem:v3+s30+$0x0] =	vst.idx.add.f32.msk $0xffff, v2  }
0x22a: {  	v3 =	vld [tilespmem:$0x180];
	_ =	sdelay $0x4  }
0x22b: {  	v3 =	vadd.s32 v1, v3;
	_ =	sdelay $0x4  }
0x22c: {  	[tilespmem:v3+s30+$0x0] =	vst.idx.add.f32.msk $0xffff, v2  }
0x22d: {  	v3 =	vld [tilespmem:$0x190];
	_ =	sdelay $0x4  }
0x22e: {  	v3 =	vadd.s32 v1, v3;
	_ =	sdelay $0x4  }
0x22f: {  	[tilespmem:v3+s30+$0x0] =	vst.idx.add.f32.msk $0xffff, v2  }
0x230: {  	v3 =	vld [tilespmem:$0x1A0];
	_ =	sdelay $0x4  }
0x231: {  	v3 =	vadd.s32 v1, v3;
	_ =	sdelay $0x4  }
0x232: {  	[tilespmem:v3+s30+$0x0] =	vst.idx.add.f32.msk $0xffff, v2  }
0x233: {  	v3 =	vld [tilespmem:$0x1B0];
	_ =	sdelay $0x4  }
0x234: {  	v3 =	vadd.s32 v1, v3;
	_ =	sdelay $0x4  }
0x235: {  	[tilespmem:v3+s30+$0x0] =	vst.idx.add.f32.msk $0xffff, v2  }
0x236: {  	v3 =	vld [tilespmem:$0x1C0];
	_ =	sdelay $0x4  }
0x237: {  	v3 =	vadd.s32 v1, v3;
	_ =	sdelay $0x4  }
0x238: {  	[tilespmem:v3+s30+$0x0] =	vst.idx.add.f32.msk $0xffff, v2  }
0x239: {  	v3 =	vld [tilespmem:$0x1D0];
	_ =	sdelay $0x4  }
0x23a: {  	v3 =	vadd.s32 v1, v3;
	_ =	sdelay $0x4  }
0x23b: {  	[tilespmem:v3+s30+$0x0] =	vst.idx.add.f32.msk $0xffff, v2  }
0x23c: {  	v3 =	vld [tilespmem:$0x1E0];
	_ =	sdelay $0x4  }
0x23d: {  	v3 =	vadd.s32 v1, v3;
	_ =	sdelay $0x4  }
0x23e: {  	[tilespmem:v3+s30+$0x0] =	vst.idx.add.f32.msk $0xffff, v2  }
0x23f: {  	v3 =	vld [tilespmem:$0x1F0];
	_ =	sdelay $0x4  }
0x240: {  	v3 =	vadd.s32 v1, v3;
	_ =	sdelay $0x3  }
0x241: {  	s18 =	simm.s32 $0x0  }
0x242: {  	s18 =	sand.u32 $0x1F0, s18;
	[tilespmem:v3+s30+$0x0] =	vst.idx.add.f32.msk $0xffff, v2  }
0x243: {  	v3 =	vld [tilespmem:s18+$0x400]  }
0x244: {  	v4 =	vld [tilespmem:s30+$0x0];
	_ =	sdelay $0x1  }
0x245: {  	v5 =	vld [tilespmem:s18+$0x600];
	_ =	sdelay $0x1  }
0x246: {  	v6 =	vld [tilespmem:s18+$0x800]  }
0x247: {  	v3 =	vadd.f32 v3, v4  }
0x248: {  	v4 =	vld [tilespmem:s18+$0xA00]  }
0x249: {  	v3 =	vadd.f32 v5, v3  }
0x24a: {  	v5 =	vld [tilespmem:s18+$0xC00]  }
0x24b: {  	v3 =	vadd.f32 v6, v3  }
0x24c: {  	v60 =	vld [tilespmem:s18+$0xE00]  }
0x24d: {  	v3 =	vadd.f32 v4, v3  }
0x24e: {  	v4 =	vld [tilespmem:s18+$0x1000]  }
0x24f: {  	v3 =	vadd.f32 v5, v3  }
0x250: {  	v5 =	vld [tilespmem:s18+$0x1200]  }
0x251: {  	v3 =	vadd.f32 v60, v3  }
0x252: {  	v61 =	vld [tilespmem:s18+$0x1400]  }
0x253: {  	v3 =	vadd.f32 v4, v3  }
0x254: {  	v4 =	vld [tilespmem:s18+$0x1600]  }
0x255: {  	v3 =	vadd.f32 v5, v3  }
0x256: {  	v5 =	vld [tilespmem:s18+$0x1800]  }
0x257: {  	v3 =	vadd.f32 v61, v3  }
0x258: {  	v62 =	vld [tilespmem:s18+$0x1A00]  }
0x259: {  	v3 =	vadd.f32 v4, v3  }
0x25a: {  	v4 =	vld [tilespmem:s18+$0x1C00]  }
0x25b: {  	v3 =	vadd.f32 v5, v3  }
0x25c: {  	v5 =	vld [tilespmem:s18+$0x1E00]  }
0x25d: {  	v3 =	vadd.f32 v62, v3  }
0x25e: {  	v63 =	vld [tilespmem:s18+$0x2000]  }
0x25f: {  	v3 =	vadd.f32 v4, v3;
	_ =	sdelay $0x1  }
0x260: {  	v3 =	vadd.f32 v5, v3;
	_ =	sdelay $0x1  }
0x261: {  	v3 =	vadd.f32 v63, v3  }
0x262: {  	s17 =	simm.s32 $0x2200;
	s31 =	simm.s32 $0x10  }
0x263: {  	s18 =	sand.u32 $0x1F0, s31;
	[tilespmem:s17+$0x0] =	vst v3  }
0x264: {  	s20 =	simm.s32 $0x20;
	s19 =	simm.s32 $0x210;
	v3 =	vld [tilespmem:s18+$0x400]  }
.LBB2_12:
0x265: {  	p0 =	sne.s32 s20, $0x1F0;
	v4 =	vld [tilespmem:s19+$0x0];
	_ =	sdelay $0x1  }
0x266: {  	v5 =	vld [tilespmem:s18+$0x600];
	_ =	sdelay $0x1  }
0x267: {  	v6 =	vld [tilespmem:s18+$0x800]  }
0x268: {  	v3 =	vadd.f32 v3, v4  }
0x269: {  	v4 =	vld [tilespmem:s18+$0xA00]  }
0x26a: {  	v3 =	vadd.f32 v5, v3  }
0x26b: {  	v5 =	vld [tilespmem:s18+$0xC00]  }
0x26c: {  	v3 =	vadd.f32 v6, v3  }
0x26d: {  	v6 =	vld [tilespmem:s18+$0xE00]  }
0x26e: {  	v3 =	vadd.f32 v4, v3  }
0x26f: {  	v4 =	vld [tilespmem:s18+$0x1000]  }
0x270: {  	v3 =	vadd.f32 v5, v3  }
0x271: {  	v5 =	vld [tilespmem:s18+$0x1200]  }
0x272: {  	v3 =	vadd.f32 v6, v3  }
0x273: {  	v6 =	vld [tilespmem:s18+$0x1400]  }
0x274: {  	v3 =	vadd.f32 v4, v3  }
0x275: {  	v4 =	vld [tilespmem:s18+$0x1600]  }
0x276: {  	v3 =	vadd.f32 v5, v3  }
0x277: {  	v5 =	vld [tilespmem:s18+$0x1800]  }
0x278: {  	v3 =	vadd.f32 v6, v3  }
0x279: {  	v6 =	vld [tilespmem:s18+$0x1A00]  }
0x27a: {  	v3 =	vadd.f32 v4, v3  }
0x27b: {  	v4 =	vld [tilespmem:s18+$0x1C00]  }
0x27c: {  	v3 =	vadd.f32 v5, v3  }
0x27d: {  	v5 =	vld [tilespmem:s18+$0x1E00]  }
0x27e: {  	v3 =	vadd.f32 v6, v3  }
0x27f: {  	v6 =	vld [tilespmem:s18+$0x2000]  }
0x280: {  	v3 =	vadd.f32 v4, v3;
	_ =	sdelay $0x1  }
0x281: {  	v3 =	vadd.f32 v5, v3  }
.Ltmp5:
0x282: {  	(pc) =	sbr.rel @p0 .LBB2_12-.Ltmp5, $4  }
0x283: {  	v3 =	vadd.f32 v6, v3  }
0x284: {  	s17 =	sadd.s32 $0x10, s17  }
0x285: {  	s18 =	sand.u32 $0x1F0, s20;
	[tilespmem:s17+$0x0] =	vst v3  }
0x286: {  	s19 =	sadd.s32 $0x10, s19;
	s20 =	sadd.s32 $0x10, s20;
	v3 =	vld [tilespmem:s18+$0x400]  }
0x287: {  	v4 =	vld [tilespmem:s19+$0x0];
	_ =	sdelay $0x1  }
0x288: {  	v5 =	vld [tilespmem:s18+$0x600];
	_ =	sdelay $0x1  }
0x289: {  	v6 =	vld [tilespmem:s18+$0x800]  }
0x28a: {  	v3 =	vadd.f32 v3, v4  }
0x28b: {  	v52 =	vld [tilespmem:s18+$0xA00]  }
0x28c: {  	v3 =	vadd.f32 v5, v3  }
0x28d: {  	v53 =	vld [tilespmem:s18+$0xC00]  }
0x28e: {  	v3 =	vadd.f32 v6, v3  }
0x28f: {  	v54 =	vld [tilespmem:s18+$0xE00]  }
0x290: {  	v3 =	vadd.f32 v52, v3  }
0x291: {  	v55 =	vld [tilespmem:s18+$0x1000]  }
0x292: {  	v3 =	vadd.f32 v53, v3  }
0x293: {  	v56 =	vld [tilespmem:s18+$0x1200]  }
0x294: {  	v3 =	vadd.f32 v54, v3  }
0x295: {  	v57 =	vld [tilespmem:s18+$0x1400]  }
0x296: {  	v3 =	vadd.f32 v55, v3  }
0x297: {  	v58 =	vld [tilespmem:s18+$0x1600]  }
0x298: {  	v3 =	vadd.f32 v56, v3  }
0x299: {  	v59 =	vld [tilespmem:s18+$0x1800]  }
0x29a: {  	v3 =	vadd.f32 v57, v3  }
0x29b: {  	v60 =	vld [tilespmem:s18+$0x1A00]  }
0x29c: {  	v3 =	vadd.f32 v58, v3  }
0x29d: {  	v61 =	vld [tilespmem:s18+$0x1C00]  }
0x29e: {  	v3 =	vadd.f32 v59, v3  }
0x29f: {  	v62 =	vld [tilespmem:s18+$0x1E00]  }
0x2a0: {  	v3 =	vadd.f32 v60, v3  }
0x2a1: {  	v63 =	vld [tilespmem:s18+$0x2000]  }
0x2a2: {  	v3 =	vadd.f32 v61, v3;
	_ =	sdelay $0x1  }
0x2a3: {  	v3 =	vadd.f32 v62, v3;
	_ =	sdelay $0x1  }
0x2a4: {  	v3 =	vadd.f32 v63, v3  }
0x2a5: {  	s17 =	sadd.s32 $0x10, s17  }
0x2a6: {  	[tilespmem:s17+$0x0] =	vst v3  }
0x2a7: {  	[hbm4b:s8+s12] =	stream.strided.scatter [tilespmem:s15], [sflag:$0x1], $0x200, s13, s12, $0x38;
	[tilespmem:$0x2400] =	vst v63  }
0x2a8: {  	_ =	swait.ge [sflag:s14], $0x200  }
0x2a9: {  	[sflag:s14] =	ssyncset.done $0x0  }
0x2aa: {  	[sflag:s14] =	ssyncadd.s32 $0xFFFFFE00  }
0x2ab: {  	[tilespmem:s1], [sflag:$0x1] =	stream.strided.gather [hbm4b:s9+s12], $0x200, s13, s12, $0x38;
	[tilespmem:$0x2400] =	vst v63  }
0x2ac: {  	_ =	swait.ge [sflag:s14], $0x200  }
0x2ad: {  	[sflag:s14] =	ssyncset.done $0x0  }
0x2ae: {  	s17 =	simm.s32 $0x240;
	[sflag:s14] =	ssyncadd.s32 $0xFFFFFE00  }
0x2af: {  	[tilespmem:s17+$0xFFFFFFC0] =	vst v0  }
0x2b0: {  	[tilespmem:s17+$0x30] =	vst v0  }
0x2b1: {  	[tilespmem:s17+$0x20] =	vst v0  }
0x2b2: {  	[tilespmem:s17+$0x10] =	vst v0  }
0x2b3: {  	[tilespmem:s17+$0x0] =	vst v0  }
0x2b4: {  	[tilespmem:s17+$0xFFFFFFF0] =	vst v0  }
0x2b5: {  	s18 =	simm.s32 $0x0;
	[tilespmem:s17+$0xFFFFFFE0] =	vst v0  }
.LBB2_14:
0x2b6: {  	s18 =	sadd.s32 $0x8, s18;
	[tilespmem:s17+$0xFFFFFFD0] =	vst v0;
	s17 =	sadd.s32 $0x80, s17  }
0x2b7: {  	[tilespmem:s17+$0xFFFFFFC0] =	vst v0;
	p0 =	slt.u32 s18, $0x1F8  }
0x2b8: {  	[tilespmem:s17+$0x30] =	vst v0  }
.Ltmp6:
0x2b9: {  	[tilespmem:s17+$0x20] =	vst v0;
	(pc) =	sbr.rel @p0 .LBB2_14-.Ltmp6, $4  }
0x2ba: {  	[tilespmem:s17+$0x10] =	vst v0  }
0x2bb: {  	[tilespmem:s17+$0x0] =	vst v0  }
0x2bc: {  	[tilespmem:s17+$0xFFFFFFF0] =	vst v0  }
0x2bd: {  	[tilespmem:s17+$0xFFFFFFE0] =	vst v0  }
0x2be: {  	[tilespmem:s17+$0xFFFFFFD0] =	vst v0  }
0x2bf: {  	v3 =	vld [tilespmem:$0x0];
	_ =	sdelay $0x4  }
0x2c0: {  	v3 =	vadd.s32 v1, v3;
	_ =	sdelay $0x3  }
0x2c1: {  	s30 =	simm.s32 $0x200  }
0x2c2: {  	[tilespmem:v3+s30+$0x0] =	vst.idx.add.f32.msk $0xffff, v2  }
0x2c3: {  	v3 =	vld [tilespmem:$0x10];
	_ =	sdelay $0x4  }
0x2c4: {  	v3 =	vadd.s32 v1, v3;
	_ =	sdelay $0x4  }
0x2c5: {  	[tilespmem:v3+s30+$0x0] =	vst.idx.add.f32.msk $0xffff, v2  }
0x2c6: {  	v3 =	vld [tilespmem:$0x20];
	_ =	sdelay $0x4  }
0x2c7: {  	v3 =	vadd.s32 v1, v3;
	_ =	sdelay $0x4  }
0x2c8: {  	[tilespmem:v3+s30+$0x0] =	vst.idx.add.f32.msk $0xffff, v2  }
0x2c9: {  	v3 =	vld [tilespmem:$0x30];
	_ =	sdelay $0x4  }
0x2ca: {  	v3 =	vadd.s32 v1, v3;
	_ =	sdelay $0x4  }
0x2cb: {  	[tilespmem:v3+s30+$0x0] =	vst.idx.add.f32.msk $0xffff, v2  }
0x2cc: {  	v3 =	vld [tilespmem:$0x40];
	_ =	sdelay $0x4  }
0x2cd: {  	v3 =	vadd.s32 v1, v3;
	_ =	sdelay $0x4  }
0x2ce: {  	[tilespmem:v3+s30+$0x0] =	vst.idx.add.f32.msk $0xffff, v2  }
0x2cf: {  	v3 =	vld [tilespmem:$0x50];
	_ =	sdelay $0x4  }
0x2d0: {  	v3 =	vadd.s32 v1, v3;
	_ =	sdelay $0x4  }
0x2d1: {  	[tilespmem:v3+s30+$0x0] =	vst.idx.add.f32.msk $0xffff, v2  }
0x2d2: {  	v3 =	vld [tilespmem:$0x60];
	_ =	sdelay $0x4  }
0x2d3: {  	v3 =	vadd.s32 v1, v3;
	_ =	sdelay $0x4  }
0x2d4: {  	[tilespmem:v3+s30+$0x0] =	vst.idx.add.f32.msk $0xffff, v2  }
0x2d5: {  	v3 =	vld [tilespmem:$0x70];
	_ =	sdelay $0x4  }
0x2d6: {  	v3 =	vadd.s32 v1, v3;
	_ =	sdelay $0x4  }
0x2d7: {  	[tilespmem:v3+s30+$0x0] =	vst.idx.add.f32.msk $0xffff, v2  }
0x2d8: {  	v3 =	vld [tilespmem:$0x80];
	_ =	sdelay $0x4  }
0x2d9: {  	v3 =	vadd.s32 v1, v3;
	_ =	sdelay $0x4  }
0x2da: {  	[tilespmem:v3+s30+$0x0] =	vst.idx.add.f32.msk $0xffff, v2  }
0x2db: {  	v3 =	vld [tilespmem:$0x90];
	_ =	sdelay $0x4  }
0x2dc: {  	v3 =	vadd.s32 v1, v3;
	_ =	sdelay $0x4  }
0x2dd: {  	[tilespmem:v3+s30+$0x0] =	vst.idx.add.f32.msk $0xffff, v2  }
0x2de: {  	v3 =	vld [tilespmem:$0xA0];
	_ =	sdelay $0x4  }
0x2df: {  	v3 =	vadd.s32 v1, v3;
	_ =	sdelay $0x4  }
0x2e0: {  	[tilespmem:v3+s30+$0x0] =	vst.idx.add.f32.msk $0xffff, v2  }
0x2e1: {  	v3 =	vld [tilespmem:$0xB0];
	_ =	sdelay $0x4  }
0x2e2: {  	v3 =	vadd.s32 v1, v3;
	_ =	sdelay $0x4  }
0x2e3: {  	[tilespmem:v3+s30+$0x0] =	vst.idx.add.f32.msk $0xffff, v2  }
0x2e4: {  	v3 =	vld [tilespmem:$0xC0];
	_ =	sdelay $0x4  }
0x2e5: {  	v3 =	vadd.s32 v1, v3;
	_ =	sdelay $0x4  }
0x2e6: {  	[tilespmem:v3+s30+$0x0] =	vst.idx.add.f32.msk $0xffff, v2  }
0x2e7: {  	v3 =	vld [tilespmem:$0xD0];
	_ =	sdelay $0x4  }
0x2e8: {  	v3 =	vadd.s32 v1, v3;
	_ =	sdelay $0x4  }
0x2e9: {  	[tilespmem:v3+s30+$0x0] =	vst.idx.add.f32.msk $0xffff, v2  }
0x2ea: {  	v3 =	vld [tilespmem:$0xE0];
	_ =	sdelay $0x4  }
0x2eb: {  	v3 =	vadd.s32 v1, v3;
	_ =	sdelay $0x4  }
0x2ec: {  	[tilespmem:v3+s30+$0x0] =	vst.idx.add.f32.msk $0xffff, v2  }
0x2ed: {  	v3 =	vld [tilespmem:$0xF0];
	_ =	sdelay $0x4  }
0x2ee: {  	v3 =	vadd.s32 v1, v3;
	_ =	sdelay $0x4  }
0x2ef: {  	[tilespmem:v3+s30+$0x0] =	vst.idx.add.f32.msk $0xffff, v2  }
0x2f0: {  	v3 =	vld [tilespmem:$0x100];
	_ =	sdelay $0x4  }
0x2f1: {  	v3 =	vadd.s32 v1, v3;
	_ =	sdelay $0x4  }
0x2f2: {  	[tilespmem:v3+s30+$0x0] =	vst.idx.add.f32.msk $0xffff, v2  }
0x2f3: {  	v3 =	vld [tilespmem:$0x110];
	_ =	sdelay $0x4  }
0x2f4: {  	v3 =	vadd.s32 v1, v3;
	_ =	sdelay $0x4  }
0x2f5: {  	[tilespmem:v3+s30+$0x0] =	vst.idx.add.f32.msk $0xffff, v2  }
0x2f6: {  	v3 =	vld [tilespmem:$0x120];
	_ =	sdelay $0x4  }
0x2f7: {  	v3 =	vadd.s32 v1, v3;
	_ =	sdelay $0x4  }
0x2f8: {  	[tilespmem:v3+s30+$0x0] =	vst.idx.add.f32.msk $0xffff, v2  }
0x2f9: {  	v3 =	vld [tilespmem:$0x130];
	_ =	sdelay $0x4  }
0x2fa: {  	v3 =	vadd.s32 v1, v3;
	_ =	sdelay $0x4  }
0x2fb: {  	[tilespmem:v3+s30+$0x0] =	vst.idx.add.f32.msk $0xffff, v2  }
0x2fc: {  	v3 =	vld [tilespmem:$0x140];
	_ =	sdelay $0x4  }
0x2fd: {  	v3 =	vadd.s32 v1, v3;
	_ =	sdelay $0x4  }
0x2fe: {  	[tilespmem:v3+s30+$0x0] =	vst.idx.add.f32.msk $0xffff, v2  }
0x2ff: {  	v3 =	vld [tilespmem:$0x150];
	_ =	sdelay $0x4  }
0x300: {  	v3 =	vadd.s32 v1, v3;
	_ =	sdelay $0x4  }
0x301: {  	[tilespmem:v3+s30+$0x0] =	vst.idx.add.f32.msk $0xffff, v2  }
0x302: {  	v3 =	vld [tilespmem:$0x160];
	_ =	sdelay $0x4  }
0x303: {  	v3 =	vadd.s32 v1, v3;
	_ =	sdelay $0x4  }
0x304: {  	[tilespmem:v3+s30+$0x0] =	vst.idx.add.f32.msk $0xffff, v2  }
0x305: {  	v3 =	vld [tilespmem:$0x170];
	_ =	sdelay $0x4  }
0x306: {  	v3 =	vadd.s32 v1, v3;
	_ =	sdelay $0x4  }
0x307: {  	[tilespmem:v3+s30+$0x0] =	vst.idx.add.f32.msk $0xffff, v2  }
0x308: {  	v3 =	vld [tilespmem:$0x180];
	_ =	sdelay $0x4  }
0x309: {  	v3 =	vadd.s32 v1, v3;
	_ =	sdelay $0x4  }
0x30a: {  	[tilespmem:v3+s30+$0x0] =	vst.idx.add.f32.msk $0xffff, v2  }
0x30b: {  	v3 =	vld [tilespmem:$0x190];
	_ =	sdelay $0x4  }
0x30c: {  	v3 =	vadd.s32 v1, v3;
	_ =	sdelay $0x4  }
0x30d: {  	[tilespmem:v3+s30+$0x0] =	vst.idx.add.f32.msk $0xffff, v2  }
0x30e: {  	v3 =	vld [tilespmem:$0x1A0];
	_ =	sdelay $0x4  }
0x30f: {  	v3 =	vadd.s32 v1, v3;
	_ =	sdelay $0x4  }
0x310: {  	[tilespmem:v3+s30+$0x0] =	vst.idx.add.f32.msk $0xffff, v2  }
0x311: {  	v3 =	vld [tilespmem:$0x1B0];
	_ =	sdelay $0x4  }
0x312: {  	v3 =	vadd.s32 v1, v3;
	_ =	sdelay $0x4  }
0x313: {  	[tilespmem:v3+s30+$0x0] =	vst.idx.add.f32.msk $0xffff, v2  }
0x314: {  	v3 =	vld [tilespmem:$0x1C0];
	_ =	sdelay $0x4  }
0x315: {  	v3 =	vadd.s32 v1, v3;
	_ =	sdelay $0x4  }
0x316: {  	[tilespmem:v3+s30+$0x0] =	vst.idx.add.f32.msk $0xffff, v2  }
0x317: {  	v3 =	vld [tilespmem:$0x1D0];
	_ =	sdelay $0x4  }
0x318: {  	v3 =	vadd.s32 v1, v3;
	_ =	sdelay $0x4  }
0x319: {  	[tilespmem:v3+s30+$0x0] =	vst.idx.add.f32.msk $0xffff, v2  }
0x31a: {  	v3 =	vld [tilespmem:$0x1E0];
	_ =	sdelay $0x4  }
0x31b: {  	v3 =	vadd.s32 v1, v3;
	_ =	sdelay $0x4  }
0x31c: {  	[tilespmem:v3+s30+$0x0] =	vst.idx.add.f32.msk $0xffff, v2  }
0x31d: {  	v3 =	vld [tilespmem:$0x1F0];
	_ =	sdelay $0x4  }
0x31e: {  	v3 =	vadd.s32 v1, v3;
	_ =	sdelay $0x3  }
0x31f: {  	s18 =	simm.s32 $0x0  }
0x320: {  	s18 =	sand.u32 $0x1F0, s18;
	[tilespmem:v3+s30+$0x0] =	vst.idx.add.f32.msk $0xffff, v2  }
0x321: {  	v3 =	vld [tilespmem:s18+$0x400]  }
0x322: {  	v4 =	vld [tilespmem:s30+$0x0];
	_ =	sdelay $0x1  }
0x323: {  	v5 =	vld [tilespmem:s18+$0x600];
	_ =	sdelay $0x1  }
0x324: {  	v6 =	vld [tilespmem:s18+$0x800]  }
0x325: {  	v3 =	vadd.f32 v3, v4  }
0x326: {  	v4 =	vld [tilespmem:s18+$0xA00]  }
0x327: {  	v3 =	vadd.f32 v5, v3  }
0x328: {  	v5 =	vld [tilespmem:s18+$0xC00]  }
0x329: {  	v3 =	vadd.f32 v6, v3  }
0x32a: {  	v60 =	vld [tilespmem:s18+$0xE00]  }
0x32b: {  	v3 =	vadd.f32 v4, v3  }
0x32c: {  	v4 =	vld [tilespmem:s18+$0x1000]  }
0x32d: {  	v3 =	vadd.f32 v5, v3  }
0x32e: {  	v5 =	vld [tilespmem:s18+$0x1200]  }
0x32f: {  	v3 =	vadd.f32 v60, v3  }
0x330: {  	v61 =	vld [tilespmem:s18+$0x1400]  }
0x331: {  	v3 =	vadd.f32 v4, v3  }
0x332: {  	v4 =	vld [tilespmem:s18+$0x1600]  }
0x333: {  	v3 =	vadd.f32 v5, v3  }
0x334: {  	v5 =	vld [tilespmem:s18+$0x1800]  }
0x335: {  	v3 =	vadd.f32 v61, v3  }
0x336: {  	v62 =	vld [tilespmem:s18+$0x1A00]  }
0x337: {  	v3 =	vadd.f32 v4, v3  }
0x338: {  	v4 =	vld [tilespmem:s18+$0x1C00]  }
0x339: {  	v3 =	vadd.f32 v5, v3  }
0x33a: {  	v5 =	vld [tilespmem:s18+$0x1E00]  }
0x33b: {  	v3 =	vadd.f32 v62, v3  }
0x33c: {  	v63 =	vld [tilespmem:s18+$0x2000]  }
0x33d: {  	v3 =	vadd.f32 v4, v3;
	_ =	sdelay $0x1  }
0x33e: {  	v3 =	vadd.f32 v5, v3;
	_ =	sdelay $0x1  }
0x33f: {  	v3 =	vadd.f32 v63, v3  }
0x340: {  	s17 =	simm.s32 $0x2200;
	s31 =	simm.s32 $0x10  }
0x341: {  	s18 =	sand.u32 $0x1F0, s31;
	[tilespmem:s17+$0x0] =	vst v3  }
0x342: {  	s20 =	simm.s32 $0x20;
	s19 =	simm.s32 $0x210;
	v3 =	vld [tilespmem:s18+$0x400]  }
.LBB2_16:
0x343: {  	p0 =	sne.s32 s20, $0x1F0;
	v4 =	vld [tilespmem:s19+$0x0];
	_ =	sdelay $0x1  }
0x344: {  	v5 =	vld [tilespmem:s18+$0x600];
	_ =	sdelay $0x1  }
0x345: {  	v6 =	vld [tilespmem:s18+$0x800]  }
0x346: {  	v3 =	vadd.f32 v3, v4  }
0x347: {  	v4 =	vld [tilespmem:s18+$0xA00]  }
0x348: {  	v3 =	vadd.f32 v5, v3  }
0x349: {  	v5 =	vld [tilespmem:s18+$0xC00]  }
0x34a: {  	v3 =	vadd.f32 v6, v3  }
0x34b: {  	v6 =	vld [tilespmem:s18+$0xE00]  }
0x34c: {  	v3 =	vadd.f32 v4, v3  }
0x34d: {  	v4 =	vld [tilespmem:s18+$0x1000]  }
0x34e: {  	v3 =	vadd.f32 v5, v3  }
0x34f: {  	v5 =	vld [tilespmem:s18+$0x1200]  }
0x350: {  	v3 =	vadd.f32 v6, v3  }
0x351: {  	v6 =	vld [tilespmem:s18+$0x1400]  }
0x352: {  	v3 =	vadd.f32 v4, v3  }
0x353: {  	v4 =	vld [tilespmem:s18+$0x1600]  }
0x354: {  	v3 =	vadd.f32 v5, v3  }
0x355: {  	v5 =	vld [tilespmem:s18+$0x1800]  }
0x356: {  	v3 =	vadd.f32 v6, v3  }
0x357: {  	v6 =	vld [tilespmem:s18+$0x1A00]  }
0x358: {  	v3 =	vadd.f32 v4, v3  }
0x359: {  	v4 =	vld [tilespmem:s18+$0x1C00]  }
0x35a: {  	v3 =	vadd.f32 v5, v3  }
0x35b: {  	v5 =	vld [tilespmem:s18+$0x1E00]  }
0x35c: {  	v3 =	vadd.f32 v6, v3  }
0x35d: {  	v6 =	vld [tilespmem:s18+$0x2000]  }
0x35e: {  	v3 =	vadd.f32 v4, v3;
	_ =	sdelay $0x1  }
0x35f: {  	v3 =	vadd.f32 v5, v3  }
.Ltmp7:
0x360: {  	(pc) =	sbr.rel @p0 .LBB2_16-.Ltmp7, $4  }
0x361: {  	v3 =	vadd.f32 v6, v3  }
0x362: {  	s17 =	sadd.s32 $0x10, s17  }
0x363: {  	s18 =	sand.u32 $0x1F0, s20;
	[tilespmem:s17+$0x0] =	vst v3  }
0x364: {  	s19 =	sadd.s32 $0x10, s19;
	s20 =	sadd.s32 $0x10, s20;
	v3 =	vld [tilespmem:s18+$0x400]  }
0x365: {  	v4 =	vld [tilespmem:s19+$0x0];
	_ =	sdelay $0x1  }
0x366: {  	v5 =	vld [tilespmem:s18+$0x600];
	_ =	sdelay $0x1  }
0x367: {  	v6 =	vld [tilespmem:s18+$0x800]  }
0x368: {  	v3 =	vadd.f32 v3, v4  }
0x369: {  	v52 =	vld [tilespmem:s18+$0xA00]  }
0x36a: {  	v3 =	vadd.f32 v5, v3  }
0x36b: {  	v53 =	vld [tilespmem:s18+$0xC00]  }
0x36c: {  	v3 =	vadd.f32 v6, v3  }
0x36d: {  	v54 =	vld [tilespmem:s18+$0xE00]  }
0x36e: {  	v3 =	vadd.f32 v52, v3  }
0x36f: {  	v55 =	vld [tilespmem:s18+$0x1000]  }
0x370: {  	v3 =	vadd.f32 v53, v3  }
0x371: {  	v56 =	vld [tilespmem:s18+$0x1200]  }
0x372: {  	v3 =	vadd.f32 v54, v3  }
0x373: {  	v57 =	vld [tilespmem:s18+$0x1400]  }
0x374: {  	v3 =	vadd.f32 v55, v3  }
0x375: {  	v58 =	vld [tilespmem:s18+$0x1600]  }
0x376: {  	v3 =	vadd.f32 v56, v3  }
0x377: {  	v59 =	vld [tilespmem:s18+$0x1800]  }
0x378: {  	v3 =	vadd.f32 v57, v3  }
0x379: {  	v60 =	vld [tilespmem:s18+$0x1A00]  }
0x37a: {  	v3 =	vadd.f32 v58, v3  }
0x37b: {  	v61 =	vld [tilespmem:s18+$0x1C00]  }
0x37c: {  	v3 =	vadd.f32 v59, v3  }
0x37d: {  	v62 =	vld [tilespmem:s18+$0x1E00]  }
0x37e: {  	v3 =	vadd.f32 v60, v3  }
0x37f: {  	v63 =	vld [tilespmem:s18+$0x2000]  }
0x380: {  	v3 =	vadd.f32 v61, v3;
	_ =	sdelay $0x1  }
0x381: {  	v3 =	vadd.f32 v62, v3;
	_ =	sdelay $0x1  }
0x382: {  	s16 =	sadd.s32 $0x1, s16;
	v3 =	vadd.f32 v63, v3  }
0x383: {  	s17 =	sadd.s32 $0x10, s17;
	p0 =	sne.s32 s16, s11  }
.Ltmp8:
0x384: {  	[tilespmem:s17+$0x0] =	vst v3;
	(pc) =	sbr.rel @p0 .LBB2_1-.Ltmp8, $4  }
0x385: {  	[hbm4b:s10+s12] =	stream.strided.scatter [tilespmem:s15], [sflag:$0x1], $0x200, s13, s12, $0x38;
	[tilespmem:$0x2400] =	vst v63  }
0x386: {  	_ =	swait.ge [sflag:s14], $0x200  }
0x387: {  	[sflag:s14] =	ssyncset.done $0x0  }
0x388: {  	[sflag:s14] =	ssyncadd.s32 $0xFFFFFE00  }
0x389: {  	_ =	sfence.sel $0x180000  }
0x38a: {  	[bflag:$0x0] =	sbarrier.arrive $0xFFFF  }
0x38b: {  	p0 =	sne.s32 s2, $0x0;
	_ =	strace $0x90000047  }
0x38c: {  	s0 =	sadd.s32 @!p0 $0x100000, s0;
	[bflag:$0x2] =	sbarrier.arrive $0xFFFF  }
0x38d: {  	[sflag:s0] =	ssyncadd.tile.s32 @!p0 $0x1;
	_ =	shalt  }
.Lfunc_end2:
_tile_overlayer_lowered:
.L_overlay_start_2:
0x38e: {  	(tag) =	ssettag $0x2  }
0x38f: {  	s0 =	rddreg [dreg:$0x0];
	s2 =	stileid.u32  }
0x390: {  	s1 =	rddreg [dreg:$0x1];
	p0 =	sne.s32 s2, $0x0  }
0x391: {  	s3 =	rddreg [dreg:$0x2];
	[bflag:$0x3] =	sbarrier.arrive $0xFFFF;
	s2 =	simm.s32 @!p0 $0x1C01  }
0x392: {  	[timem:s3], [sflag:s2] =	dma.local @!p0 [hbm:s0], s1  }
0x393: {  	s0 =	simm.s32 @!p0 $0x1  }
0x394: {  	_ =	swait.ge @!p0 [sflag:s0], s1  }
0x395: {  	s1 =	ssub.s32 @!p0 $0x0, s1;
	[sflag:s0] =	ssyncset.done @!p0 $0x0  }
0x396: {  	[sflag:s0] =	ssyncadd.s32 @!p0 s1  }
0x397: {  	[bflag:$0x3] =	sbarrier.arrive $0xFFFF  }
0x398: {  	_ =	shalt  }

</sc_bundles>
